<compile_context>
chip_gen: v7x
topology: tpu7x:2x2x1
jax: 0.10.2.dev20260603
libtpu: 0.0.44.dev20260713+nightly
codegen_flags: <defaults>
</compile_context>

<pallas_src>
import jax
import jax.numpy as jnp
from jax import lax
from jax.experimental import pallas as pl
from jax.experimental.pallas import tpu as pltpu
from jax.experimental.pallas import tpu_sc as plsc

SEQ = 200
DIM = 64
BATCH = 4096
NUM_CORES = 2
NUM_SUBCORES = 16
NUM_WORKERS = NUM_CORES * NUM_SUBCORES
SEQ_PER_W = BATCH // NUM_WORKERS
G = 2
GROUP_ROWS = G * SEQ
NGROUPS = SEQ_PER_W // G
RING = 4
LANES = 16


def _body(table_hbm, idx_hbm, pos_hbm, out_hbm,
          pos_v, idx_bufs, row_bufs, isems, gsems, wsems):
  wid = lax.axis_index("s") * NUM_CORES + lax.axis_index("c")
  row0 = wid * (SEQ_PER_W * SEQ)

  pltpu.sync_copy(pos_hbm, pos_v)

  def idx_start(g, j):
    pltpu.async_copy(
        idx_hbm.at[pl.ds(row0 + g * GROUP_ROWS, GROUP_ROWS)],
        idx_bufs[j], isems[j])

  def idx_wait(j):
    pltpu.make_async_copy(
        idx_hbm.at[pl.ds(row0, GROUP_ROWS)], idx_bufs[j], isems[j]).wait()

  def gather_start(j):
    pltpu.async_copy(table_hbm.at[idx_bufs[j]], row_bufs[j], gsems[j],
                     add=True)

  def gather_wait(j):
    pltpu.make_async_copy(
        table_hbm.at[idx_bufs[j]], row_bufs[j], gsems[j]).wait()

  def wb_start(g, j):
    pltpu.async_copy(
        row_bufs[j],
        out_hbm.at[pl.ds(row0 + g * GROUP_ROWS, GROUP_ROWS)], wsems[j])

  def wb_wait(j):
    pltpu.make_async_copy(
        row_bufs[j], out_hbm.at[pl.ds(row0, GROUP_ROWS)], wsems[j]).wait()

  def fill_pos(j):
    rows = row_bufs[j]

    def row_fn(r, _):
      for k in range(DIM // LANES):
        sl = pl.ds(k * LANES, LANES)
        p = pos_v[r, sl]
        rows[r, sl] = p
        rows[SEQ + r, sl] = p
      return 0

    lax.fori_loop(0, SEQ, row_fn, 0, unroll=2)

  def step(g, j, *, first_wb_wait, prefetch, stage_idx):
    gather_wait(j)
    wb_start(g, j)
    if prefetch:
      j2 = (j + 2) % RING
      if first_wb_wait:
        wb_wait(j2)
      idx_wait(j2)
      fill_pos(j2)
      gather_start(j2)
    if stage_idx:
      idx_start(g + RING, j)

  for j in range(RING):
    idx_start(j, j)
  for j in range(2):
    idx_wait(j)
    fill_pos(j)
    gather_start(j)

  step(0, 0, first_wb_wait=False, prefetch=True, stage_idx=True)
  step(1, 1, first_wb_wait=False, prefetch=True, stage_idx=True)
  step(2, 2, first_wb_wait=True, prefetch=True, stage_idx=True)
  step(3, 3, first_wb_wait=True, prefetch=True, stage_idx=True)

  def outer(i, _):
    for j in range(RING):
      step(4 * i + j, j, first_wb_wait=True, prefetch=True, stage_idx=True)
    return 0

  lax.fori_loop(1, NGROUPS // RING - 1, outer, 0)

  step(NGROUPS - 4, 0, first_wb_wait=True, prefetch=True, stage_idx=False)
  step(NGROUPS - 3, 1, first_wb_wait=True, prefetch=True, stage_idx=False)
  step(NGROUPS - 2, 2, first_wb_wait=True, prefetch=False, stage_idx=False)
  step(NGROUPS - 1, 3, first_wb_wait=True, prefetch=False, stage_idx=False)

  for j in range(RING):
    wb_wait(j)


@jax.jit
def _run(inputs_flat, token_table, pos_table):
  mesh = plsc.VectorSubcoreMesh(core_axis_name="c", subcore_axis_name="s")
  kfn = pl.kernel(
      _body,
      out_type=jax.ShapeDtypeStruct((BATCH * SEQ, DIM), jnp.float32),
      mesh=mesh,
      scratch_types=[
          pltpu.VMEM((SEQ, DIM), jnp.float32),
          [pltpu.VMEM((GROUP_ROWS,), jnp.int32)] * RING,
          [pltpu.VMEM((GROUP_ROWS, DIM), jnp.float32)] * RING,
          [pltpu.SemaphoreType.DMA] * RING,
          [pltpu.SemaphoreType.DMA] * RING,
          [pltpu.SemaphoreType.DMA] * RING,
      ],
      compiler_params=pltpu.CompilerParams(use_tc_tiling_on_sc=False),
  )
  return kfn(token_table, inputs_flat, pos_table)


def kernel(inputs, token_table, pos_table):
  inputs_flat = inputs.reshape(BATCH * SEQ)
  out = _run(inputs_flat, token_table, pos_table)
  return out.reshape(BATCH, SEQ, DIM)

# --- scband reference (transcript-rebuilt; emitter-appended) ---
"""Pipeline reference for scband-positional-embedding-12850542150196 (READ-ONLY COPY).

The authoritative reference and input builder live on the scoring server;
editing this copy changes nothing except your own understanding.
"""

import jax, jax.numpy as jnp
import numpy as np

SEQ_LEN = 200
VOCAB = 100000
DIM = 64
BATCH = 4096

def setup_inputs(seed: int = 0) -> dict:
    key = jax.random.key(seed)
    k1, k2, k3 = jax.random.split(key, 3)
    inputs = jax.random.randint(k1, (BATCH, SEQ_LEN), 0, VOCAB, dtype=jnp.int64 if jax.config.jax_enable_x64 else jnp.int32).astype(jnp.int32)
    token_table = jax.random.normal(k2, (VOCAB, DIM), dtype=jnp.float32) * 0.02
    pos_table = jax.random.normal(k3, (SEQ_LEN, DIM), dtype=jnp.float32) * 0.02
    return {"inputs": inputs, "token_table": token_table, "pos_table": pos_table}

def reference(inputs, token_table, pos_table):
    # token embedding lookup
    embedded_tokens = jnp.take(token_table, inputs, axis=0)  # [B, L, D]
    length = inputs.shape[-1]
    positions = jnp.arange(length)
    embedded_positions = jnp.take(pos_table, positions, axis=0)  # [L, D]
    return embedded_tokens + embedded_positions[None, :, :]

if __name__ == "__main__":
    import jax
    _d = setup_inputs()
    print(jax.jit(kernel)(*tuple(_d.values())))

</pallas_src>

<mosaic_0001>
#map = affine_map<(d0, d1) -> (0, 0)>
#map1 = affine_map<(d0, d1) -> (0)>
module attributes {stable_mosaic.version = 14 : i64} {
  func.func @_body(%arg0: i32, %arg1: i32, %arg2: memref<100000x64xf32, #tpu.memory_space<hbm>>, %arg3: memref<819200xi32, #tpu.memory_space<hbm>>, %arg4: memref<200x64xf32, #tpu.memory_space<hbm>>, %arg5: memref<819200x64xf32, #tpu.memory_space<hbm>>, %arg6: memref<200x64xf32, #tpu.memory_space<vmem>>, %arg7: memref<400xi32, #tpu.memory_space<vmem>>, %arg8: memref<400xi32, #tpu.memory_space<vmem>>, %arg9: memref<400xi32, #tpu.memory_space<vmem>>, %arg10: memref<400xi32, #tpu.memory_space<vmem>>, %arg11: memref<400x64xf32, #tpu.memory_space<vmem>>, %arg12: memref<400x64xf32, #tpu.memory_space<vmem>>, %arg13: memref<400x64xf32, #tpu.memory_space<vmem>>, %arg14: memref<400x64xf32, #tpu.memory_space<vmem>>, %arg15: memref<!tpu.dma_semaphore, #tpu.memory_space<semaphore_mem>>, %arg16: memref<!tpu.dma_semaphore, #tpu.memory_space<semaphore_mem>>, %arg17: memref<!tpu.dma_semaphore, #tpu.memory_space<semaphore_mem>>, %arg18: memref<!tpu.dma_semaphore, #tpu.memory_space<semaphore_mem>>, %arg19: memref<!tpu.dma_semaphore, #tpu.memory_space<semaphore_mem>>, %arg20: memref<!tpu.dma_semaphore, #tpu.memory_space<semaphore_mem>>, %arg21: memref<!tpu.dma_semaphore, #tpu.memory_space<semaphore_mem>>, %arg22: memref<!tpu.dma_semaphore, #tpu.memory_space<semaphore_mem>>, %arg23: memref<!tpu.dma_semaphore, #tpu.memory_space<semaphore_mem>>, %arg24: memref<!tpu.dma_semaphore, #tpu.memory_space<semaphore_mem>>, %arg25: memref<!tpu.dma_semaphore, #tpu.memory_space<semaphore_mem>>, %arg26: memref<!tpu.dma_semaphore, #tpu.memory_space<semaphore_mem>>) attributes {dimension_semantics = [#tpu.dimension_semantics<core_parallel>, #tpu.dimension_semantics<subcore_parallel>], iteration_bounds = array<i64: 2, 16>, scalar_prefetch = 0 : i64, scratch_operands = 21 : i64, tpu.core_type = #tpu.core_type<sc_vector_subcore>, window_params = [{transform_indices = #map}, {transform_indices = #map1}, {transform_indices = #map}, {transform_indices = #map}]} {
    %mul3A = arith.constant 2 : i32
    %mul3A_0 = arith.muli %arg1, %mul3A : i32
    %add3A = arith.addi %mul3A_0, %arg0 : i32
    %mul3A_1 = arith.constant 25600 : i32
    %mul3A_2 = arith.muli %add3A, %mul3A_1 : i32
    "tpu.region"() ({
      %run_scoped3A = tpu.sem_alloc : memref<!tpu.dma_semaphore, #tpu.memory_space<semaphore_mem>>
      tpu.enqueue_dma source(%arg4 : memref<200x64xf32, #tpu.memory_space<hbm>>) target(%arg6 : memref<200x64xf32, #tpu.memory_space<vmem>>) target_semaphore(%run_scoped3A : memref<!tpu.dma_semaphore, #tpu.memory_space<semaphore_mem>>)
      tpu.wait_dma2 semaphore(%run_scoped3A : memref<!tpu.dma_semaphore, #tpu.memory_space<semaphore_mem>>) src(%arg4 : memref<200x64xf32, #tpu.memory_space<hbm>>) dst(%arg6 : memref<200x64xf32, #tpu.memory_space<vmem>>)
      tpu.yield
    }) : () -> ()
    %add3A_3 = arith.constant 0 : i32
    %add3A_4 = arith.addi %mul3A_2, %add3A_3 : i32
    %dma_start3A = tpu.memref_slice %arg3[%add3A_4] : memref<819200xi32, #tpu.memory_space<hbm>> -> memref<400xi32, #tpu.memory_space<hbm>>
    %dma_start3A_5 = tpu.memref_slice %arg3[%add3A_4] : memref<819200xi32, #tpu.memory_space<hbm>> -> memref<400xi32, #tpu.memory_space<hbm>>
    tpu.enqueue_dma source(%dma_start3A_5 : memref<400xi32, #tpu.memory_space<hbm>>) target(%arg7 : memref<400xi32, #tpu.memory_space<vmem>>) target_semaphore(%arg15 : memref<!tpu.dma_semaphore, #tpu.memory_space<semaphore_mem>>)
    %add3A_6 = arith.constant 400 : i32
    %add3A_7 = arith.addi %mul3A_2, %add3A_6 : i32
    %dma_start3A_8 = tpu.memref_slice %arg3[%add3A_7] : memref<819200xi32, #tpu.memory_space<hbm>> -> memref<400xi32, #tpu.memory_space<hbm>>
    %dma_start3A_9 = tpu.memref_slice %arg3[%add3A_7] : memref<819200xi32, #tpu.memory_space<hbm>> -> memref<400xi32, #tpu.memory_space<hbm>>
    tpu.enqueue_dma source(%dma_start3A_9 : memref<400xi32, #tpu.memory_space<hbm>>) target(%arg8 : memref<400xi32, #tpu.memory_space<vmem>>) target_semaphore(%arg16 : memref<!tpu.dma_semaphore, #tpu.memory_space<semaphore_mem>>)
    %add3A_10 = arith.constant 800 : i32
    %add3A_11 = arith.addi %mul3A_2, %add3A_10 : i32
    %dma_start3A_12 = tpu.memref_slice %arg3[%add3A_11] : memref<819200xi32, #tpu.memory_space<hbm>> -> memref<400xi32, #tpu.memory_space<hbm>>
    %dma_start3A_13 = tpu.memref_slice %arg3[%add3A_11] : memref<819200xi32, #tpu.memory_space<hbm>> -> memref<400xi32, #tpu.memory_space<hbm>>
    tpu.enqueue_dma source(%dma_start3A_13 : memref<400xi32, #tpu.memory_space<hbm>>) target(%arg9 : memref<400xi32, #tpu.memory_space<vmem>>) target_semaphore(%arg17 : memref<!tpu.dma_semaphore, #tpu.memory_space<semaphore_mem>>)
    %add3A_14 = arith.constant 1200 : i32
    %add3A_15 = arith.addi %mul3A_2, %add3A_14 : i32
    %dma_start3A_16 = tpu.memref_slice %arg3[%add3A_15] : memref<819200xi32, #tpu.memory_space<hbm>> -> memref<400xi32, #tpu.memory_space<hbm>>
    %dma_start3A_17 = tpu.memref_slice %arg3[%add3A_15] : memref<819200xi32, #tpu.memory_space<hbm>> -> memref<400xi32, #tpu.memory_space<hbm>>
    tpu.enqueue_dma source(%dma_start3A_17 : memref<400xi32, #tpu.memory_space<hbm>>) target(%arg10 : memref<400xi32, #tpu.memory_space<vmem>>) target_semaphore(%arg18 : memref<!tpu.dma_semaphore, #tpu.memory_space<semaphore_mem>>)
    %dma_wait3A = tpu.memref_slice %arg3[%mul3A_2] : memref<819200xi32, #tpu.memory_space<hbm>> -> memref<400xi32, #tpu.memory_space<hbm>>
    %dma_wait3A_18 = tpu.memref_slice %arg3[%mul3A_2] : memref<819200xi32, #tpu.memory_space<hbm>> -> memref<400xi32, #tpu.memory_space<hbm>>
    tpu.wait_dma2 semaphore(%arg15 : memref<!tpu.dma_semaphore, #tpu.memory_space<semaphore_mem>>) src(%dma_wait3A_18 : memref<400xi32, #tpu.memory_space<hbm>>) dst(%arg7 : memref<400xi32, #tpu.memory_space<vmem>>)
    %scan3A = arith.constant 0 : i32
    %scan3A_19 = arith.constant 0 : i32
    %scan3A_20 = arith.constant 200 : i32
    %scan3A_21 = arith.addi %scan3A_19, %scan3A_20 : i32
    %scan3A_22 = arith.constant 2 : i32
    %scan3A_23 = scf.for %scan3A_239 = %scan3A_19 to %scan3A_21 step %scan3A_22 iter_args(%scan3A_240 = %scan3A) -> (i32)  : i32 {
      %get3A = arith.index_cast %scan3A_239 : i32 to index
      %get3A_241 = arith.constant 0 : index
      %get3A_242 = tpu.vector_load %arg6[%get3A, %get3A_241] {strides = array<i32>} : memref<200x64xf32, #tpu.memory_space<vmem>>, vector<1x16xf32>,
      %get3A_243 = vector.shape_cast %get3A_242 : vector<1x16xf32> to vector<16xf32>
      %swap3A = arith.index_cast %scan3A_239 : i32 to index
      %swap3A_244 = arith.constant 0 : index
      %swap3A_245 = tpu.vector_load %arg11[%swap3A, %swap3A_244] {strides = array<i32>} : memref<400x64xf32, #tpu.memory_space<vmem>>, vector<1x16xf32>,
      %swap3A_246 = vector.shape_cast %swap3A_245 : vector<1x16xf32> to vector<16xf32>
      %swap3A_247 = vector.shape_cast %get3A_243 : vector<16xf32> to vector<1x16xf32>
      tpu.vector_store %arg11[%swap3A, %swap3A_244], %swap3A_247 {strides = array<i32>} : memref<400x64xf32, #tpu.memory_space<vmem>>, vector<1x16xf32>,
      %add3A_248 = arith.constant 200 : i32
      %add3A_249 = arith.addi %add3A_248, %scan3A_239 : i32
      %swap3A_250 = arith.index_cast %add3A_249 : i32 to index
      %swap3A_251 = arith.constant 0 : index
      %swap3A_252 = tpu.vector_load %arg11[%swap3A_250, %swap3A_251] {strides = array<i32>} : memref<400x64xf32, #tpu.memory_space<vmem>>, vector<1x16xf32>,
      %swap3A_253 = vector.shape_cast %swap3A_252 : vector<1x16xf32> to vector<16xf32>
      %swap3A_254 = vector.shape_cast %get3A_243 : vector<16xf32> to vector<1x16xf32>
      tpu.vector_store %arg11[%swap3A_250, %swap3A_251], %swap3A_254 {strides = array<i32>} : memref<400x64xf32, #tpu.memory_space<vmem>>, vector<1x16xf32>,
      %get3A_255 = arith.index_cast %scan3A_239 : i32 to index
      %get3A_256 = arith.constant 16 : index
      %get3A_257 = tpu.vector_load %arg6[%get3A_255, %get3A_256] {strides = array<i32>} : memref<200x64xf32, #tpu.memory_space<vmem>>, vector<1x16xf32>,
      %get3A_258 = vector.shape_cast %get3A_257 : vector<1x16xf32> to vector<16xf32>
      %swap3A_259 = arith.index_cast %scan3A_239 : i32 to index
      %swap3A_260 = arith.constant 16 : index
      %swap3A_261 = tpu.vector_load %arg11[%swap3A_259, %swap3A_260] {strides = array<i32>} : memref<400x64xf32, #tpu.memory_space<vmem>>, vector<1x16xf32>,
      %swap3A_262 = vector.shape_cast %swap3A_261 : vector<1x16xf32> to vector<16xf32>
      %swap3A_263 = vector.shape_cast %get3A_258 : vector<16xf32> to vector<1x16xf32>
      tpu.vector_store %arg11[%swap3A_259, %swap3A_260], %swap3A_263 {strides = array<i32>} : memref<400x64xf32, #tpu.memory_space<vmem>>, vector<1x16xf32>,
      %add3A_264 = arith.constant 200 : i32
      %add3A_265 = arith.addi %add3A_264, %scan3A_239 : i32
      %swap3A_266 = arith.index_cast %add3A_265 : i32 to index
      %swap3A_267 = arith.constant 16 : index
      %swap3A_268 = tpu.vector_load %arg11[%swap3A_266, %swap3A_267] {strides = array<i32>} : memref<400x64xf32, #tpu.memory_space<vmem>>, vector<1x16xf32>,
      %swap3A_269 = vector.shape_cast %swap3A_268 : vector<1x16xf32> to vector<16xf32>
      %swap3A_270 = vector.shape_cast %get3A_258 : vector<16xf32> to vector<1x16xf32>
      tpu.vector_store %arg11[%swap3A_266, %swap3A_267], %swap3A_270 {strides = array<i32>} : memref<400x64xf32, #tpu.memory_space<vmem>>, vector<1x16xf32>,
      %get3A_271 = arith.index_cast %scan3A_239 : i32 to index
      %get3A_272 = arith.constant 32 : index
      %get3A_273 = tpu.vector_load %arg6[%get3A_271, %get3A_272] {strides = array<i32>} : memref<200x64xf32, #tpu.memory_space<vmem>>, vector<1x16xf32>,
      %get3A_274 = vector.shape_cast %get3A_273 : vector<1x16xf32> to vector<16xf32>
      %swap3A_275 = arith.index_cast %scan3A_239 : i32 to index
      %swap3A_276 = arith.constant 32 : index
      %swap3A_277 = tpu.vector_load %arg11[%swap3A_275, %swap3A_276] {strides = array<i32>} : memref<400x64xf32, #tpu.memory_space<vmem>>, vector<1x16xf32>,
      %swap3A_278 = vector.shape_cast %swap3A_277 : vector<1x16xf32> to vector<16xf32>
      %swap3A_279 = vector.shape_cast %get3A_274 : vector<16xf32> to vector<1x16xf32>
      tpu.vector_store %arg11[%swap3A_275, %swap3A_276], %swap3A_279 {strides = array<i32>} : memref<400x64xf32, #tpu.memory_space<vmem>>, vector<1x16xf32>,
      %add3A_280 = arith.constant 200 : i32
      %add3A_281 = arith.addi %add3A_280, %scan3A_239 : i32
      %swap3A_282 = arith.index_cast %add3A_281 : i32 to index
      %swap3A_283 = arith.constant 32 : index
      %swap3A_284 = tpu.vector_load %arg11[%swap3A_282, %swap3A_283] {strides = array<i32>} : memref<400x64xf32, #tpu.memory_space<vmem>>, vector<1x16xf32>,
      %swap3A_285 = vector.shape_cast %swap3A_284 : vector<1x16xf32> to vector<16xf32>
      %swap3A_286 = vector.shape_cast %get3A_274 : vector<16xf32> to vector<1x16xf32>
      tpu.vector_store %arg11[%swap3A_282, %swap3A_283], %swap3A_286 {strides = array<i32>} : memref<400x64xf32, #tpu.memory_space<vmem>>, vector<1x16xf32>,
      %get3A_287 = arith.index_cast %scan3A_239 : i32 to index
      %get3A_288 = arith.constant 48 : index
      %get3A_289 = tpu.vector_load %arg6[%get3A_287, %get3A_288] {strides = array<i32>} : memref<200x64xf32, #tpu.memory_space<vmem>>, vector<1x16xf32>,
      %get3A_290 = vector.shape_cast %get3A_289 : vector<1x16xf32> to vector<16xf32>
      %swap3A_291 = arith.index_cast %scan3A_239 : i32 to index
      %swap3A_292 = arith.constant 48 : index
      %swap3A_293 = tpu.vector_load %arg11[%swap3A_291, %swap3A_292] {strides = array<i32>} : memref<400x64xf32, #tpu.memory_space<vmem>>, vector<1x16xf32>,
      %swap3A_294 = vector.shape_cast %swap3A_293 : vector<1x16xf32> to vector<16xf32>
      %swap3A_295 = vector.shape_cast %get3A_290 : vector<16xf32> to vector<1x16xf32>
      tpu.vector_store %arg11[%swap3A_291, %swap3A_292], %swap3A_295 {strides = array<i32>} : memref<400x64xf32, #tpu.memory_space<vmem>>, vector<1x16xf32>,
      %add3A_296 = arith.constant 200 : i32
      %add3A_297 = arith.addi %add3A_296, %scan3A_239 : i32
      %swap3A_298 = arith.index_cast %add3A_297 : i32 to index
      %swap3A_299 = arith.constant 48 : index
      %swap3A_300 = tpu.vector_load %arg11[%swap3A_298, %swap3A_299] {strides = array<i32>} : memref<400x64xf32, #tpu.memory_space<vmem>>, vector<1x16xf32>,
      %swap3A_301 = vector.shape_cast %swap3A_300 : vector<1x16xf32> to vector<16xf32>
      %swap3A_302 = vector.shape_cast %get3A_290 : vector<16xf32> to vector<1x16xf32>
      tpu.vector_store %arg11[%swap3A_298, %swap3A_299], %swap3A_302 {strides = array<i32>} : memref<400x64xf32, #tpu.memory_space<vmem>>, vector<1x16xf32>,
      %scan3A_303 = arith.constant 0 : i32
      %scan3A_304 = arith.constant 1 : i32
      %scan3A_305 = arith.addi %scan3A_239, %scan3A_304 : i32
      %get3A_306 = arith.index_cast %scan3A_305 : i32 to index
      %get3A_307 = arith.constant 0 : index
      %get3A_308 = tpu.vector_load %arg6[%get3A_306, %get3A_307] {strides = array<i32>} : memref<200x64xf32, #tpu.memory_space<vmem>>, vector<1x16xf32>,
      %get3A_309 = vector.shape_cast %get3A_308 : vector<1x16xf32> to vector<16xf32>
      %swap3A_310 = arith.index_cast %scan3A_305 : i32 to index
      %swap3A_311 = arith.constant 0 : index
      %swap3A_312 = tpu.vector_load %arg11[%swap3A_310, %swap3A_311] {strides = array<i32>} : memref<400x64xf32, #tpu.memory_space<vmem>>, vector<1x16xf32>,
      %swap3A_313 = vector.shape_cast %swap3A_312 : vector<1x16xf32> to vector<16xf32>
      %swap3A_314 = vector.shape_cast %get3A_309 : vector<16xf32> to vector<1x16xf32>
      tpu.vector_store %arg11[%swap3A_310, %swap3A_311], %swap3A_314 {strides = array<i32>} : memref<400x64xf32, #tpu.memory_space<vmem>>, vector<1x16xf32>,
      %add3A_315 = arith.constant 200 : i32
      %add3A_316 = arith.addi %add3A_315, %scan3A_305 : i32
      %swap3A_317 = arith.index_cast %add3A_316 : i32 to index
      %swap3A_318 = arith.constant 0 : index
      %swap3A_319 = tpu.vector_load %arg11[%swap3A_317, %swap3A_318] {strides = array<i32>} : memref<400x64xf32, #tpu.memory_space<vmem>>, vector<1x16xf32>,
      %swap3A_320 = vector.shape_cast %swap3A_319 : vector<1x16xf32> to vector<16xf32>
      %swap3A_321 = vector.shape_cast %get3A_309 : vector<16xf32> to vector<1x16xf32>
      tpu.vector_store %arg11[%swap3A_317, %swap3A_318], %swap3A_321 {strides = array<i32>} : memref<400x64xf32, #tpu.memory_space<vmem>>, vector<1x16xf32>,
      %get3A_322 = arith.index_cast %scan3A_305 : i32 to index
      %get3A_323 = arith.constant 16 : index
      %get3A_324 = tpu.vector_load %arg6[%get3A_322, %get3A_323] {strides = array<i32>} : memref<200x64xf32, #tpu.memory_space<vmem>>, vector<1x16xf32>,
      %get3A_325 = vector.shape_cast %get3A_324 : vector<1x16xf32> to vector<16xf32>
      %swap3A_326 = arith.index_cast %scan3A_305 : i32 to index
      %swap3A_327 = arith.constant 16 : index
      %swap3A_328 = tpu.vector_load %arg11[%swap3A_326, %swap3A_327] {strides = array<i32>} : memref<400x64xf32, #tpu.memory_space<vmem>>, vector<1x16xf32>,
      %swap3A_329 = vector.shape_cast %swap3A_328 : vector<1x16xf32> to vector<16xf32>
      %swap3A_330 = vector.shape_cast %get3A_325 : vector<16xf32> to vector<1x16xf32>
      tpu.vector_store %arg11[%swap3A_326, %swap3A_327], %swap3A_330 {strides = array<i32>} : memref<400x64xf32, #tpu.memory_space<vmem>>, vector<1x16xf32>,
      %add3A_331 = arith.constant 200 : i32
      %add3A_332 = arith.addi %add3A_331, %scan3A_305 : i32
      %swap3A_333 = arith.index_cast %add3A_332 : i32 to index
      %swap3A_334 = arith.constant 16 : index
      %swap3A_335 = tpu.vector_load %arg11[%swap3A_333, %swap3A_334] {strides = array<i32>} : memref<400x64xf32, #tpu.memory_space<vmem>>, vector<1x16xf32>,
      %swap3A_336 = vector.shape_cast %swap3A_335 : vector<1x16xf32> to vector<16xf32>
      %swap3A_337 = vector.shape_cast %get3A_325 : vector<16xf32> to vector<1x16xf32>
      tpu.vector_store %arg11[%swap3A_333, %swap3A_334], %swap3A_337 {strides = array<i32>} : memref<400x64xf32, #tpu.memory_space<vmem>>, vector<1x16xf32>,
      %get3A_338 = arith.index_cast %scan3A_305 : i32 to index
      %get3A_339 = arith.constant 32 : index
      %get3A_340 = tpu.vector_load %arg6[%get3A_338, %get3A_339] {strides = array<i32>} : memref<200x64xf32, #tpu.memory_space<vmem>>, vector<1x16xf32>,
      %get3A_341 = vector.shape_cast %get3A_340 : vector<1x16xf32> to vector<16xf32>
      %swap3A_342 = arith.index_cast %scan3A_305 : i32 to index
      %swap3A_343 = arith.constant 32 : index
      %swap3A_344 = tpu.vector_load %arg11[%swap3A_342, %swap3A_343] {strides = array<i32>} : memref<400x64xf32, #tpu.memory_space<vmem>>, vector<1x16xf32>,
      %swap3A_345 = vector.shape_cast %swap3A_344 : vector<1x16xf32> to vector<16xf32>
      %swap3A_346 = vector.shape_cast %get3A_341 : vector<16xf32> to vector<1x16xf32>
      tpu.vector_store %arg11[%swap3A_342, %swap3A_343], %swap3A_346 {strides = array<i32>} : memref<400x64xf32, #tpu.memory_space<vmem>>, vector<1x16xf32>,
      %add3A_347 = arith.constant 200 : i32
      %add3A_348 = arith.addi %add3A_347, %scan3A_305 : i32
      %swap3A_349 = arith.index_cast %add3A_348 : i32 to index
      %swap3A_350 = arith.constant 32 : index
      %swap3A_351 = tpu.vector_load %arg11[%swap3A_349, %swap3A_350] {strides = array<i32>} : memref<400x64xf32, #tpu.memory_space<vmem>>, vector<1x16xf32>,
      %swap3A_352 = vector.shape_cast %swap3A_351 : vector<1x16xf32> to vector<16xf32>
      %swap3A_353 = vector.shape_cast %get3A_341 : vector<16xf32> to vector<1x16xf32>
      tpu.vector_store %arg11[%swap3A_349, %swap3A_350], %swap3A_353 {strides = array<i32>} : memref<400x64xf32, #tpu.memory_space<vmem>>, vector<1x16xf32>,
      %get3A_354 = arith.index_cast %scan3A_305 : i32 to index
      %get3A_355 = arith.constant 48 : index
      %get3A_356 = tpu.vector_load %arg6[%get3A_354, %get3A_355] {strides = array<i32>} : memref<200x64xf32, #tpu.memory_space<vmem>>, vector<1x16xf32>,
      %get3A_357 = vector.shape_cast %get3A_356 : vector<1x16xf32> to vector<16xf32>
      %swap3A_358 = arith.index_cast %scan3A_305 : i32 to index
      %swap3A_359 = arith.constant 48 : index
      %swap3A_360 = tpu.vector_load %arg11[%swap3A_358, %swap3A_359] {strides = array<i32>} : memref<400x64xf32, #tpu.memory_space<vmem>>, vector<1x16xf32>,
      %swap3A_361 = vector.shape_cast %swap3A_360 : vector<1x16xf32> to vector<16xf32>
      %swap3A_362 = vector.shape_cast %get3A_357 : vector<16xf32> to vector<1x16xf32>
      tpu.vector_store %arg11[%swap3A_358, %swap3A_359], %swap3A_362 {strides = array<i32>} : memref<400x64xf32, #tpu.memory_space<vmem>>, vector<1x16xf32>,
      %add3A_363 = arith.constant 200 : i32
      %add3A_364 = arith.addi %add3A_363, %scan3A_305 : i32
      %swap3A_365 = arith.index_cast %add3A_364 : i32 to index
      %swap3A_366 = arith.constant 48 : index
      %swap3A_367 = tpu.vector_load %arg11[%swap3A_365, %swap3A_366] {strides = array<i32>} : memref<400x64xf32, #tpu.memory_space<vmem>>, vector<1x16xf32>,
      %swap3A_368 = vector.shape_cast %swap3A_367 : vector<1x16xf32> to vector<16xf32>
      %swap3A_369 = vector.shape_cast %get3A_357 : vector<16xf32> to vector<1x16xf32>
      tpu.vector_store %arg11[%swap3A_365, %swap3A_366], %swap3A_369 {strides = array<i32>} : memref<400x64xf32, #tpu.memory_space<vmem>>, vector<1x16xf32>,
      %scan3A_370 = arith.constant 0 : i32
      scf.yield %scan3A_370 : i32
    }
    %scan3A_24 = arith.constant 200 : i32
    %dma_start3A_25 = arith.constant 0 : i32
    %dma_start3A_26 = arith.constant 0 : i32
    %dma_start3A_27 = tpu.memref_slice %arg2[%dma_start3A_25, %dma_start3A_26] : memref<100000x64xf32, #tpu.memory_space<hbm>> -> memref<100000x64xf32, #tpu.memory_space<hbm>>
    tpu.enqueue_indirect_dma source(%dma_start3A_27 : memref<100000x64xf32, #tpu.memory_space<hbm>>) target(%arg11 : memref<400x64xf32, #tpu.memory_space<vmem>>) offsets(%arg7 : memref<400xi32, #tpu.memory_space<vmem>>) semaphore(%arg19 : memref<!tpu.dma_semaphore, #tpu.memory_space<semaphore_mem>>) {add = true}
    %dma_wait3A_28 = tpu.memref_slice %arg3[%mul3A_2] : memref<819200xi32, #tpu.memory_space<hbm>> -> memref<400xi32, #tpu.memory_space<hbm>>
    %dma_wait3A_29 = tpu.memref_slice %arg3[%mul3A_2] : memref<819200xi32, #tpu.memory_space<hbm>> -> memref<400xi32, #tpu.memory_space<hbm>>
    tpu.wait_dma2 semaphore(%arg16 : memref<!tpu.dma_semaphore, #tpu.memory_space<semaphore_mem>>) src(%dma_wait3A_29 : memref<400xi32, #tpu.memory_space<hbm>>) dst(%arg8 : memref<400xi32, #tpu.memory_space<vmem>>)
    %scan3A_30 = arith.constant 0 : i32
    %scan3A_31 = arith.constant 0 : i32
    %scan3A_32 = arith.constant 200 : i32
    %scan3A_33 = arith.addi %scan3A_31, %scan3A_32 : i32
    %scan3A_34 = arith.constant 2 : i32
    %scan3A_35 = scf.for %scan3A_239 = %scan3A_31 to %scan3A_33 step %scan3A_34 iter_args(%scan3A_240 = %scan3A_30) -> (i32)  : i32 {
      %get3A = arith.index_cast %scan3A_239 : i32 to index
      %get3A_241 = arith.constant 0 : index
      %get3A_242 = tpu.vector_load %arg6[%get3A, %get3A_241] {strides = array<i32>} : memref<200x64xf32, #tpu.memory_space<vmem>>, vector<1x16xf32>,
      %get3A_243 = vector.shape_cast %get3A_242 : vector<1x16xf32> to vector<16xf32>
      %swap3A = arith.index_cast %scan3A_239 : i32 to index
      %swap3A_244 = arith.constant 0 : index
      %swap3A_245 = tpu.vector_load %arg12[%swap3A, %swap3A_244] {strides = array<i32>} : memref<400x64xf32, #tpu.memory_space<vmem>>, vector<1x16xf32>,
      %swap3A_246 = vector.shape_cast %swap3A_245 : vector<1x16xf32> to vector<16xf32>
      %swap3A_247 = vector.shape_cast %get3A_243 : vector<16xf32> to vector<1x16xf32>
      tpu.vector_store %arg12[%swap3A, %swap3A_244], %swap3A_247 {strides = array<i32>} : memref<400x64xf32, #tpu.memory_space<vmem>>, vector<1x16xf32>,
      %add3A_248 = arith.constant 200 : i32
      %add3A_249 = arith.addi %add3A_248, %scan3A_239 : i32
      %swap3A_250 = arith.index_cast %add3A_249 : i32 to index
      %swap3A_251 = arith.constant 0 : index
      %swap3A_252 = tpu.vector_load %arg12[%swap3A_250, %swap3A_251] {strides = array<i32>} : memref<400x64xf32, #tpu.memory_space<vmem>>, vector<1x16xf32>,
      %swap3A_253 = vector.shape_cast %swap3A_252 : vector<1x16xf32> to vector<16xf32>
      %swap3A_254 = vector.shape_cast %get3A_243 : vector<16xf32> to vector<1x16xf32>
      tpu.vector_store %arg12[%swap3A_250, %swap3A_251], %swap3A_254 {strides = array<i32>} : memref<400x64xf32, #tpu.memory_space<vmem>>, vector<1x16xf32>,
      %get3A_255 = arith.index_cast %scan3A_239 : i32 to index
      %get3A_256 = arith.constant 16 : index
      %get3A_257 = tpu.vector_load %arg6[%get3A_255, %get3A_256] {strides = array<i32>} : memref<200x64xf32, #tpu.memory_space<vmem>>, vector<1x16xf32>,
      %get3A_258 = vector.shape_cast %get3A_257 : vector<1x16xf32> to vector<16xf32>
      %swap3A_259 = arith.index_cast %scan3A_239 : i32 to index
      %swap3A_260 = arith.constant 16 : index
      %swap3A_261 = tpu.vector_load %arg12[%swap3A_259, %swap3A_260] {strides = array<i32>} : memref<400x64xf32, #tpu.memory_space<vmem>>, vector<1x16xf32>,
      %swap3A_262 = vector.shape_cast %swap3A_261 : vector<1x16xf32> to vector<16xf32>
      %swap3A_263 = vector.shape_cast %get3A_258 : vector<16xf32> to vector<1x16xf32>
      tpu.vector_store %arg12[%swap3A_259, %swap3A_260], %swap3A_263 {strides = array<i32>} : memref<400x64xf32, #tpu.memory_space<vmem>>, vector<1x16xf32>,
      %add3A_264 = arith.constant 200 : i32
      %add3A_265 = arith.addi %add3A_264, %scan3A_239 : i32
      %swap3A_266 = arith.index_cast %add3A_265 : i32 to index
      %swap3A_267 = arith.constant 16 : index
      %swap3A_268 = tpu.vector_load %arg12[%swap3A_266, %swap3A_267] {strides = array<i32>} : memref<400x64xf32, #tpu.memory_space<vmem>>, vector<1x16xf32>,
      %swap3A_269 = vector.shape_cast %swap3A_268 : vector<1x16xf32> to vector<16xf32>
      %swap3A_270 = vector.shape_cast %get3A_258 : vector<16xf32> to vector<1x16xf32>
      tpu.vector_store %arg12[%swap3A_266, %swap3A_267], %swap3A_270 {strides = array<i32>} : memref<400x64xf32, #tpu.memory_space<vmem>>, vector<1x16xf32>,
      %get3A_271 = arith.index_cast %scan3A_239 : i32 to index
      %get3A_272 = arith.constant 32 : index
      %get3A_273 = tpu.vector_load %arg6[%get3A_271, %get3A_272] {strides = array<i32>} : memref<200x64xf32, #tpu.memory_space<vmem>>, vector<1x16xf32>,
      %get3A_274 = vector.shape_cast %get3A_273 : vector<1x16xf32> to vector<16xf32>
      %swap3A_275 = arith.index_cast %scan3A_239 : i32 to index
      %swap3A_276 = arith.constant 32 : index
      %swap3A_277 = tpu.vector_load %arg12[%swap3A_275, %swap3A_276] {strides = array<i32>} : memref<400x64xf32, #tpu.memory_space<vmem>>, vector<1x16xf32>,
      %swap3A_278 = vector.shape_cast %swap3A_277 : vector<1x16xf32> to vector<16xf32>
      %swap3A_279 = vector.shape_cast %get3A_274 : vector<16xf32> to vector<1x16xf32>
      tpu.vector_store %arg12[%swap3A_275, %swap3A_276], %swap3A_279 {strides = array<i32>} : memref<400x64xf32, #tpu.memory_space<vmem>>, vector<1x16xf32>,
      %add3A_280 = arith.constant 200 : i32
      %add3A_281 = arith.addi %add3A_280, %scan3A_239 : i32
      %swap3A_282 = arith.index_cast %add3A_281 : i32 to index
      %swap3A_283 = arith.constant 32 : index
      %swap3A_284 = tpu.vector_load %arg12[%swap3A_282, %swap3A_283] {strides = array<i32>} : memref<400x64xf32, #tpu.memory_space<vmem>>, vector<1x16xf32>,
      %swap3A_285 = vector.shape_cast %swap3A_284 : vector<1x16xf32> to vector<16xf32>
      %swap3A_286 = vector.shape_cast %get3A_274 : vector<16xf32> to vector<1x16xf32>
      tpu.vector_store %arg12[%swap3A_282, %swap3A_283], %swap3A_286 {strides = array<i32>} : memref<400x64xf32, #tpu.memory_space<vmem>>, vector<1x16xf32>,
      %get3A_287 = arith.index_cast %scan3A_239 : i32 to index
      %get3A_288 = arith.constant 48 : index
      %get3A_289 = tpu.vector_load %arg6[%get3A_287, %get3A_288] {strides = array<i32>} : memref<200x64xf32, #tpu.memory_space<vmem>>, vector<1x16xf32>,
      %get3A_290 = vector.shape_cast %get3A_289 : vector<1x16xf32> to vector<16xf32>
      %swap3A_291 = arith.index_cast %scan3A_239 : i32 to index
      %swap3A_292 = arith.constant 48 : index
      %swap3A_293 = tpu.vector_load %arg12[%swap3A_291, %swap3A_292] {strides = array<i32>} : memref<400x64xf32, #tpu.memory_space<vmem>>, vector<1x16xf32>,
      %swap3A_294 = vector.shape_cast %swap3A_293 : vector<1x16xf32> to vector<16xf32>
      %swap3A_295 = vector.shape_cast %get3A_290 : vector<16xf32> to vector<1x16xf32>
      tpu.vector_store %arg12[%swap3A_291, %swap3A_292], %swap3A_295 {strides = array<i32>} : memref<400x64xf32, #tpu.memory_space<vmem>>, vector<1x16xf32>,
      %add3A_296 = arith.constant 200 : i32
      %add3A_297 = arith.addi %add3A_296, %scan3A_239 : i32
      %swap3A_298 = arith.index_cast %add3A_297 : i32 to index
      %swap3A_299 = arith.constant 48 : index
      %swap3A_300 = tpu.vector_load %arg12[%swap3A_298, %swap3A_299] {strides = array<i32>} : memref<400x64xf32, #tpu.memory_space<vmem>>, vector<1x16xf32>,
      %swap3A_301 = vector.shape_cast %swap3A_300 : vector<1x16xf32> to vector<16xf32>
      %swap3A_302 = vector.shape_cast %get3A_290 : vector<16xf32> to vector<1x16xf32>
      tpu.vector_store %arg12[%swap3A_298, %swap3A_299], %swap3A_302 {strides = array<i32>} : memref<400x64xf32, #tpu.memory_space<vmem>>, vector<1x16xf32>,
      %scan3A_303 = arith.constant 0 : i32
      %scan3A_304 = arith.constant 1 : i32
      %scan3A_305 = arith.addi %scan3A_239, %scan3A_304 : i32
      %get3A_306 = arith.index_cast %scan3A_305 : i32 to index
      %get3A_307 = arith.constant 0 : index
      %get3A_308 = tpu.vector_load %arg6[%get3A_306, %get3A_307] {strides = array<i32>} : memref<200x64xf32, #tpu.memory_space<vmem>>, vector<1x16xf32>,
      %get3A_309 = vector.shape_cast %get3A_308 : vector<1x16xf32> to vector<16xf32>
      %swap3A_310 = arith.index_cast %scan3A_305 : i32 to index
      %swap3A_311 = arith.constant 0 : index
      %swap3A_312 = tpu.vector_load %arg12[%swap3A_310, %swap3A_311] {strides = array<i32>} : memref<400x64xf32, #tpu.memory_space<vmem>>, vector<1x16xf32>,
      %swap3A_313 = vector.shape_cast %swap3A_312 : vector<1x16xf32> to vector<16xf32>
      %swap3A_314 = vector.shape_cast %get3A_309 : vector<16xf32> to vector<1x16xf32>
      tpu.vector_store %arg12[%swap3A_310, %swap3A_311], %swap3A_314 {strides = array<i32>} : memref<400x64xf32, #tpu.memory_space<vmem>>, vector<1x16xf32>,
      %add3A_315 = arith.constant 200 : i32
      %add3A_316 = arith.addi %add3A_315, %scan3A_305 : i32
      %swap3A_317 = arith.index_cast %add3A_316 : i32 to index
      %swap3A_318 = arith.constant 0 : index
      %swap3A_319 = tpu.vector_load %arg12[%swap3A_317, %swap3A_318] {strides = array<i32>} : memref<400x64xf32, #tpu.memory_space<vmem>>, vector<1x16xf32>,
      %swap3A_320 = vector.shape_cast %swap3A_319 : vector<1x16xf32> to vector<16xf32>
      %swap3A_321 = vector.shape_cast %get3A_309 : vector<16xf32> to vector<1x16xf32>
      tpu.vector_store %arg12[%swap3A_317, %swap3A_318], %swap3A_321 {strides = array<i32>} : memref<400x64xf32, #tpu.memory_space<vmem>>, vector<1x16xf32>,
      %get3A_322 = arith.index_cast %scan3A_305 : i32 to index
      %get3A_323 = arith.constant 16 : index
      %get3A_324 = tpu.vector_load %arg6[%get3A_322, %get3A_323] {strides = array<i32>} : memref<200x64xf32, #tpu.memory_space<vmem>>, vector<1x16xf32>,
      %get3A_325 = vector.shape_cast %get3A_324 : vector<1x16xf32> to vector<16xf32>
      %swap3A_326 = arith.index_cast %scan3A_305 : i32 to index
      %swap3A_327 = arith.constant 16 : index
      %swap3A_328 = tpu.vector_load %arg12[%swap3A_326, %swap3A_327] {strides = array<i32>} : memref<400x64xf32, #tpu.memory_space<vmem>>, vector<1x16xf32>,
      %swap3A_329 = vector.shape_cast %swap3A_328 : vector<1x16xf32> to vector<16xf32>
      %swap3A_330 = vector.shape_cast %get3A_325 : vector<16xf32> to vector<1x16xf32>
      tpu.vector_store %arg12[%swap3A_326, %swap3A_327], %swap3A_330 {strides = array<i32>} : memref<400x64xf32, #tpu.memory_space<vmem>>, vector<1x16xf32>,
      %add3A_331 = arith.constant 200 : i32
      %add3A_332 = arith.addi %add3A_331, %scan3A_305 : i32
      %swap3A_333 = arith.index_cast %add3A_332 : i32 to index
      %swap3A_334 = arith.constant 16 : index
      %swap3A_335 = tpu.vector_load %arg12[%swap3A_333, %swap3A_334] {strides = array<i32>} : memref<400x64xf32, #tpu.memory_space<vmem>>, vector<1x16xf32>,
      %swap3A_336 = vector.shape_cast %swap3A_335 : vector<1x16xf32> to vector<16xf32>
      %swap3A_337 = vector.shape_cast %get3A_325 : vector<16xf32> to vector<1x16xf32>
      tpu.vector_store %arg12[%swap3A_333, %swap3A_334], %swap3A_337 {strides = array<i32>} : memref<400x64xf32, #tpu.memory_space<vmem>>, vector<1x16xf32>,
      %get3A_338 = arith.index_cast %scan3A_305 : i32 to index
      %get3A_339 = arith.constant 32 : index
      %get3A_340 = tpu.vector_load %arg6[%get3A_338, %get3A_339] {strides = array<i32>} : memref<200x64xf32, #tpu.memory_space<vmem>>, vector<1x16xf32>,
      %get3A_341 = vector.shape_cast %get3A_340 : vector<1x16xf32> to vector<16xf32>
      %swap3A_342 = arith.index_cast %scan3A_305 : i32 to index
      %swap3A_343 = arith.constant 32 : index
      %swap3A_344 = tpu.vector_load %arg12[%swap3A_342, %swap3A_343] {strides = array<i32>} : memref<400x64xf32, #tpu.memory_space<vmem>>, vector<1x16xf32>,
      %swap3A_345 = vector.shape_cast %swap3A_344 : vector<1x16xf32> to vector<16xf32>
      %swap3A_346 = vector.shape_cast %get3A_341 : vector<16xf32> to vector<1x16xf32>
      tpu.vector_store %arg12[%swap3A_342, %swap3A_343], %swap3A_346 {strides = array<i32>} : memref<400x64xf32, #tpu.memory_space<vmem>>, vector<1x16xf32>,
      %add3A_347 = arith.constant 200 : i32
      %add3A_348 = arith.addi %add3A_347, %scan3A_305 : i32
      %swap3A_349 = arith.index_cast %add3A_348 : i32 to index
      %swap3A_350 = arith.constant 32 : index
      %swap3A_351 = tpu.vector_load %arg12[%swap3A_349, %swap3A_350] {strides = array<i32>} : memref<400x64xf32, #tpu.memory_space<vmem>>, vector<1x16xf32>,
      %swap3A_352 = vector.shape_cast %swap3A_351 : vector<1x16xf32> to vector<16xf32>
      %swap3A_353 = vector.shape_cast %get3A_341 : vector<16xf32> to vector<1x16xf32>
      tpu.vector_store %arg12[%swap3A_349, %swap3A_350], %swap3A_353 {strides = array<i32>} : memref<400x64xf32, #tpu.memory_space<vmem>>, vector<1x16xf32>,
      %get3A_354 = arith.index_cast %scan3A_305 : i32 to index
      %get3A_355 = arith.constant 48 : index
      %get3A_356 = tpu.vector_load %arg6[%get3A_354, %get3A_355] {strides = array<i32>} : memref<200x64xf32, #tpu.memory_space<vmem>>, vector<1x16xf32>,
      %get3A_357 = vector.shape_cast %get3A_356 : vector<1x16xf32> to vector<16xf32>
      %swap3A_358 = arith.index_cast %scan3A_305 : i32 to index
      %swap3A_359 = arith.constant 48 : index
      %swap3A_360 = tpu.vector_load %arg12[%swap3A_358, %swap3A_359] {strides = array<i32>} : memref<400x64xf32, #tpu.memory_space<vmem>>, vector<1x16xf32>,
      %swap3A_361 = vector.shape_cast %swap3A_360 : vector<1x16xf32> to vector<16xf32>
      %swap3A_362 = vector.shape_cast %get3A_357 : vector<16xf32> to vector<1x16xf32>
      tpu.vector_store %arg12[%swap3A_358, %swap3A_359], %swap3A_362 {strides = array<i32>} : memref<400x64xf32, #tpu.memory_space<vmem>>, vector<1x16xf32>,
      %add3A_363 = arith.constant 200 : i32
      %add3A_364 = arith.addi %add3A_363, %scan3A_305 : i32
      %swap3A_365 = arith.index_cast %add3A_364 : i32 to index
      %swap3A_366 = arith.constant 48 : index
      %swap3A_367 = tpu.vector_load %arg12[%swap3A_365, %swap3A_366] {strides = array<i32>} : memref<400x64xf32, #tpu.memory_space<vmem>>, vector<1x16xf32>,
      %swap3A_368 = vector.shape_cast %swap3A_367 : vector<1x16xf32> to vector<16xf32>
      %swap3A_369 = vector.shape_cast %get3A_357 : vector<16xf32> to vector<1x16xf32>
      tpu.vector_store %arg12[%swap3A_365, %swap3A_366], %swap3A_369 {strides = array<i32>} : memref<400x64xf32, #tpu.memory_space<vmem>>, vector<1x16xf32>,
      %scan3A_370 = arith.constant 0 : i32
      scf.yield %scan3A_370 : i32
    }
    %scan3A_36 = arith.constant 200 : i32
    %dma_start3A_37 = arith.constant 0 : i32
    %dma_start3A_38 = arith.constant 0 : i32
    %dma_start3A_39 = tpu.memref_slice %arg2[%dma_start3A_37, %dma_start3A_38] : memref<100000x64xf32, #tpu.memory_space<hbm>> -> memref<100000x64xf32, #tpu.memory_space<hbm>>
    tpu.enqueue_indirect_dma source(%dma_start3A_39 : memref<100000x64xf32, #tpu.memory_space<hbm>>) target(%arg12 : memref<400x64xf32, #tpu.memory_space<vmem>>) offsets(%arg8 : memref<400xi32, #tpu.memory_space<vmem>>) semaphore(%arg20 : memref<!tpu.dma_semaphore, #tpu.memory_space<semaphore_mem>>) {add = true}
    %dma_wait3A_40 = arith.constant 0 : i32
    %dma_wait3A_41 = arith.constant 0 : i32
    %dma_wait3A_42 = tpu.memref_slice %arg2[%dma_wait3A_40, %dma_wait3A_41] : memref<100000x64xf32, #tpu.memory_space<hbm>> -> memref<100000x64xf32, #tpu.memory_space<hbm>>
    tpu.wait_indirect_dma semaphore(%arg19 : memref<!tpu.dma_semaphore, #tpu.memory_space<semaphore_mem>>) src(%dma_wait3A_42 : memref<100000x64xf32, #tpu.memory_space<hbm>>) dst(%arg11 : memref<400x64xf32, #tpu.memory_space<vmem>>)
    %add3A_43 = arith.constant 0 : i32
    %add3A_44 = arith.addi %mul3A_2, %add3A_43 : i32
    %dma_start3A_45 = arith.constant 0 : i32
    %dma_start3A_46 = tpu.memref_slice %arg5[%add3A_44, %dma_start3A_45] : memref<819200x64xf32, #tpu.memory_space<hbm>> -> memref<400x64xf32, #tpu.memory_space<hbm>>
    %dma_start3A_47 = arith.constant 0 : i32
    %dma_start3A_48 = tpu.memref_slice %arg5[%add3A_44, %dma_start3A_47] : memref<819200x64xf32, #tpu.memory_space<hbm>> -> memref<400x64xf32, #tpu.memory_space<hbm>>
    tpu.enqueue_dma source(%arg11 : memref<400x64xf32, #tpu.memory_space<vmem>>) target(%dma_start3A_48 : memref<400x64xf32, #tpu.memory_space<hbm>>) target_semaphore(%arg23 : memref<!tpu.dma_semaphore, #tpu.memory_space<semaphore_mem>>)
    %dma_wait3A_49 = tpu.memref_slice %arg3[%mul3A_2] : memref<819200xi32, #tpu.memory_space<hbm>> -> memref<400xi32, #tpu.memory_space<hbm>>
    %dma_wait3A_50 = tpu.memref_slice %arg3[%mul3A_2] : memref<819200xi32, #tpu.memory_space<hbm>> -> memref<400xi32, #tpu.memory_space<hbm>>
    tpu.wait_dma2 semaphore(%arg17 : memref<!tpu.dma_semaphore, #tpu.memory_space<semaphore_mem>>) src(%dma_wait3A_50 : memref<400xi32, #tpu.memory_space<hbm>>) dst(%arg9 : memref<400xi32, #tpu.memory_space<vmem>>)
    %scan3A_51 = arith.constant 0 : i32
    %scan3A_52 = arith.constant 0 : i32
    %scan3A_53 = arith.constant 200 : i32
    %scan3A_54 = arith.addi %scan3A_52, %scan3A_53 : i32
    %scan3A_55 = arith.constant 2 : i32
    %scan3A_56 = scf.for %scan3A_239 = %scan3A_52 to %scan3A_54 step %scan3A_55 iter_args(%scan3A_240 = %scan3A_51) -> (i32)  : i32 {
      %get3A = arith.index_cast %scan3A_239 : i32 to index
      %get3A_241 = arith.constant 0 : index
      %get3A_242 = tpu.vector_load %arg6[%get3A, %get3A_241] {strides = array<i32>} : memref<200x64xf32, #tpu.memory_space<vmem>>, vector<1x16xf32>,
      %get3A_243 = vector.shape_cast %get3A_242 : vector<1x16xf32> to vector<16xf32>
      %swap3A = arith.index_cast %scan3A_239 : i32 to index
      %swap3A_244 = arith.constant 0 : index
      %swap3A_245 = tpu.vector_load %arg13[%swap3A, %swap3A_244] {strides = array<i32>} : memref<400x64xf32, #tpu.memory_space<vmem>>, vector<1x16xf32>,
      %swap3A_246 = vector.shape_cast %swap3A_245 : vector<1x16xf32> to vector<16xf32>
      %swap3A_247 = vector.shape_cast %get3A_243 : vector<16xf32> to vector<1x16xf32>
      tpu.vector_store %arg13[%swap3A, %swap3A_244], %swap3A_247 {strides = array<i32>} : memref<400x64xf32, #tpu.memory_space<vmem>>, vector<1x16xf32>,
      %add3A_248 = arith.constant 200 : i32
      %add3A_249 = arith.addi %add3A_248, %scan3A_239 : i32
      %swap3A_250 = arith.index_cast %add3A_249 : i32 to index
      %swap3A_251 = arith.constant 0 : index
      %swap3A_252 = tpu.vector_load %arg13[%swap3A_250, %swap3A_251] {strides = array<i32>} : memref<400x64xf32, #tpu.memory_space<vmem>>, vector<1x16xf32>,
      %swap3A_253 = vector.shape_cast %swap3A_252 : vector<1x16xf32> to vector<16xf32>
      %swap3A_254 = vector.shape_cast %get3A_243 : vector<16xf32> to vector<1x16xf32>
      tpu.vector_store %arg13[%swap3A_250, %swap3A_251], %swap3A_254 {strides = array<i32>} : memref<400x64xf32, #tpu.memory_space<vmem>>, vector<1x16xf32>,
      %get3A_255 = arith.index_cast %scan3A_239 : i32 to index
      %get3A_256 = arith.constant 16 : index
      %get3A_257 = tpu.vector_load %arg6[%get3A_255, %get3A_256] {strides = array<i32>} : memref<200x64xf32, #tpu.memory_space<vmem>>, vector<1x16xf32>,
      %get3A_258 = vector.shape_cast %get3A_257 : vector<1x16xf32> to vector<16xf32>
      %swap3A_259 = arith.index_cast %scan3A_239 : i32 to index
      %swap3A_260 = arith.constant 16 : index
      %swap3A_261 = tpu.vector_load %arg13[%swap3A_259, %swap3A_260] {strides = array<i32>} : memref<400x64xf32, #tpu.memory_space<vmem>>, vector<1x16xf32>,
      %swap3A_262 = vector.shape_cast %swap3A_261 : vector<1x16xf32> to vector<16xf32>
      %swap3A_263 = vector.shape_cast %get3A_258 : vector<16xf32> to vector<1x16xf32>
      tpu.vector_store %arg13[%swap3A_259, %swap3A_260], %swap3A_263 {strides = array<i32>} : memref<400x64xf32, #tpu.memory_space<vmem>>, vector<1x16xf32>,
      %add3A_264 = arith.constant 200 : i32
      %add3A_265 = arith.addi %add3A_264, %scan3A_239 : i32
      %swap3A_266 = arith.index_cast %add3A_265 : i32 to index
      %swap3A_267 = arith.constant 16 : index
      %swap3A_268 = tpu.vector_load %arg13[%swap3A_266, %swap3A_267] {strides = array<i32>} : memref<400x64xf32, #tpu.memory_space<vmem>>, vector<1x16xf32>,
      %swap3A_269 = vector.shape_cast %swap3A_268 : vector<1x16xf32> to vector<16xf32>
      %swap3A_270 = vector.shape_cast %get3A_258 : vector<16xf32> to vector<1x16xf32>
      tpu.vector_store %arg13[%swap3A_266, %swap3A_267], %swap3A_270 {strides = array<i32>} : memref<400x64xf32, #tpu.memory_space<vmem>>, vector<1x16xf32>,
      %get3A_271 = arith.index_cast %scan3A_239 : i32 to index
      %get3A_272 = arith.constant 32 : index
      %get3A_273 = tpu.vector_load %arg6[%get3A_271, %get3A_272] {strides = array<i32>} : memref<200x64xf32, #tpu.memory_space<vmem>>, vector<1x16xf32>,
      %get3A_274 = vector.shape_cast %get3A_273 : vector<1x16xf32> to vector<16xf32>
      %swap3A_275 = arith.index_cast %scan3A_239 : i32 to index
      %swap3A_276 = arith.constant 32 : index
      %swap3A_277 = tpu.vector_load %arg13[%swap3A_275, %swap3A_276] {strides = array<i32>} : memref<400x64xf32, #tpu.memory_space<vmem>>, vector<1x16xf32>,
      %swap3A_278 = vector.shape_cast %swap3A_277 : vector<1x16xf32> to vector<16xf32>
      %swap3A_279 = vector.shape_cast %get3A_274 : vector<16xf32> to vector<1x16xf32>
      tpu.vector_store %arg13[%swap3A_275, %swap3A_276], %swap3A_279 {strides = array<i32>} : memref<400x64xf32, #tpu.memory_space<vmem>>, vector<1x16xf32>,
      %add3A_280 = arith.constant 200 : i32
      %add3A_281 = arith.addi %add3A_280, %scan3A_239 : i32
      %swap3A_282 = arith.index_cast %add3A_281 : i32 to index
      %swap3A_283 = arith.constant 32 : index
      %swap3A_284 = tpu.vector_load %arg13[%swap3A_282, %swap3A_283] {strides = array<i32>} : memref<400x64xf32, #tpu.memory_space<vmem>>, vector<1x16xf32>,
      %swap3A_285 = vector.shape_cast %swap3A_284 : vector<1x16xf32> to vector<16xf32>
      %swap3A_286 = vector.shape_cast %get3A_274 : vector<16xf32> to vector<1x16xf32>
      tpu.vector_store %arg13[%swap3A_282, %swap3A_283], %swap3A_286 {strides = array<i32>} : memref<400x64xf32, #tpu.memory_space<vmem>>, vector<1x16xf32>,
      %get3A_287 = arith.index_cast %scan3A_239 : i32 to index
      %get3A_288 = arith.constant 48 : index
      %get3A_289 = tpu.vector_load %arg6[%get3A_287, %get3A_288] {strides = array<i32>} : memref<200x64xf32, #tpu.memory_space<vmem>>, vector<1x16xf32>,
      %get3A_290 = vector.shape_cast %get3A_289 : vector<1x16xf32> to vector<16xf32>
      %swap3A_291 = arith.index_cast %scan3A_239 : i32 to index
      %swap3A_292 = arith.constant 48 : index
      %swap3A_293 = tpu.vector_load %arg13[%swap3A_291, %swap3A_292] {strides = array<i32>} : memref<400x64xf32, #tpu.memory_space<vmem>>, vector<1x16xf32>,
      %swap3A_294 = vector.shape_cast %swap3A_293 : vector<1x16xf32> to vector<16xf32>
      %swap3A_295 = vector.shape_cast %get3A_290 : vector<16xf32> to vector<1x16xf32>
      tpu.vector_store %arg13[%swap3A_291, %swap3A_292], %swap3A_295 {strides = array<i32>} : memref<400x64xf32, #tpu.memory_space<vmem>>, vector<1x16xf32>,
      %add3A_296 = arith.constant 200 : i32
      %add3A_297 = arith.addi %add3A_296, %scan3A_239 : i32
      %swap3A_298 = arith.index_cast %add3A_297 : i32 to index
      %swap3A_299 = arith.constant 48 : index
      %swap3A_300 = tpu.vector_load %arg13[%swap3A_298, %swap3A_299] {strides = array<i32>} : memref<400x64xf32, #tpu.memory_space<vmem>>, vector<1x16xf32>,
      %swap3A_301 = vector.shape_cast %swap3A_300 : vector<1x16xf32> to vector<16xf32>
      %swap3A_302 = vector.shape_cast %get3A_290 : vector<16xf32> to vector<1x16xf32>
      tpu.vector_store %arg13[%swap3A_298, %swap3A_299], %swap3A_302 {strides = array<i32>} : memref<400x64xf32, #tpu.memory_space<vmem>>, vector<1x16xf32>,
      %scan3A_303 = arith.constant 0 : i32
      %scan3A_304 = arith.constant 1 : i32
      %scan3A_305 = arith.addi %scan3A_239, %scan3A_304 : i32
      %get3A_306 = arith.index_cast %scan3A_305 : i32 to index
      %get3A_307 = arith.constant 0 : index
      %get3A_308 = tpu.vector_load %arg6[%get3A_306, %get3A_307] {strides = array<i32>} : memref<200x64xf32, #tpu.memory_space<vmem>>, vector<1x16xf32>,
      %get3A_309 = vector.shape_cast %get3A_308 : vector<1x16xf32> to vector<16xf32>
      %swap3A_310 = arith.index_cast %scan3A_305 : i32 to index
      %swap3A_311 = arith.constant 0 : index
      %swap3A_312 = tpu.vector_load %arg13[%swap3A_310, %swap3A_311] {strides = array<i32>} : memref<400x64xf32, #tpu.memory_space<vmem>>, vector<1x16xf32>,
      %swap3A_313 = vector.shape_cast %swap3A_312 : vector<1x16xf32> to vector<16xf32>
      %swap3A_314 = vector.shape_cast %get3A_309 : vector<16xf32> to vector<1x16xf32>
      tpu.vector_store %arg13[%swap3A_310, %swap3A_311], %swap3A_314 {strides = array<i32>} : memref<400x64xf32, #tpu.memory_space<vmem>>, vector<1x16xf32>,
      %add3A_315 = arith.constant 200 : i32
      %add3A_316 = arith.addi %add3A_315, %scan3A_305 : i32
      %swap3A_317 = arith.index_cast %add3A_316 : i32 to index
      %swap3A_318 = arith.constant 0 : index
      %swap3A_319 = tpu.vector_load %arg13[%swap3A_317, %swap3A_318] {strides = array<i32>} : memref<400x64xf32, #tpu.memory_space<vmem>>, vector<1x16xf32>,
      %swap3A_320 = vector.shape_cast %swap3A_319 : vector<1x16xf32> to vector<16xf32>
      %swap3A_321 = vector.shape_cast %get3A_309 : vector<16xf32> to vector<1x16xf32>
      tpu.vector_store %arg13[%swap3A_317, %swap3A_318], %swap3A_321 {strides = array<i32>} : memref<400x64xf32, #tpu.memory_space<vmem>>, vector<1x16xf32>,
      %get3A_322 = arith.index_cast %scan3A_305 : i32 to index
      %get3A_323 = arith.constant 16 : index
      %get3A_324 = tpu.vector_load %arg6[%get3A_322, %get3A_323] {strides = array<i32>} : memref<200x64xf32, #tpu.memory_space<vmem>>, vector<1x16xf32>,
      %get3A_325 = vector.shape_cast %get3A_324 : vector<1x16xf32> to vector<16xf32>
      %swap3A_326 = arith.index_cast %scan3A_305 : i32 to index
      %swap3A_327 = arith.constant 16 : index
      %swap3A_328 = tpu.vector_load %arg13[%swap3A_326, %swap3A_327] {strides = array<i32>} : memref<400x64xf32, #tpu.memory_space<vmem>>, vector<1x16xf32>,
      %swap3A_329 = vector.shape_cast %swap3A_328 : vector<1x16xf32> to vector<16xf32>
      %swap3A_330 = vector.shape_cast %get3A_325 : vector<16xf32> to vector<1x16xf32>
      tpu.vector_store %arg13[%swap3A_326, %swap3A_327], %swap3A_330 {strides = array<i32>} : memref<400x64xf32, #tpu.memory_space<vmem>>, vector<1x16xf32>,
      %add3A_331 = arith.constant 200 : i32
      %add3A_332 = arith.addi %add3A_331, %scan3A_305 : i32
      %swap3A_333 = arith.index_cast %add3A_332 : i32 to index
      %swap3A_334 = arith.constant 16 : index
      %swap3A_335 = tpu.vector_load %arg13[%swap3A_333, %swap3A_334] {strides = array<i32>} : memref<400x64xf32, #tpu.memory_space<vmem>>, vector<1x16xf32>,
      %swap3A_336 = vector.shape_cast %swap3A_335 : vector<1x16xf32> to vector<16xf32>
      %swap3A_337 = vector.shape_cast %get3A_325 : vector<16xf32> to vector<1x16xf32>
      tpu.vector_store %arg13[%swap3A_333, %swap3A_334], %swap3A_337 {strides = array<i32>} : memref<400x64xf32, #tpu.memory_space<vmem>>, vector<1x16xf32>,
      %get3A_338 = arith.index_cast %scan3A_305 : i32 to index
      %get3A_339 = arith.constant 32 : index
      %get3A_340 = tpu.vector_load %arg6[%get3A_338, %get3A_339] {strides = array<i32>} : memref<200x64xf32, #tpu.memory_space<vmem>>, vector<1x16xf32>,
      %get3A_341 = vector.shape_cast %get3A_340 : vector<1x16xf32> to vector<16xf32>
      %swap3A_342 = arith.index_cast %scan3A_305 : i32 to index
      %swap3A_343 = arith.constant 32 : index
      %swap3A_344 = tpu.vector_load %arg13[%swap3A_342, %swap3A_343] {strides = array<i32>} : memref<400x64xf32, #tpu.memory_space<vmem>>, vector<1x16xf32>,
      %swap3A_345 = vector.shape_cast %swap3A_344 : vector<1x16xf32> to vector<16xf32>
      %swap3A_346 = vector.shape_cast %get3A_341 : vector<16xf32> to vector<1x16xf32>
      tpu.vector_store %arg13[%swap3A_342, %swap3A_343], %swap3A_346 {strides = array<i32>} : memref<400x64xf32, #tpu.memory_space<vmem>>, vector<1x16xf32>,
      %add3A_347 = arith.constant 200 : i32
      %add3A_348 = arith.addi %add3A_347, %scan3A_305 : i32
      %swap3A_349 = arith.index_cast %add3A_348 : i32 to index
      %swap3A_350 = arith.constant 32 : index
      %swap3A_351 = tpu.vector_load %arg13[%swap3A_349, %swap3A_350] {strides = array<i32>} : memref<400x64xf32, #tpu.memory_space<vmem>>, vector<1x16xf32>,
      %swap3A_352 = vector.shape_cast %swap3A_351 : vector<1x16xf32> to vector<16xf32>
      %swap3A_353 = vector.shape_cast %get3A_341 : vector<16xf32> to vector<1x16xf32>
      tpu.vector_store %arg13[%swap3A_349, %swap3A_350], %swap3A_353 {strides = array<i32>} : memref<400x64xf32, #tpu.memory_space<vmem>>, vector<1x16xf32>,
      %get3A_354 = arith.index_cast %scan3A_305 : i32 to index
      %get3A_355 = arith.constant 48 : index
      %get3A_356 = tpu.vector_load %arg6[%get3A_354, %get3A_355] {strides = array<i32>} : memref<200x64xf32, #tpu.memory_space<vmem>>, vector<1x16xf32>,
      %get3A_357 = vector.shape_cast %get3A_356 : vector<1x16xf32> to vector<16xf32>
      %swap3A_358 = arith.index_cast %scan3A_305 : i32 to index
      %swap3A_359 = arith.constant 48 : index
      %swap3A_360 = tpu.vector_load %arg13[%swap3A_358, %swap3A_359] {strides = array<i32>} : memref<400x64xf32, #tpu.memory_space<vmem>>, vector<1x16xf32>,
      %swap3A_361 = vector.shape_cast %swap3A_360 : vector<1x16xf32> to vector<16xf32>
      %swap3A_362 = vector.shape_cast %get3A_357 : vector<16xf32> to vector<1x16xf32>
      tpu.vector_store %arg13[%swap3A_358, %swap3A_359], %swap3A_362 {strides = array<i32>} : memref<400x64xf32, #tpu.memory_space<vmem>>, vector<1x16xf32>,
      %add3A_363 = arith.constant 200 : i32
      %add3A_364 = arith.addi %add3A_363, %scan3A_305 : i32
      %swap3A_365 = arith.index_cast %add3A_364 : i32 to index
      %swap3A_366 = arith.constant 48 : index
      %swap3A_367 = tpu.vector_load %arg13[%swap3A_365, %swap3A_366] {strides = array<i32>} : memref<400x64xf32, #tpu.memory_space<vmem>>, vector<1x16xf32>,
      %swap3A_368 = vector.shape_cast %swap3A_367 : vector<1x16xf32> to vector<16xf32>
      %swap3A_369 = vector.shape_cast %get3A_357 : vector<16xf32> to vector<1x16xf32>
      tpu.vector_store %arg13[%swap3A_365, %swap3A_366], %swap3A_369 {strides = array<i32>} : memref<400x64xf32, #tpu.memory_space<vmem>>, vector<1x16xf32>,
      %scan3A_370 = arith.constant 0 : i32
      scf.yield %scan3A_370 : i32
    }
    %scan3A_57 = arith.constant 200 : i32
    %dma_start3A_58 = arith.constant 0 : i32
    %dma_start3A_59 = arith.constant 0 : i32
    %dma_start3A_60 = tpu.memref_slice %arg2[%dma_start3A_58, %dma_start3A_59] : memref<100000x64xf32, #tpu.memory_space<hbm>> -> memref<100000x64xf32, #tpu.memory_space<hbm>>
    tpu.enqueue_indirect_dma source(%dma_start3A_60 : memref<100000x64xf32, #tpu.memory_space<hbm>>) target(%arg13 : memref<400x64xf32, #tpu.memory_space<vmem>>) offsets(%arg9 : memref<400xi32, #tpu.memory_space<vmem>>) semaphore(%arg21 : memref<!tpu.dma_semaphore, #tpu.memory_space<semaphore_mem>>) {add = true}
    %add3A_61 = arith.constant 1600 : i32
    %add3A_62 = arith.addi %mul3A_2, %add3A_61 : i32
    %dma_start3A_63 = tpu.memref_slice %arg3[%add3A_62] : memref<819200xi32, #tpu.memory_space<hbm>> -> memref<400xi32, #tpu.memory_space<hbm>>
    %dma_start3A_64 = tpu.memref_slice %arg3[%add3A_62] : memref<819200xi32, #tpu.memory_space<hbm>> -> memref<400xi32, #tpu.memory_space<hbm>>
    tpu.enqueue_dma source(%dma_start3A_64 : memref<400xi32, #tpu.memory_space<hbm>>) target(%arg7 : memref<400xi32, #tpu.memory_space<vmem>>) target_semaphore(%arg15 : memref<!tpu.dma_semaphore, #tpu.memory_space<semaphore_mem>>)
    %dma_wait3A_65 = arith.constant 0 : i32
    %dma_wait3A_66 = arith.constant 0 : i32
    %dma_wait3A_67 = tpu.memref_slice %arg2[%dma_wait3A_65, %dma_wait3A_66] : memref<100000x64xf32, #tpu.memory_space<hbm>> -> memref<100000x64xf32, #tpu.memory_space<hbm>>
    tpu.wait_indirect_dma semaphore(%arg20 : memref<!tpu.dma_semaphore, #tpu.memory_space<semaphore_mem>>) src(%dma_wait3A_67 : memref<100000x64xf32, #tpu.memory_space<hbm>>) dst(%arg12 : memref<400x64xf32, #tpu.memory_space<vmem>>)
    %add3A_68 = arith.constant 400 : i32
    %add3A_69 = arith.addi %mul3A_2, %add3A_68 : i32
    %dma_start3A_70 = arith.constant 0 : i32
    %dma_start3A_71 = tpu.memref_slice %arg5[%add3A_69, %dma_start3A_70] : memref<819200x64xf32, #tpu.memory_space<hbm>> -> memref<400x64xf32, #tpu.memory_space<hbm>>
    %dma_start3A_72 = arith.constant 0 : i32
    %dma_start3A_73 = tpu.memref_slice %arg5[%add3A_69, %dma_start3A_72] : memref<819200x64xf32, #tpu.memory_space<hbm>> -> memref<400x64xf32, #tpu.memory_space<hbm>>
    tpu.enqueue_dma source(%arg12 : memref<400x64xf32, #tpu.memory_space<vmem>>) target(%dma_start3A_73 : memref<400x64xf32, #tpu.memory_space<hbm>>) target_semaphore(%arg24 : memref<!tpu.dma_semaphore, #tpu.memory_space<semaphore_mem>>)
    %dma_wait3A_74 = tpu.memref_slice %arg3[%mul3A_2] : memref<819200xi32, #tpu.memory_space<hbm>> -> memref<400xi32, #tpu.memory_space<hbm>>
    %dma_wait3A_75 = tpu.memref_slice %arg3[%mul3A_2] : memref<819200xi32, #tpu.memory_space<hbm>> -> memref<400xi32, #tpu.memory_space<hbm>>
    tpu.wait_dma2 semaphore(%arg18 : memref<!tpu.dma_semaphore, #tpu.memory_space<semaphore_mem>>) src(%dma_wait3A_75 : memref<400xi32, #tpu.memory_space<hbm>>) dst(%arg10 : memref<400xi32, #tpu.memory_space<vmem>>)
    %scan3A_76 = arith.constant 0 : i32
    %scan3A_77 = arith.constant 0 : i32
    %scan3A_78 = arith.constant 200 : i32
    %scan3A_79 = arith.addi %scan3A_77, %scan3A_78 : i32
    %scan3A_80 = arith.constant 2 : i32
    %scan3A_81 = scf.for %scan3A_239 = %scan3A_77 to %scan3A_79 step %scan3A_80 iter_args(%scan3A_240 = %scan3A_76) -> (i32)  : i32 {
      %get3A = arith.index_cast %scan3A_239 : i32 to index
      %get3A_241 = arith.constant 0 : index
      %get3A_242 = tpu.vector_load %arg6[%get3A, %get3A_241] {strides = array<i32>} : memref<200x64xf32, #tpu.memory_space<vmem>>, vector<1x16xf32>,
      %get3A_243 = vector.shape_cast %get3A_242 : vector<1x16xf32> to vector<16xf32>
      %swap3A = arith.index_cast %scan3A_239 : i32 to index
      %swap3A_244 = arith.constant 0 : index
      %swap3A_245 = tpu.vector_load %arg14[%swap3A, %swap3A_244] {strides = array<i32>} : memref<400x64xf32, #tpu.memory_space<vmem>>, vector<1x16xf32>,
      %swap3A_246 = vector.shape_cast %swap3A_245 : vector<1x16xf32> to vector<16xf32>
      %swap3A_247 = vector.shape_cast %get3A_243 : vector<16xf32> to vector<1x16xf32>
      tpu.vector_store %arg14[%swap3A, %swap3A_244], %swap3A_247 {strides = array<i32>} : memref<400x64xf32, #tpu.memory_space<vmem>>, vector<1x16xf32>,
      %add3A_248 = arith.constant 200 : i32
      %add3A_249 = arith.addi %add3A_248, %scan3A_239 : i32
      %swap3A_250 = arith.index_cast %add3A_249 : i32 to index
      %swap3A_251 = arith.constant 0 : index
      %swap3A_252 = tpu.vector_load %arg14[%swap3A_250, %swap3A_251] {strides = array<i32>} : memref<400x64xf32, #tpu.memory_space<vmem>>, vector<1x16xf32>,
      %swap3A_253 = vector.shape_cast %swap3A_252 : vector<1x16xf32> to vector<16xf32>
      %swap3A_254 = vector.shape_cast %get3A_243 : vector<16xf32> to vector<1x16xf32>
      tpu.vector_store %arg14[%swap3A_250, %swap3A_251], %swap3A_254 {strides = array<i32>} : memref<400x64xf32, #tpu.memory_space<vmem>>, vector<1x16xf32>,
      %get3A_255 = arith.index_cast %scan3A_239 : i32 to index
      %get3A_256 = arith.constant 16 : index
      %get3A_257 = tpu.vector_load %arg6[%get3A_255, %get3A_256] {strides = array<i32>} : memref<200x64xf32, #tpu.memory_space<vmem>>, vector<1x16xf32>,
      %get3A_258 = vector.shape_cast %get3A_257 : vector<1x16xf32> to vector<16xf32>
      %swap3A_259 = arith.index_cast %scan3A_239 : i32 to index
      %swap3A_260 = arith.constant 16 : index
      %swap3A_261 = tpu.vector_load %arg14[%swap3A_259, %swap3A_260] {strides = array<i32>} : memref<400x64xf32, #tpu.memory_space<vmem>>, vector<1x16xf32>,
      %swap3A_262 = vector.shape_cast %swap3A_261 : vector<1x16xf32> to vector<16xf32>
      %swap3A_263 = vector.shape_cast %get3A_258 : vector<16xf32> to vector<1x16xf32>
      tpu.vector_store %arg14[%swap3A_259, %swap3A_260], %swap3A_263 {strides = array<i32>} : memref<400x64xf32, #tpu.memory_space<vmem>>, vector<1x16xf32>,
      %add3A_264 = arith.constant 200 : i32
      %add3A_265 = arith.addi %add3A_264, %scan3A_239 : i32
      %swap3A_266 = arith.index_cast %add3A_265 : i32 to index
      %swap3A_267 = arith.constant 16 : index
      %swap3A_268 = tpu.vector_load %arg14[%swap3A_266, %swap3A_267] {strides = array<i32>} : memref<400x64xf32, #tpu.memory_space<vmem>>, vector<1x16xf32>,
      %swap3A_269 = vector.shape_cast %swap3A_268 : vector<1x16xf32> to vector<16xf32>
      %swap3A_270 = vector.shape_cast %get3A_258 : vector<16xf32> to vector<1x16xf32>
      tpu.vector_store %arg14[%swap3A_266, %swap3A_267], %swap3A_270 {strides = array<i32>} : memref<400x64xf32, #tpu.memory_space<vmem>>, vector<1x16xf32>,
      %get3A_271 = arith.index_cast %scan3A_239 : i32 to index
      %get3A_272 = arith.constant 32 : index
      %get3A_273 = tpu.vector_load %arg6[%get3A_271, %get3A_272] {strides = array<i32>} : memref<200x64xf32, #tpu.memory_space<vmem>>, vector<1x16xf32>,
      %get3A_274 = vector.shape_cast %get3A_273 : vector<1x16xf32> to vector<16xf32>
      %swap3A_275 = arith.index_cast %scan3A_239 : i32 to index
      %swap3A_276 = arith.constant 32 : index
      %swap3A_277 = tpu.vector_load %arg14[%swap3A_275, %swap3A_276] {strides = array<i32>} : memref<400x64xf32, #tpu.memory_space<vmem>>, vector<1x16xf32>,
      %swap3A_278 = vector.shape_cast %swap3A_277 : vector<1x16xf32> to vector<16xf32>
      %swap3A_279 = vector.shape_cast %get3A_274 : vector<16xf32> to vector<1x16xf32>
      tpu.vector_store %arg14[%swap3A_275, %swap3A_276], %swap3A_279 {strides = array<i32>} : memref<400x64xf32, #tpu.memory_space<vmem>>, vector<1x16xf32>,
      %add3A_280 = arith.constant 200 : i32
      %add3A_281 = arith.addi %add3A_280, %scan3A_239 : i32
      %swap3A_282 = arith.index_cast %add3A_281 : i32 to index
      %swap3A_283 = arith.constant 32 : index
      %swap3A_284 = tpu.vector_load %arg14[%swap3A_282, %swap3A_283] {strides = array<i32>} : memref<400x64xf32, #tpu.memory_space<vmem>>, vector<1x16xf32>,
      %swap3A_285 = vector.shape_cast %swap3A_284 : vector<1x16xf32> to vector<16xf32>
      %swap3A_286 = vector.shape_cast %get3A_274 : vector<16xf32> to vector<1x16xf32>
      tpu.vector_store %arg14[%swap3A_282, %swap3A_283], %swap3A_286 {strides = array<i32>} : memref<400x64xf32, #tpu.memory_space<vmem>>, vector<1x16xf32>,
      %get3A_287 = arith.index_cast %scan3A_239 : i32 to index
      %get3A_288 = arith.constant 48 : index
      %get3A_289 = tpu.vector_load %arg6[%get3A_287, %get3A_288] {strides = array<i32>} : memref<200x64xf32, #tpu.memory_space<vmem>>, vector<1x16xf32>,
      %get3A_290 = vector.shape_cast %get3A_289 : vector<1x16xf32> to vector<16xf32>
      %swap3A_291 = arith.index_cast %scan3A_239 : i32 to index
      %swap3A_292 = arith.constant 48 : index
      %swap3A_293 = tpu.vector_load %arg14[%swap3A_291, %swap3A_292] {strides = array<i32>} : memref<400x64xf32, #tpu.memory_space<vmem>>, vector<1x16xf32>,
      %swap3A_294 = vector.shape_cast %swap3A_293 : vector<1x16xf32> to vector<16xf32>
      %swap3A_295 = vector.shape_cast %get3A_290 : vector<16xf32> to vector<1x16xf32>
      tpu.vector_store %arg14[%swap3A_291, %swap3A_292], %swap3A_295 {strides = array<i32>} : memref<400x64xf32, #tpu.memory_space<vmem>>, vector<1x16xf32>,
      %add3A_296 = arith.constant 200 : i32
      %add3A_297 = arith.addi %add3A_296, %scan3A_239 : i32
      %swap3A_298 = arith.index_cast %add3A_297 : i32 to index
      %swap3A_299 = arith.constant 48 : index
      %swap3A_300 = tpu.vector_load %arg14[%swap3A_298, %swap3A_299] {strides = array<i32>} : memref<400x64xf32, #tpu.memory_space<vmem>>, vector<1x16xf32>,
      %swap3A_301 = vector.shape_cast %swap3A_300 : vector<1x16xf32> to vector<16xf32>
      %swap3A_302 = vector.shape_cast %get3A_290 : vector<16xf32> to vector<1x16xf32>
      tpu.vector_store %arg14[%swap3A_298, %swap3A_299], %swap3A_302 {strides = array<i32>} : memref<400x64xf32, #tpu.memory_space<vmem>>, vector<1x16xf32>,
      %scan3A_303 = arith.constant 0 : i32
      %scan3A_304 = arith.constant 1 : i32
      %scan3A_305 = arith.addi %scan3A_239, %scan3A_304 : i32
      %get3A_306 = arith.index_cast %scan3A_305 : i32 to index
      %get3A_307 = arith.constant 0 : index
      %get3A_308 = tpu.vector_load %arg6[%get3A_306, %get3A_307] {strides = array<i32>} : memref<200x64xf32, #tpu.memory_space<vmem>>, vector<1x16xf32>,
      %get3A_309 = vector.shape_cast %get3A_308 : vector<1x16xf32> to vector<16xf32>
      %swap3A_310 = arith.index_cast %scan3A_305 : i32 to index
      %swap3A_311 = arith.constant 0 : index
      %swap3A_312 = tpu.vector_load %arg14[%swap3A_310, %swap3A_311] {strides = array<i32>} : memref<400x64xf32, #tpu.memory_space<vmem>>, vector<1x16xf32>,
      %swap3A_313 = vector.shape_cast %swap3A_312 : vector<1x16xf32> to vector<16xf32>
      %swap3A_314 = vector.shape_cast %get3A_309 : vector<16xf32> to vector<1x16xf32>
      tpu.vector_store %arg14[%swap3A_310, %swap3A_311], %swap3A_314 {strides = array<i32>} : memref<400x64xf32, #tpu.memory_space<vmem>>, vector<1x16xf32>,
      %add3A_315 = arith.constant 200 : i32
      %add3A_316 = arith.addi %add3A_315, %scan3A_305 : i32
      %swap3A_317 = arith.index_cast %add3A_316 : i32 to index
      %swap3A_318 = arith.constant 0 : index
      %swap3A_319 = tpu.vector_load %arg14[%swap3A_317, %swap3A_318] {strides = array<i32>} : memref<400x64xf32, #tpu.memory_space<vmem>>, vector<1x16xf32>,
      %swap3A_320 = vector.shape_cast %swap3A_319 : vector<1x16xf32> to vector<16xf32>
      %swap3A_321 = vector.shape_cast %get3A_309 : vector<16xf32> to vector<1x16xf32>
      tpu.vector_store %arg14[%swap3A_317, %swap3A_318], %swap3A_321 {strides = array<i32>} : memref<400x64xf32, #tpu.memory_space<vmem>>, vector<1x16xf32>,
      %get3A_322 = arith.index_cast %scan3A_305 : i32 to index
      %get3A_323 = arith.constant 16 : index
      %get3A_324 = tpu.vector_load %arg6[%get3A_322, %get3A_323] {strides = array<i32>} : memref<200x64xf32, #tpu.memory_space<vmem>>, vector<1x16xf32>,
      %get3A_325 = vector.shape_cast %get3A_324 : vector<1x16xf32> to vector<16xf32>
      %swap3A_326 = arith.index_cast %scan3A_305 : i32 to index
      %swap3A_327 = arith.constant 16 : index
      %swap3A_328 = tpu.vector_load %arg14[%swap3A_326, %swap3A_327] {strides = array<i32>} : memref<400x64xf32, #tpu.memory_space<vmem>>, vector<1x16xf32>,
      %swap3A_329 = vector.shape_cast %swap3A_328 : vector<1x16xf32> to vector<16xf32>
      %swap3A_330 = vector.shape_cast %get3A_325 : vector<16xf32> to vector<1x16xf32>
      tpu.vector_store %arg14[%swap3A_326, %swap3A_327], %swap3A_330 {strides = array<i32>} : memref<400x64xf32, #tpu.memory_space<vmem>>, vector<1x16xf32>,
      %add3A_331 = arith.constant 200 : i32
      %add3A_332 = arith.addi %add3A_331, %scan3A_305 : i32
      %swap3A_333 = arith.index_cast %add3A_332 : i32 to index
      %swap3A_334 = arith.constant 16 : index
      %swap3A_335 = tpu.vector_load %arg14[%swap3A_333, %swap3A_334] {strides = array<i32>} : memref<400x64xf32, #tpu.memory_space<vmem>>, vector<1x16xf32>,
      %swap3A_336 = vector.shape_cast %swap3A_335 : vector<1x16xf32> to vector<16xf32>
      %swap3A_337 = vector.shape_cast %get3A_325 : vector<16xf32> to vector<1x16xf32>
      tpu.vector_store %arg14[%swap3A_333, %swap3A_334], %swap3A_337 {strides = array<i32>} : memref<400x64xf32, #tpu.memory_space<vmem>>, vector<1x16xf32>,
      %get3A_338 = arith.index_cast %scan3A_305 : i32 to index
      %get3A_339 = arith.constant 32 : index
      %get3A_340 = tpu.vector_load %arg6[%get3A_338, %get3A_339] {strides = array<i32>} : memref<200x64xf32, #tpu.memory_space<vmem>>, vector<1x16xf32>,
      %get3A_341 = vector.shape_cast %get3A_340 : vector<1x16xf32> to vector<16xf32>
      %swap3A_342 = arith.index_cast %scan3A_305 : i32 to index
      %swap3A_343 = arith.constant 32 : index
      %swap3A_344 = tpu.vector_load %arg14[%swap3A_342, %swap3A_343] {strides = array<i32>} : memref<400x64xf32, #tpu.memory_space<vmem>>, vector<1x16xf32>,
      %swap3A_345 = vector.shape_cast %swap3A_344 : vector<1x16xf32> to vector<16xf32>
      %swap3A_346 = vector.shape_cast %get3A_341 : vector<16xf32> to vector<1x16xf32>
      tpu.vector_store %arg14[%swap3A_342, %swap3A_343], %swap3A_346 {strides = array<i32>} : memref<400x64xf32, #tpu.memory_space<vmem>>, vector<1x16xf32>,
      %add3A_347 = arith.constant 200 : i32
      %add3A_348 = arith.addi %add3A_347, %scan3A_305 : i32
      %swap3A_349 = arith.index_cast %add3A_348 : i32 to index
      %swap3A_350 = arith.constant 32 : index
      %swap3A_351 = tpu.vector_load %arg14[%swap3A_349, %swap3A_350] {strides = array<i32>} : memref<400x64xf32, #tpu.memory_space<vmem>>, vector<1x16xf32>,
      %swap3A_352 = vector.shape_cast %swap3A_351 : vector<1x16xf32> to vector<16xf32>
      %swap3A_353 = vector.shape_cast %get3A_341 : vector<16xf32> to vector<1x16xf32>
      tpu.vector_store %arg14[%swap3A_349, %swap3A_350], %swap3A_353 {strides = array<i32>} : memref<400x64xf32, #tpu.memory_space<vmem>>, vector<1x16xf32>,
      %get3A_354 = arith.index_cast %scan3A_305 : i32 to index
      %get3A_355 = arith.constant 48 : index
      %get3A_356 = tpu.vector_load %arg6[%get3A_354, %get3A_355] {strides = array<i32>} : memref<200x64xf32, #tpu.memory_space<vmem>>, vector<1x16xf32>,
      %get3A_357 = vector.shape_cast %get3A_356 : vector<1x16xf32> to vector<16xf32>
      %swap3A_358 = arith.index_cast %scan3A_305 : i32 to index
      %swap3A_359 = arith.constant 48 : index
      %swap3A_360 = tpu.vector_load %arg14[%swap3A_358, %swap3A_359] {strides = array<i32>} : memref<400x64xf32, #tpu.memory_space<vmem>>, vector<1x16xf32>,
      %swap3A_361 = vector.shape_cast %swap3A_360 : vector<1x16xf32> to vector<16xf32>
      %swap3A_362 = vector.shape_cast %get3A_357 : vector<16xf32> to vector<1x16xf32>
      tpu.vector_store %arg14[%swap3A_358, %swap3A_359], %swap3A_362 {strides = array<i32>} : memref<400x64xf32, #tpu.memory_space<vmem>>, vector<1x16xf32>,
      %add3A_363 = arith.constant 200 : i32
      %add3A_364 = arith.addi %add3A_363, %scan3A_305 : i32
      %swap3A_365 = arith.index_cast %add3A_364 : i32 to index
      %swap3A_366 = arith.constant 48 : index
      %swap3A_367 = tpu.vector_load %arg14[%swap3A_365, %swap3A_366] {strides = array<i32>} : memref<400x64xf32, #tpu.memory_space<vmem>>, vector<1x16xf32>,
      %swap3A_368 = vector.shape_cast %swap3A_367 : vector<1x16xf32> to vector<16xf32>
      %swap3A_369 = vector.shape_cast %get3A_357 : vector<16xf32> to vector<1x16xf32>
      tpu.vector_store %arg14[%swap3A_365, %swap3A_366], %swap3A_369 {strides = array<i32>} : memref<400x64xf32, #tpu.memory_space<vmem>>, vector<1x16xf32>,
      %scan3A_370 = arith.constant 0 : i32
      scf.yield %scan3A_370 : i32
    }
    %scan3A_82 = arith.constant 200 : i32
    %dma_start3A_83 = arith.constant 0 : i32
    %dma_start3A_84 = arith.constant 0 : i32
    %dma_start3A_85 = tpu.memref_slice %arg2[%dma_start3A_83, %dma_start3A_84] : memref<100000x64xf32, #tpu.memory_space<hbm>> -> memref<100000x64xf32, #tpu.memory_space<hbm>>
    tpu.enqueue_indirect_dma source(%dma_start3A_85 : memref<100000x64xf32, #tpu.memory_space<hbm>>) target(%arg14 : memref<400x64xf32, #tpu.memory_space<vmem>>) offsets(%arg10 : memref<400xi32, #tpu.memory_space<vmem>>) semaphore(%arg22 : memref<!tpu.dma_semaphore, #tpu.memory_space<semaphore_mem>>) {add = true}
    %add3A_86 = arith.constant 2000 : i32
    %add3A_87 = arith.addi %mul3A_2, %add3A_86 : i32
    %dma_start3A_88 = tpu.memref_slice %arg3[%add3A_87] : memref<819200xi32, #tpu.memory_space<hbm>> -> memref<400xi32, #tpu.memory_space<hbm>>
    %dma_start3A_89 = tpu.memref_slice %arg3[%add3A_87] : memref<819200xi32, #tpu.memory_space<hbm>> -> memref<400xi32, #tpu.memory_space<hbm>>
    tpu.enqueue_dma source(%dma_start3A_89 : memref<400xi32, #tpu.memory_space<hbm>>) target(%arg8 : memref<400xi32, #tpu.memory_space<vmem>>) target_semaphore(%arg16 : memref<!tpu.dma_semaphore, #tpu.memory_space<semaphore_mem>>)
    %dma_wait3A_90 = arith.constant 0 : i32
    %dma_wait3A_91 = arith.constant 0 : i32
    %dma_wait3A_92 = tpu.memref_slice %arg2[%dma_wait3A_90, %dma_wait3A_91] : memref<100000x64xf32, #tpu.memory_space<hbm>> -> memref<100000x64xf32, #tpu.memory_space<hbm>>
    tpu.wait_indirect_dma semaphore(%arg21 : memref<!tpu.dma_semaphore, #tpu.memory_space<semaphore_mem>>) src(%dma_wait3A_92 : memref<100000x64xf32, #tpu.memory_space<hbm>>) dst(%arg13 : memref<400x64xf32, #tpu.memory_space<vmem>>)
    %add3A_93 = arith.constant 800 : i32
    %add3A_94 = arith.addi %mul3A_2, %add3A_93 : i32
    %dma_start3A_95 = arith.constant 0 : i32
    %dma_start3A_96 = tpu.memref_slice %arg5[%add3A_94, %dma_start3A_95] : memref<819200x64xf32, #tpu.memory_space<hbm>> -> memref<400x64xf32, #tpu.memory_space<hbm>>
    %dma_start3A_97 = arith.constant 0 : i32
    %dma_start3A_98 = tpu.memref_slice %arg5[%add3A_94, %dma_start3A_97] : memref<819200x64xf32, #tpu.memory_space<hbm>> -> memref<400x64xf32, #tpu.memory_space<hbm>>
    tpu.enqueue_dma source(%arg13 : memref<400x64xf32, #tpu.memory_space<vmem>>) target(%dma_start3A_98 : memref<400x64xf32, #tpu.memory_space<hbm>>) target_semaphore(%arg25 : memref<!tpu.dma_semaphore, #tpu.memory_space<semaphore_mem>>)
    %dma_wait3A_99 = arith.constant 0 : i32
    %dma_wait3A_100 = tpu.memref_slice %arg5[%mul3A_2, %dma_wait3A_99] : memref<819200x64xf32, #tpu.memory_space<hbm>> -> memref<400x64xf32, #tpu.memory_space<hbm>>
    %dma_wait3A_101 = arith.constant 0 : i32
    %dma_wait3A_102 = tpu.memref_slice %arg5[%mul3A_2, %dma_wait3A_101] : memref<819200x64xf32, #tpu.memory_space<hbm>> -> memref<400x64xf32, #tpu.memory_space<hbm>>
    tpu.wait_dma2 semaphore(%arg23 : memref<!tpu.dma_semaphore, #tpu.memory_space<semaphore_mem>>) src(%arg11 : memref<400x64xf32, #tpu.memory_space<vmem>>) dst(%dma_wait3A_102 : memref<400x64xf32, #tpu.memory_space<hbm>>)
    %dma_wait3A_103 = tpu.memref_slice %arg3[%mul3A_2] : memref<819200xi32, #tpu.memory_space<hbm>> -> memref<400xi32, #tpu.memory_space<hbm>>
    %dma_wait3A_104 = tpu.memref_slice %arg3[%mul3A_2] : memref<819200xi32, #tpu.memory_space<hbm>> -> memref<400xi32, #tpu.memory_space<hbm>>
    tpu.wait_dma2 semaphore(%arg15 : memref<!tpu.dma_semaphore, #tpu.memory_space<semaphore_mem>>) src(%dma_wait3A_104 : memref<400xi32, #tpu.memory_space<hbm>>) dst(%arg7 : memref<400xi32, #tpu.memory_space<vmem>>)
    %scan3A_105 = arith.constant 0 : i32
    %scan3A_106 = arith.constant 0 : i32
    %scan3A_107 = arith.constant 200 : i32
    %scan3A_108 = arith.addi %scan3A_106, %scan3A_107 : i32
    %scan3A_109 = arith.constant 2 : i32
    %scan3A_110 = scf.for %scan3A_239 = %scan3A_106 to %scan3A_108 step %scan3A_109 iter_args(%scan3A_240 = %scan3A_105) -> (i32)  : i32 {
      %get3A = arith.index_cast %scan3A_239 : i32 to index
      %get3A_241 = arith.constant 0 : index
      %get3A_242 = tpu.vector_load %arg6[%get3A, %get3A_241] {strides = array<i32>} : memref<200x64xf32, #tpu.memory_space<vmem>>, vector<1x16xf32>,
      %get3A_243 = vector.shape_cast %get3A_242 : vector<1x16xf32> to vector<16xf32>
      %swap3A = arith.index_cast %scan3A_239 : i32 to index
      %swap3A_244 = arith.constant 0 : index
      %swap3A_245 = tpu.vector_load %arg11[%swap3A, %swap3A_244] {strides = array<i32>} : memref<400x64xf32, #tpu.memory_space<vmem>>, vector<1x16xf32>,
      %swap3A_246 = vector.shape_cast %swap3A_245 : vector<1x16xf32> to vector<16xf32>
      %swap3A_247 = vector.shape_cast %get3A_243 : vector<16xf32> to vector<1x16xf32>
      tpu.vector_store %arg11[%swap3A, %swap3A_244], %swap3A_247 {strides = array<i32>} : memref<400x64xf32, #tpu.memory_space<vmem>>, vector<1x16xf32>,
      %add3A_248 = arith.constant 200 : i32
      %add3A_249 = arith.addi %add3A_248, %scan3A_239 : i32
      %swap3A_250 = arith.index_cast %add3A_249 : i32 to index
      %swap3A_251 = arith.constant 0 : index
      %swap3A_252 = tpu.vector_load %arg11[%swap3A_250, %swap3A_251] {strides = array<i32>} : memref<400x64xf32, #tpu.memory_space<vmem>>, vector<1x16xf32>,
      %swap3A_253 = vector.shape_cast %swap3A_252 : vector<1x16xf32> to vector<16xf32>
      %swap3A_254 = vector.shape_cast %get3A_243 : vector<16xf32> to vector<1x16xf32>
      tpu.vector_store %arg11[%swap3A_250, %swap3A_251], %swap3A_254 {strides = array<i32>} : memref<400x64xf32, #tpu.memory_space<vmem>>, vector<1x16xf32>,
      %get3A_255 = arith.index_cast %scan3A_239 : i32 to index
      %get3A_256 = arith.constant 16 : index
      %get3A_257 = tpu.vector_load %arg6[%get3A_255, %get3A_256] {strides = array<i32>} : memref<200x64xf32, #tpu.memory_space<vmem>>, vector<1x16xf32>,
      %get3A_258 = vector.shape_cast %get3A_257 : vector<1x16xf32> to vector<16xf32>
      %swap3A_259 = arith.index_cast %scan3A_239 : i32 to index
      %swap3A_260 = arith.constant 16 : index
      %swap3A_261 = tpu.vector_load %arg11[%swap3A_259, %swap3A_260] {strides = array<i32>} : memref<400x64xf32, #tpu.memory_space<vmem>>, vector<1x16xf32>,
      %swap3A_262 = vector.shape_cast %swap3A_261 : vector<1x16xf32> to vector<16xf32>
      %swap3A_263 = vector.shape_cast %get3A_258 : vector<16xf32> to vector<1x16xf32>
      tpu.vector_store %arg11[%swap3A_259, %swap3A_260], %swap3A_263 {strides = array<i32>} : memref<400x64xf32, #tpu.memory_space<vmem>>, vector<1x16xf32>,
      %add3A_264 = arith.constant 200 : i32
      %add3A_265 = arith.addi %add3A_264, %scan3A_239 : i32
      %swap3A_266 = arith.index_cast %add3A_265 : i32 to index
      %swap3A_267 = arith.constant 16 : index
      %swap3A_268 = tpu.vector_load %arg11[%swap3A_266, %swap3A_267] {strides = array<i32>} : memref<400x64xf32, #tpu.memory_space<vmem>>, vector<1x16xf32>,
      %swap3A_269 = vector.shape_cast %swap3A_268 : vector<1x16xf32> to vector<16xf32>
      %swap3A_270 = vector.shape_cast %get3A_258 : vector<16xf32> to vector<1x16xf32>
      tpu.vector_store %arg11[%swap3A_266, %swap3A_267], %swap3A_270 {strides = array<i32>} : memref<400x64xf32, #tpu.memory_space<vmem>>, vector<1x16xf32>,
      %get3A_271 = arith.index_cast %scan3A_239 : i32 to index
      %get3A_272 = arith.constant 32 : index
      %get3A_273 = tpu.vector_load %arg6[%get3A_271, %get3A_272] {strides = array<i32>} : memref<200x64xf32, #tpu.memory_space<vmem>>, vector<1x16xf32>,
      %get3A_274 = vector.shape_cast %get3A_273 : vector<1x16xf32> to vector<16xf32>
      %swap3A_275 = arith.index_cast %scan3A_239 : i32 to index
      %swap3A_276 = arith.constant 32 : index
      %swap3A_277 = tpu.vector_load %arg11[%swap3A_275, %swap3A_276] {strides = array<i32>} : memref<400x64xf32, #tpu.memory_space<vmem>>, vector<1x16xf32>,
      %swap3A_278 = vector.shape_cast %swap3A_277 : vector<1x16xf32> to vector<16xf32>
      %swap3A_279 = vector.shape_cast %get3A_274 : vector<16xf32> to vector<1x16xf32>
      tpu.vector_store %arg11[%swap3A_275, %swap3A_276], %swap3A_279 {strides = array<i32>} : memref<400x64xf32, #tpu.memory_space<vmem>>, vector<1x16xf32>,
      %add3A_280 = arith.constant 200 : i32
      %add3A_281 = arith.addi %add3A_280, %scan3A_239 : i32
      %swap3A_282 = arith.index_cast %add3A_281 : i32 to index
      %swap3A_283 = arith.constant 32 : index
      %swap3A_284 = tpu.vector_load %arg11[%swap3A_282, %swap3A_283] {strides = array<i32>} : memref<400x64xf32, #tpu.memory_space<vmem>>, vector<1x16xf32>,
      %swap3A_285 = vector.shape_cast %swap3A_284 : vector<1x16xf32> to vector<16xf32>
      %swap3A_286 = vector.shape_cast %get3A_274 : vector<16xf32> to vector<1x16xf32>
      tpu.vector_store %arg11[%swap3A_282, %swap3A_283], %swap3A_286 {strides = array<i32>} : memref<400x64xf32, #tpu.memory_space<vmem>>, vector<1x16xf32>,
      %get3A_287 = arith.index_cast %scan3A_239 : i32 to index
      %get3A_288 = arith.constant 48 : index
      %get3A_289 = tpu.vector_load %arg6[%get3A_287, %get3A_288] {strides = array<i32>} : memref<200x64xf32, #tpu.memory_space<vmem>>, vector<1x16xf32>,
      %get3A_290 = vector.shape_cast %get3A_289 : vector<1x16xf32> to vector<16xf32>
      %swap3A_291 = arith.index_cast %scan3A_239 : i32 to index
      %swap3A_292 = arith.constant 48 : index
      %swap3A_293 = tpu.vector_load %arg11[%swap3A_291, %swap3A_292] {strides = array<i32>} : memref<400x64xf32, #tpu.memory_space<vmem>>, vector<1x16xf32>,
      %swap3A_294 = vector.shape_cast %swap3A_293 : vector<1x16xf32> to vector<16xf32>
      %swap3A_295 = vector.shape_cast %get3A_290 : vector<16xf32> to vector<1x16xf32>
      tpu.vector_store %arg11[%swap3A_291, %swap3A_292], %swap3A_295 {strides = array<i32>} : memref<400x64xf32, #tpu.memory_space<vmem>>, vector<1x16xf32>,
      %add3A_296 = arith.constant 200 : i32
      %add3A_297 = arith.addi %add3A_296, %scan3A_239 : i32
      %swap3A_298 = arith.index_cast %add3A_297 : i32 to index
      %swap3A_299 = arith.constant 48 : index
      %swap3A_300 = tpu.vector_load %arg11[%swap3A_298, %swap3A_299] {strides = array<i32>} : memref<400x64xf32, #tpu.memory_space<vmem>>, vector<1x16xf32>,
      %swap3A_301 = vector.shape_cast %swap3A_300 : vector<1x16xf32> to vector<16xf32>
      %swap3A_302 = vector.shape_cast %get3A_290 : vector<16xf32> to vector<1x16xf32>
      tpu.vector_store %arg11[%swap3A_298, %swap3A_299], %swap3A_302 {strides = array<i32>} : memref<400x64xf32, #tpu.memory_space<vmem>>, vector<1x16xf32>,
      %scan3A_303 = arith.constant 0 : i32
      %scan3A_304 = arith.constant 1 : i32
      %scan3A_305 = arith.addi %scan3A_239, %scan3A_304 : i32
      %get3A_306 = arith.index_cast %scan3A_305 : i32 to index
      %get3A_307 = arith.constant 0 : index
      %get3A_308 = tpu.vector_load %arg6[%get3A_306, %get3A_307] {strides = array<i32>} : memref<200x64xf32, #tpu.memory_space<vmem>>, vector<1x16xf32>,
      %get3A_309 = vector.shape_cast %get3A_308 : vector<1x16xf32> to vector<16xf32>
      %swap3A_310 = arith.index_cast %scan3A_305 : i32 to index
      %swap3A_311 = arith.constant 0 : index
      %swap3A_312 = tpu.vector_load %arg11[%swap3A_310, %swap3A_311] {strides = array<i32>} : memref<400x64xf32, #tpu.memory_space<vmem>>, vector<1x16xf32>,
      %swap3A_313 = vector.shape_cast %swap3A_312 : vector<1x16xf32> to vector<16xf32>
      %swap3A_314 = vector.shape_cast %get3A_309 : vector<16xf32> to vector<1x16xf32>
      tpu.vector_store %arg11[%swap3A_310, %swap3A_311], %swap3A_314 {strides = array<i32>} : memref<400x64xf32, #tpu.memory_space<vmem>>, vector<1x16xf32>,
      %add3A_315 = arith.constant 200 : i32
      %add3A_316 = arith.addi %add3A_315, %scan3A_305 : i32
      %swap3A_317 = arith.index_cast %add3A_316 : i32 to index
      %swap3A_318 = arith.constant 0 : index
      %swap3A_319 = tpu.vector_load %arg11[%swap3A_317, %swap3A_318] {strides = array<i32>} : memref<400x64xf32, #tpu.memory_space<vmem>>, vector<1x16xf32>,
      %swap3A_320 = vector.shape_cast %swap3A_319 : vector<1x16xf32> to vector<16xf32>
      %swap3A_321 = vector.shape_cast %get3A_309 : vector<16xf32> to vector<1x16xf32>
      tpu.vector_store %arg11[%swap3A_317, %swap3A_318], %swap3A_321 {strides = array<i32>} : memref<400x64xf32, #tpu.memory_space<vmem>>, vector<1x16xf32>,
      %get3A_322 = arith.index_cast %scan3A_305 : i32 to index
      %get3A_323 = arith.constant 16 : index
      %get3A_324 = tpu.vector_load %arg6[%get3A_322, %get3A_323] {strides = array<i32>} : memref<200x64xf32, #tpu.memory_space<vmem>>, vector<1x16xf32>,
      %get3A_325 = vector.shape_cast %get3A_324 : vector<1x16xf32> to vector<16xf32>
      %swap3A_326 = arith.index_cast %scan3A_305 : i32 to index
      %swap3A_327 = arith.constant 16 : index
      %swap3A_328 = tpu.vector_load %arg11[%swap3A_326, %swap3A_327] {strides = array<i32>} : memref<400x64xf32, #tpu.memory_space<vmem>>, vector<1x16xf32>,
      %swap3A_329 = vector.shape_cast %swap3A_328 : vector<1x16xf32> to vector<16xf32>
      %swap3A_330 = vector.shape_cast %get3A_325 : vector<16xf32> to vector<1x16xf32>
      tpu.vector_store %arg11[%swap3A_326, %swap3A_327], %swap3A_330 {strides = array<i32>} : memref<400x64xf32, #tpu.memory_space<vmem>>, vector<1x16xf32>,
      %add3A_331 = arith.constant 200 : i32
      %add3A_332 = arith.addi %add3A_331, %scan3A_305 : i32
      %swap3A_333 = arith.index_cast %add3A_332 : i32 to index
      %swap3A_334 = arith.constant 16 : index
      %swap3A_335 = tpu.vector_load %arg11[%swap3A_333, %swap3A_334] {strides = array<i32>} : memref<400x64xf32, #tpu.memory_space<vmem>>, vector<1x16xf32>,
      %swap3A_336 = vector.shape_cast %swap3A_335 : vector<1x16xf32> to vector<16xf32>
      %swap3A_337 = vector.shape_cast %get3A_325 : vector<16xf32> to vector<1x16xf32>
      tpu.vector_store %arg11[%swap3A_333, %swap3A_334], %swap3A_337 {strides = array<i32>} : memref<400x64xf32, #tpu.memory_space<vmem>>, vector<1x16xf32>,
      %get3A_338 = arith.index_cast %scan3A_305 : i32 to index
      %get3A_339 = arith.constant 32 : index
      %get3A_340 = tpu.vector_load %arg6[%get3A_338, %get3A_339] {strides = array<i32>} : memref<200x64xf32, #tpu.memory_space<vmem>>, vector<1x16xf32>,
      %get3A_341 = vector.shape_cast %get3A_340 : vector<1x16xf32> to vector<16xf32>
      %swap3A_342 = arith.index_cast %scan3A_305 : i32 to index
      %swap3A_343 = arith.constant 32 : index
      %swap3A_344 = tpu.vector_load %arg11[%swap3A_342, %swap3A_343] {strides = array<i32>} : memref<400x64xf32, #tpu.memory_space<vmem>>, vector<1x16xf32>,
      %swap3A_345 = vector.shape_cast %swap3A_344 : vector<1x16xf32> to vector<16xf32>
      %swap3A_346 = vector.shape_cast %get3A_341 : vector<16xf32> to vector<1x16xf32>
      tpu.vector_store %arg11[%swap3A_342, %swap3A_343], %swap3A_346 {strides = array<i32>} : memref<400x64xf32, #tpu.memory_space<vmem>>, vector<1x16xf32>,
      %add3A_347 = arith.constant 200 : i32
      %add3A_348 = arith.addi %add3A_347, %scan3A_305 : i32
      %swap3A_349 = arith.index_cast %add3A_348 : i32 to index
      %swap3A_350 = arith.constant 32 : index
      %swap3A_351 = tpu.vector_load %arg11[%swap3A_349, %swap3A_350] {strides = array<i32>} : memref<400x64xf32, #tpu.memory_space<vmem>>, vector<1x16xf32>,
      %swap3A_352 = vector.shape_cast %swap3A_351 : vector<1x16xf32> to vector<16xf32>
      %swap3A_353 = vector.shape_cast %get3A_341 : vector<16xf32> to vector<1x16xf32>
      tpu.vector_store %arg11[%swap3A_349, %swap3A_350], %swap3A_353 {strides = array<i32>} : memref<400x64xf32, #tpu.memory_space<vmem>>, vector<1x16xf32>,
      %get3A_354 = arith.index_cast %scan3A_305 : i32 to index
      %get3A_355 = arith.constant 48 : index
      %get3A_356 = tpu.vector_load %arg6[%get3A_354, %get3A_355] {strides = array<i32>} : memref<200x64xf32, #tpu.memory_space<vmem>>, vector<1x16xf32>,
      %get3A_357 = vector.shape_cast %get3A_356 : vector<1x16xf32> to vector<16xf32>
      %swap3A_358 = arith.index_cast %scan3A_305 : i32 to index
      %swap3A_359 = arith.constant 48 : index
      %swap3A_360 = tpu.vector_load %arg11[%swap3A_358, %swap3A_359] {strides = array<i32>} : memref<400x64xf32, #tpu.memory_space<vmem>>, vector<1x16xf32>,
      %swap3A_361 = vector.shape_cast %swap3A_360 : vector<1x16xf32> to vector<16xf32>
      %swap3A_362 = vector.shape_cast %get3A_357 : vector<16xf32> to vector<1x16xf32>
      tpu.vector_store %arg11[%swap3A_358, %swap3A_359], %swap3A_362 {strides = array<i32>} : memref<400x64xf32, #tpu.memory_space<vmem>>, vector<1x16xf32>,
      %add3A_363 = arith.constant 200 : i32
      %add3A_364 = arith.addi %add3A_363, %scan3A_305 : i32
      %swap3A_365 = arith.index_cast %add3A_364 : i32 to index
      %swap3A_366 = arith.constant 48 : index
      %swap3A_367 = tpu.vector_load %arg11[%swap3A_365, %swap3A_366] {strides = array<i32>} : memref<400x64xf32, #tpu.memory_space<vmem>>, vector<1x16xf32>,
      %swap3A_368 = vector.shape_cast %swap3A_367 : vector<1x16xf32> to vector<16xf32>
      %swap3A_369 = vector.shape_cast %get3A_357 : vector<16xf32> to vector<1x16xf32>
      tpu.vector_store %arg11[%swap3A_365, %swap3A_366], %swap3A_369 {strides = array<i32>} : memref<400x64xf32, #tpu.memory_space<vmem>>, vector<1x16xf32>,
      %scan3A_370 = arith.constant 0 : i32
      scf.yield %scan3A_370 : i32
    }
    %scan3A_111 = arith.constant 200 : i32
    %dma_start3A_112 = arith.constant 0 : i32
    %dma_start3A_113 = arith.constant 0 : i32
    %dma_start3A_114 = tpu.memref_slice %arg2[%dma_start3A_112, %dma_start3A_113] : memref<100000x64xf32, #tpu.memory_space<hbm>> -> memref<100000x64xf32, #tpu.memory_space<hbm>>
    tpu.enqueue_indirect_dma source(%dma_start3A_114 : memref<100000x64xf32, #tpu.memory_space<hbm>>) target(%arg11 : memref<400x64xf32, #tpu.memory_space<vmem>>) offsets(%arg7 : memref<400xi32, #tpu.memory_space<vmem>>) semaphore(%arg19 : memref<!tpu.dma_semaphore, #tpu.memory_space<semaphore_mem>>) {add = true}
    %add3A_115 = arith.constant 2400 : i32
    %add3A_116 = arith.addi %mul3A_2, %add3A_115 : i32
    %dma_start3A_117 = tpu.memref_slice %arg3[%add3A_116] : memref<819200xi32, #tpu.memory_space<hbm>> -> memref<400xi32, #tpu.memory_space<hbm>>
    %dma_start3A_118 = tpu.memref_slice %arg3[%add3A_116] : memref<819200xi32, #tpu.memory_space<hbm>> -> memref<400xi32, #tpu.memory_space<hbm>>
    tpu.enqueue_dma source(%dma_start3A_118 : memref<400xi32, #tpu.memory_space<hbm>>) target(%arg9 : memref<400xi32, #tpu.memory_space<vmem>>) target_semaphore(%arg17 : memref<!tpu.dma_semaphore, #tpu.memory_space<semaphore_mem>>)
    %dma_wait3A_119 = arith.constant 0 : i32
    %dma_wait3A_120 = arith.constant 0 : i32
    %dma_wait3A_121 = tpu.memref_slice %arg2[%dma_wait3A_119, %dma_wait3A_120] : memref<100000x64xf32, #tpu.memory_space<hbm>> -> memref<100000x64xf32, #tpu.memory_space<hbm>>
    tpu.wait_indirect_dma semaphore(%arg22 : memref<!tpu.dma_semaphore, #tpu.memory_space<semaphore_mem>>) src(%dma_wait3A_121 : memref<100000x64xf32, #tpu.memory_space<hbm>>) dst(%arg14 : memref<400x64xf32, #tpu.memory_space<vmem>>)
    %add3A_122 = arith.constant 1200 : i32
    %add3A_123 = arith.addi %mul3A_2, %add3A_122 : i32
    %dma_start3A_124 = arith.constant 0 : i32
    %dma_start3A_125 = tpu.memref_slice %arg5[%add3A_123, %dma_start3A_124] : memref<819200x64xf32, #tpu.memory_space<hbm>> -> memref<400x64xf32, #tpu.memory_space<hbm>>
    %dma_start3A_126 = arith.constant 0 : i32
    %dma_start3A_127 = tpu.memref_slice %arg5[%add3A_123, %dma_start3A_126] : memref<819200x64xf32, #tpu.memory_space<hbm>> -> memref<400x64xf32, #tpu.memory_space<hbm>>
    tpu.enqueue_dma source(%arg14 : memref<400x64xf32, #tpu.memory_space<vmem>>) target(%dma_start3A_127 : memref<400x64xf32, #tpu.memory_space<hbm>>) target_semaphore(%arg26 : memref<!tpu.dma_semaphore, #tpu.memory_space<semaphore_mem>>)
    %dma_wait3A_128 = arith.constant 0 : i32
    %dma_wait3A_129 = tpu.memref_slice %arg5[%mul3A_2, %dma_wait3A_128] : memref<819200x64xf32, #tpu.memory_space<hbm>> -> memref<400x64xf32, #tpu.memory_space<hbm>>
    %dma_wait3A_130 = arith.constant 0 : i32
    %dma_wait3A_131 = tpu.memref_slice %arg5[%mul3A_2, %dma_wait3A_130] : memref<819200x64xf32, #tpu.memory_space<hbm>> -> memref<400x64xf32, #tpu.memory_space<hbm>>
    tpu.wait_dma2 semaphore(%arg24 : memref<!tpu.dma_semaphore, #tpu.memory_space<semaphore_mem>>) src(%arg12 : memref<400x64xf32, #tpu.memory_space<vmem>>) dst(%dma_wait3A_131 : memref<400x64xf32, #tpu.memory_space<hbm>>)
    %dma_wait3A_132 = tpu.memref_slice %arg3[%mul3A_2] : memref<819200xi32, #tpu.memory_space<hbm>> -> memref<400xi32, #tpu.memory_space<hbm>>
    %dma_wait3A_133 = tpu.memref_slice %arg3[%mul3A_2] : memref<819200xi32, #tpu.memory_space<hbm>> -> memref<400xi32, #tpu.memory_space<hbm>>
    tpu.wait_dma2 semaphore(%arg16 : memref<!tpu.dma_semaphore, #tpu.memory_space<semaphore_mem>>) src(%dma_wait3A_133 : memref<400xi32, #tpu.memory_space<hbm>>) dst(%arg8 : memref<400xi32, #tpu.memory_space<vmem>>)
    %scan3A_134 = arith.constant 0 : i32
    %scan3A_135 = arith.constant 0 : i32
    %scan3A_136 = arith.constant 200 : i32
    %scan3A_137 = arith.addi %scan3A_135, %scan3A_136 : i32
    %scan3A_138 = arith.constant 2 : i32
    %scan3A_139 = scf.for %scan3A_239 = %scan3A_135 to %scan3A_137 step %scan3A_138 iter_args(%scan3A_240 = %scan3A_134) -> (i32)  : i32 {
      %get3A = arith.index_cast %scan3A_239 : i32 to index
      %get3A_241 = arith.constant 0 : index
      %get3A_242 = tpu.vector_load %arg6[%get3A, %get3A_241] {strides = array<i32>} : memref<200x64xf32, #tpu.memory_space<vmem>>, vector<1x16xf32>,
      %get3A_243 = vector.shape_cast %get3A_242 : vector<1x16xf32> to vector<16xf32>
      %swap3A = arith.index_cast %scan3A_239 : i32 to index
      %swap3A_244 = arith.constant 0 : index
      %swap3A_245 = tpu.vector_load %arg12[%swap3A, %swap3A_244] {strides = array<i32>} : memref<400x64xf32, #tpu.memory_space<vmem>>, vector<1x16xf32>,
      %swap3A_246 = vector.shape_cast %swap3A_245 : vector<1x16xf32> to vector<16xf32>
      %swap3A_247 = vector.shape_cast %get3A_243 : vector<16xf32> to vector<1x16xf32>
      tpu.vector_store %arg12[%swap3A, %swap3A_244], %swap3A_247 {strides = array<i32>} : memref<400x64xf32, #tpu.memory_space<vmem>>, vector<1x16xf32>,
      %add3A_248 = arith.constant 200 : i32
      %add3A_249 = arith.addi %add3A_248, %scan3A_239 : i32
      %swap3A_250 = arith.index_cast %add3A_249 : i32 to index
      %swap3A_251 = arith.constant 0 : index
      %swap3A_252 = tpu.vector_load %arg12[%swap3A_250, %swap3A_251] {strides = array<i32>} : memref<400x64xf32, #tpu.memory_space<vmem>>, vector<1x16xf32>,
      %swap3A_253 = vector.shape_cast %swap3A_252 : vector<1x16xf32> to vector<16xf32>
      %swap3A_254 = vector.shape_cast %get3A_243 : vector<16xf32> to vector<1x16xf32>
      tpu.vector_store %arg12[%swap3A_250, %swap3A_251], %swap3A_254 {strides = array<i32>} : memref<400x64xf32, #tpu.memory_space<vmem>>, vector<1x16xf32>,
      %get3A_255 = arith.index_cast %scan3A_239 : i32 to index
      %get3A_256 = arith.constant 16 : index
      %get3A_257 = tpu.vector_load %arg6[%get3A_255, %get3A_256] {strides = array<i32>} : memref<200x64xf32, #tpu.memory_space<vmem>>, vector<1x16xf32>,
      %get3A_258 = vector.shape_cast %get3A_257 : vector<1x16xf32> to vector<16xf32>
      %swap3A_259 = arith.index_cast %scan3A_239 : i32 to index
      %swap3A_260 = arith.constant 16 : index
      %swap3A_261 = tpu.vector_load %arg12[%swap3A_259, %swap3A_260] {strides = array<i32>} : memref<400x64xf32, #tpu.memory_space<vmem>>, vector<1x16xf32>,
      %swap3A_262 = vector.shape_cast %swap3A_261 : vector<1x16xf32> to vector<16xf32>
      %swap3A_263 = vector.shape_cast %get3A_258 : vector<16xf32> to vector<1x16xf32>
      tpu.vector_store %arg12[%swap3A_259, %swap3A_260], %swap3A_263 {strides = array<i32>} : memref<400x64xf32, #tpu.memory_space<vmem>>, vector<1x16xf32>,
      %add3A_264 = arith.constant 200 : i32
      %add3A_265 = arith.addi %add3A_264, %scan3A_239 : i32
      %swap3A_266 = arith.index_cast %add3A_265 : i32 to index
      %swap3A_267 = arith.constant 16 : index
      %swap3A_268 = tpu.vector_load %arg12[%swap3A_266, %swap3A_267] {strides = array<i32>} : memref<400x64xf32, #tpu.memory_space<vmem>>, vector<1x16xf32>,
      %swap3A_269 = vector.shape_cast %swap3A_268 : vector<1x16xf32> to vector<16xf32>
      %swap3A_270 = vector.shape_cast %get3A_258 : vector<16xf32> to vector<1x16xf32>
      tpu.vector_store %arg12[%swap3A_266, %swap3A_267], %swap3A_270 {strides = array<i32>} : memref<400x64xf32, #tpu.memory_space<vmem>>, vector<1x16xf32>,
      %get3A_271 = arith.index_cast %scan3A_239 : i32 to index
      %get3A_272 = arith.constant 32 : index
      %get3A_273 = tpu.vector_load %arg6[%get3A_271, %get3A_272] {strides = array<i32>} : memref<200x64xf32, #tpu.memory_space<vmem>>, vector<1x16xf32>,
      %get3A_274 = vector.shape_cast %get3A_273 : vector<1x16xf32> to vector<16xf32>
      %swap3A_275 = arith.index_cast %scan3A_239 : i32 to index
      %swap3A_276 = arith.constant 32 : index
      %swap3A_277 = tpu.vector_load %arg12[%swap3A_275, %swap3A_276] {strides = array<i32>} : memref<400x64xf32, #tpu.memory_space<vmem>>, vector<1x16xf32>,
      %swap3A_278 = vector.shape_cast %swap3A_277 : vector<1x16xf32> to vector<16xf32>
      %swap3A_279 = vector.shape_cast %get3A_274 : vector<16xf32> to vector<1x16xf32>
      tpu.vector_store %arg12[%swap3A_275, %swap3A_276], %swap3A_279 {strides = array<i32>} : memref<400x64xf32, #tpu.memory_space<vmem>>, vector<1x16xf32>,
      %add3A_280 = arith.constant 200 : i32
      %add3A_281 = arith.addi %add3A_280, %scan3A_239 : i32
      %swap3A_282 = arith.index_cast %add3A_281 : i32 to index
      %swap3A_283 = arith.constant 32 : index
      %swap3A_284 = tpu.vector_load %arg12[%swap3A_282, %swap3A_283] {strides = array<i32>} : memref<400x64xf32, #tpu.memory_space<vmem>>, vector<1x16xf32>,
      %swap3A_285 = vector.shape_cast %swap3A_284 : vector<1x16xf32> to vector<16xf32>
      %swap3A_286 = vector.shape_cast %get3A_274 : vector<16xf32> to vector<1x16xf32>
      tpu.vector_store %arg12[%swap3A_282, %swap3A_283], %swap3A_286 {strides = array<i32>} : memref<400x64xf32, #tpu.memory_space<vmem>>, vector<1x16xf32>,
      %get3A_287 = arith.index_cast %scan3A_239 : i32 to index
      %get3A_288 = arith.constant 48 : index
      %get3A_289 = tpu.vector_load %arg6[%get3A_287, %get3A_288] {strides = array<i32>} : memref<200x64xf32, #tpu.memory_space<vmem>>, vector<1x16xf32>,
      %get3A_290 = vector.shape_cast %get3A_289 : vector<1x16xf32> to vector<16xf32>
      %swap3A_291 = arith.index_cast %scan3A_239 : i32 to index
      %swap3A_292 = arith.constant 48 : index
      %swap3A_293 = tpu.vector_load %arg12[%swap3A_291, %swap3A_292] {strides = array<i32>} : memref<400x64xf32, #tpu.memory_space<vmem>>, vector<1x16xf32>,
      %swap3A_294 = vector.shape_cast %swap3A_293 : vector<1x16xf32> to vector<16xf32>
      %swap3A_295 = vector.shape_cast %get3A_290 : vector<16xf32> to vector<1x16xf32>
      tpu.vector_store %arg12[%swap3A_291, %swap3A_292], %swap3A_295 {strides = array<i32>} : memref<400x64xf32, #tpu.memory_space<vmem>>, vector<1x16xf32>,
      %add3A_296 = arith.constant 200 : i32
      %add3A_297 = arith.addi %add3A_296, %scan3A_239 : i32
      %swap3A_298 = arith.index_cast %add3A_297 : i32 to index
      %swap3A_299 = arith.constant 48 : index
      %swap3A_300 = tpu.vector_load %arg12[%swap3A_298, %swap3A_299] {strides = array<i32>} : memref<400x64xf32, #tpu.memory_space<vmem>>, vector<1x16xf32>,
      %swap3A_301 = vector.shape_cast %swap3A_300 : vector<1x16xf32> to vector<16xf32>
      %swap3A_302 = vector.shape_cast %get3A_290 : vector<16xf32> to vector<1x16xf32>
      tpu.vector_store %arg12[%swap3A_298, %swap3A_299], %swap3A_302 {strides = array<i32>} : memref<400x64xf32, #tpu.memory_space<vmem>>, vector<1x16xf32>,
      %scan3A_303 = arith.constant 0 : i32
      %scan3A_304 = arith.constant 1 : i32
      %scan3A_305 = arith.addi %scan3A_239, %scan3A_304 : i32
      %get3A_306 = arith.index_cast %scan3A_305 : i32 to index
      %get3A_307 = arith.constant 0 : index
      %get3A_308 = tpu.vector_load %arg6[%get3A_306, %get3A_307] {strides = array<i32>} : memref<200x64xf32, #tpu.memory_space<vmem>>, vector<1x16xf32>,
      %get3A_309 = vector.shape_cast %get3A_308 : vector<1x16xf32> to vector<16xf32>
      %swap3A_310 = arith.index_cast %scan3A_305 : i32 to index
      %swap3A_311 = arith.constant 0 : index
      %swap3A_312 = tpu.vector_load %arg12[%swap3A_310, %swap3A_311] {strides = array<i32>} : memref<400x64xf32, #tpu.memory_space<vmem>>, vector<1x16xf32>,
      %swap3A_313 = vector.shape_cast %swap3A_312 : vector<1x16xf32> to vector<16xf32>
      %swap3A_314 = vector.shape_cast %get3A_309 : vector<16xf32> to vector<1x16xf32>
      tpu.vector_store %arg12[%swap3A_310, %swap3A_311], %swap3A_314 {strides = array<i32>} : memref<400x64xf32, #tpu.memory_space<vmem>>, vector<1x16xf32>,
      %add3A_315 = arith.constant 200 : i32
      %add3A_316 = arith.addi %add3A_315, %scan3A_305 : i32
      %swap3A_317 = arith.index_cast %add3A_316 : i32 to index
      %swap3A_318 = arith.constant 0 : index
      %swap3A_319 = tpu.vector_load %arg12[%swap3A_317, %swap3A_318] {strides = array<i32>} : memref<400x64xf32, #tpu.memory_space<vmem>>, vector<1x16xf32>,
      %swap3A_320 = vector.shape_cast %swap3A_319 : vector<1x16xf32> to vector<16xf32>
      %swap3A_321 = vector.shape_cast %get3A_309 : vector<16xf32> to vector<1x16xf32>
      tpu.vector_store %arg12[%swap3A_317, %swap3A_318], %swap3A_321 {strides = array<i32>} : memref<400x64xf32, #tpu.memory_space<vmem>>, vector<1x16xf32>,
      %get3A_322 = arith.index_cast %scan3A_305 : i32 to index
      %get3A_323 = arith.constant 16 : index
      %get3A_324 = tpu.vector_load %arg6[%get3A_322, %get3A_323] {strides = array<i32>} : memref<200x64xf32, #tpu.memory_space<vmem>>, vector<1x16xf32>,
      %get3A_325 = vector.shape_cast %get3A_324 : vector<1x16xf32> to vector<16xf32>
      %swap3A_326 = arith.index_cast %scan3A_305 : i32 to index
      %swap3A_327 = arith.constant 16 : index
      %swap3A_328 = tpu.vector_load %arg12[%swap3A_326, %swap3A_327] {strides = array<i32>} : memref<400x64xf32, #tpu.memory_space<vmem>>, vector<1x16xf32>,
      %swap3A_329 = vector.shape_cast %swap3A_328 : vector<1x16xf32> to vector<16xf32>
      %swap3A_330 = vector.shape_cast %get3A_325 : vector<16xf32> to vector<1x16xf32>
      tpu.vector_store %arg12[%swap3A_326, %swap3A_327], %swap3A_330 {strides = array<i32>} : memref<400x64xf32, #tpu.memory_space<vmem>>, vector<1x16xf32>,
      %add3A_331 = arith.constant 200 : i32
      %add3A_332 = arith.addi %add3A_331, %scan3A_305 : i32
      %swap3A_333 = arith.index_cast %add3A_332 : i32 to index
      %swap3A_334 = arith.constant 16 : index
      %swap3A_335 = tpu.vector_load %arg12[%swap3A_333, %swap3A_334] {strides = array<i32>} : memref<400x64xf32, #tpu.memory_space<vmem>>, vector<1x16xf32>,
      %swap3A_336 = vector.shape_cast %swap3A_335 : vector<1x16xf32> to vector<16xf32>
      %swap3A_337 = vector.shape_cast %get3A_325 : vector<16xf32> to vector<1x16xf32>
      tpu.vector_store %arg12[%swap3A_333, %swap3A_334], %swap3A_337 {strides = array<i32>} : memref<400x64xf32, #tpu.memory_space<vmem>>, vector<1x16xf32>,
      %get3A_338 = arith.index_cast %scan3A_305 : i32 to index
      %get3A_339 = arith.constant 32 : index
      %get3A_340 = tpu.vector_load %arg6[%get3A_338, %get3A_339] {strides = array<i32>} : memref<200x64xf32, #tpu.memory_space<vmem>>, vector<1x16xf32>,
      %get3A_341 = vector.shape_cast %get3A_340 : vector<1x16xf32> to vector<16xf32>
      %swap3A_342 = arith.index_cast %scan3A_305 : i32 to index
      %swap3A_343 = arith.constant 32 : index
      %swap3A_344 = tpu.vector_load %arg12[%swap3A_342, %swap3A_343] {strides = array<i32>} : memref<400x64xf32, #tpu.memory_space<vmem>>, vector<1x16xf32>,
      %swap3A_345 = vector.shape_cast %swap3A_344 : vector<1x16xf32> to vector<16xf32>
      %swap3A_346 = vector.shape_cast %get3A_341 : vector<16xf32> to vector<1x16xf32>
      tpu.vector_store %arg12[%swap3A_342, %swap3A_343], %swap3A_346 {strides = array<i32>} : memref<400x64xf32, #tpu.memory_space<vmem>>, vector<1x16xf32>,
      %add3A_347 = arith.constant 200 : i32
      %add3A_348 = arith.addi %add3A_347, %scan3A_305 : i32
      %swap3A_349 = arith.index_cast %add3A_348 : i32 to index
      %swap3A_350 = arith.constant 32 : index
      %swap3A_351 = tpu.vector_load %arg12[%swap3A_349, %swap3A_350] {strides = array<i32>} : memref<400x64xf32, #tpu.memory_space<vmem>>, vector<1x16xf32>,
      %swap3A_352 = vector.shape_cast %swap3A_351 : vector<1x16xf32> to vector<16xf32>
      %swap3A_353 = vector.shape_cast %get3A_341 : vector<16xf32> to vector<1x16xf32>
      tpu.vector_store %arg12[%swap3A_349, %swap3A_350], %swap3A_353 {strides = array<i32>} : memref<400x64xf32, #tpu.memory_space<vmem>>, vector<1x16xf32>,
      %get3A_354 = arith.index_cast %scan3A_305 : i32 to index
      %get3A_355 = arith.constant 48 : index
      %get3A_356 = tpu.vector_load %arg6[%get3A_354, %get3A_355] {strides = array<i32>} : memref<200x64xf32, #tpu.memory_space<vmem>>, vector<1x16xf32>,
      %get3A_357 = vector.shape_cast %get3A_356 : vector<1x16xf32> to vector<16xf32>
      %swap3A_358 = arith.index_cast %scan3A_305 : i32 to index
      %swap3A_359 = arith.constant 48 : index
      %swap3A_360 = tpu.vector_load %arg12[%swap3A_358, %swap3A_359] {strides = array<i32>} : memref<400x64xf32, #tpu.memory_space<vmem>>, vector<1x16xf32>,
      %swap3A_361 = vector.shape_cast %swap3A_360 : vector<1x16xf32> to vector<16xf32>
      %swap3A_362 = vector.shape_cast %get3A_357 : vector<16xf32> to vector<1x16xf32>
      tpu.vector_store %arg12[%swap3A_358, %swap3A_359], %swap3A_362 {strides = array<i32>} : memref<400x64xf32, #tpu.memory_space<vmem>>, vector<1x16xf32>,
      %add3A_363 = arith.constant 200 : i32
      %add3A_364 = arith.addi %add3A_363, %scan3A_305 : i32
      %swap3A_365 = arith.index_cast %add3A_364 : i32 to index
      %swap3A_366 = arith.constant 48 : index
      %swap3A_367 = tpu.vector_load %arg12[%swap3A_365, %swap3A_366] {strides = array<i32>} : memref<400x64xf32, #tpu.memory_space<vmem>>, vector<1x16xf32>,
      %swap3A_368 = vector.shape_cast %swap3A_367 : vector<1x16xf32> to vector<16xf32>
      %swap3A_369 = vector.shape_cast %get3A_357 : vector<16xf32> to vector<1x16xf32>
      tpu.vector_store %arg12[%swap3A_365, %swap3A_366], %swap3A_369 {strides = array<i32>} : memref<400x64xf32, #tpu.memory_space<vmem>>, vector<1x16xf32>,
      %scan3A_370 = arith.constant 0 : i32
      scf.yield %scan3A_370 : i32
    }
    %scan3A_140 = arith.constant 200 : i32
    %dma_start3A_141 = arith.constant 0 : i32
    %dma_start3A_142 = arith.constant 0 : i32
    %dma_start3A_143 = tpu.memref_slice %arg2[%dma_start3A_141, %dma_start3A_142] : memref<100000x64xf32, #tpu.memory_space<hbm>> -> memref<100000x64xf32, #tpu.memory_space<hbm>>
    tpu.enqueue_indirect_dma source(%dma_start3A_143 : memref<100000x64xf32, #tpu.memory_space<hbm>>) target(%arg12 : memref<400x64xf32, #tpu.memory_space<vmem>>) offsets(%arg8 : memref<400xi32, #tpu.memory_space<vmem>>) semaphore(%arg20 : memref<!tpu.dma_semaphore, #tpu.memory_space<semaphore_mem>>) {add = true}
    %add3A_144 = arith.constant 2800 : i32
    %add3A_145 = arith.addi %mul3A_2, %add3A_144 : i32
    %dma_start3A_146 = tpu.memref_slice %arg3[%add3A_145] : memref<819200xi32, #tpu.memory_space<hbm>> -> memref<400xi32, #tpu.memory_space<hbm>>
    %dma_start3A_147 = tpu.memref_slice %arg3[%add3A_145] : memref<819200xi32, #tpu.memory_space<hbm>> -> memref<400xi32, #tpu.memory_space<hbm>>
    tpu.enqueue_dma source(%dma_start3A_147 : memref<400xi32, #tpu.memory_space<hbm>>) target(%arg10 : memref<400xi32, #tpu.memory_space<vmem>>) target_semaphore(%arg18 : memref<!tpu.dma_semaphore, #tpu.memory_space<semaphore_mem>>)
    %scan3A_148 = arith.constant 0 : i32
    %scan3A_149 = arith.constant 1 : i32
    %scan3A_150 = arith.constant 14 : i32
    %scan3A_151 = arith.addi %scan3A_149, %scan3A_150 : i32
    %scan3A_152 = arith.constant 1 : i32
    %scan3A_153 = scf.for %scan3A_239 = %scan3A_149 to %scan3A_151 step %scan3A_152 iter_args(%scan3A_240 = %scan3A_148) -> (i32)  : i32 {
      %mul3A_241 = arith.constant 4 : i32
      %mul3A_242 = arith.muli %mul3A_241, %scan3A_239 : i32
      %add3A_243 = arith.constant 0 : i32
      %add3A_244 = arith.addi %mul3A_242, %add3A_243 : i32
      %dma_wait3A_245 = arith.constant 0 : i32
      %dma_wait3A_246 = arith.constant 0 : i32
      %dma_wait3A_247 = tpu.memref_slice %arg2[%dma_wait3A_245, %dma_wait3A_246] : memref<100000x64xf32, #tpu.memory_space<hbm>> -> memref<100000x64xf32, #tpu.memory_space<hbm>>
      tpu.wait_indirect_dma semaphore(%arg19 : memref<!tpu.dma_semaphore, #tpu.memory_space<semaphore_mem>>) src(%dma_wait3A_247 : memref<100000x64xf32, #tpu.memory_space<hbm>>) dst(%arg11 : memref<400x64xf32, #tpu.memory_space<vmem>>)
      %mul3A_248 = arith.constant 400 : i32
      %mul3A_249 = arith.muli %add3A_244, %mul3A_248 : i32
      %add3A_250 = arith.addi %mul3A_2, %mul3A_249 : i32
      %dma_start3A_251 = arith.constant 0 : i32
      %dma_start3A_252 = tpu.memref_slice %arg5[%add3A_250, %dma_start3A_251] : memref<819200x64xf32, #tpu.memory_space<hbm>> -> memref<400x64xf32, #tpu.memory_space<hbm>>
      %dma_start3A_253 = arith.constant 0 : i32
      %dma_start3A_254 = tpu.memref_slice %arg5[%add3A_250, %dma_start3A_253] : memref<819200x64xf32, #tpu.memory_space<hbm>> -> memref<400x64xf32, #tpu.memory_space<hbm>>
      tpu.enqueue_dma source(%arg11 : memref<400x64xf32, #tpu.memory_space<vmem>>) target(%dma_start3A_254 : memref<400x64xf32, #tpu.memory_space<hbm>>) target_semaphore(%arg23 : memref<!tpu.dma_semaphore, #tpu.memory_space<semaphore_mem>>)
      %dma_wait3A_255 = arith.constant 0 : i32
      %dma_wait3A_256 = tpu.memref_slice %arg5[%mul3A_2, %dma_wait3A_255] : memref<819200x64xf32, #tpu.memory_space<hbm>> -> memref<400x64xf32, #tpu.memory_space<hbm>>
      %dma_wait3A_257 = arith.constant 0 : i32
      %dma_wait3A_258 = tpu.memref_slice %arg5[%mul3A_2, %dma_wait3A_257] : memref<819200x64xf32, #tpu.memory_space<hbm>> -> memref<400x64xf32, #tpu.memory_space<hbm>>
      tpu.wait_dma2 semaphore(%arg25 : memref<!tpu.dma_semaphore, #tpu.memory_space<semaphore_mem>>) src(%arg13 : memref<400x64xf32, #tpu.memory_space<vmem>>) dst(%dma_wait3A_258 : memref<400x64xf32, #tpu.memory_space<hbm>>)
      %dma_wait3A_259 = tpu.memref_slice %arg3[%mul3A_2] : memref<819200xi32, #tpu.memory_space<hbm>> -> memref<400xi32, #tpu.memory_space<hbm>>
      %dma_wait3A_260 = tpu.memref_slice %arg3[%mul3A_2] : memref<819200xi32, #tpu.memory_space<hbm>> -> memref<400xi32, #tpu.memory_space<hbm>>
      tpu.wait_dma2 semaphore(%arg17 : memref<!tpu.dma_semaphore, #tpu.memory_space<semaphore_mem>>) src(%dma_wait3A_260 : memref<400xi32, #tpu.memory_space<hbm>>) dst(%arg9 : memref<400xi32, #tpu.memory_space<vmem>>)
      %scan3A_261 = arith.constant 0 : i32
      %scan3A_262 = arith.constant 0 : i32
      %scan3A_263 = arith.constant 200 : i32
      %scan3A_264 = arith.addi %scan3A_262, %scan3A_263 : i32
      %scan3A_265 = arith.constant 2 : i32
      %scan3A_266 = scf.for %scan3A_390 = %scan3A_262 to %scan3A_264 step %scan3A_265 iter_args(%scan3A_391 = %scan3A_261) -> (i32)  : i32 {
        %get3A = arith.index_cast %scan3A_390 : i32 to index
        %get3A_392 = arith.constant 0 : index
        %get3A_393 = tpu.vector_load %arg6[%get3A, %get3A_392] {strides = array<i32>} : memref<200x64xf32, #tpu.memory_space<vmem>>, vector<1x16xf32>,
        %get3A_394 = vector.shape_cast %get3A_393 : vector<1x16xf32> to vector<16xf32>
        %swap3A = arith.index_cast %scan3A_390 : i32 to index
        %swap3A_395 = arith.constant 0 : index
        %swap3A_396 = tpu.vector_load %arg13[%swap3A, %swap3A_395] {strides = array<i32>} : memref<400x64xf32, #tpu.memory_space<vmem>>, vector<1x16xf32>,
        %swap3A_397 = vector.shape_cast %swap3A_396 : vector<1x16xf32> to vector<16xf32>
        %swap3A_398 = vector.shape_cast %get3A_394 : vector<16xf32> to vector<1x16xf32>
        tpu.vector_store %arg13[%swap3A, %swap3A_395], %swap3A_398 {strides = array<i32>} : memref<400x64xf32, #tpu.memory_space<vmem>>, vector<1x16xf32>,
        %add3A_399 = arith.constant 200 : i32
        %add3A_400 = arith.addi %add3A_399, %scan3A_390 : i32
        %swap3A_401 = arith.index_cast %add3A_400 : i32 to index
        %swap3A_402 = arith.constant 0 : index
        %swap3A_403 = tpu.vector_load %arg13[%swap3A_401, %swap3A_402] {strides = array<i32>} : memref<400x64xf32, #tpu.memory_space<vmem>>, vector<1x16xf32>,
        %swap3A_404 = vector.shape_cast %swap3A_403 : vector<1x16xf32> to vector<16xf32>
        %swap3A_405 = vector.shape_cast %get3A_394 : vector<16xf32> to vector<1x16xf32>
        tpu.vector_store %arg13[%swap3A_401, %swap3A_402], %swap3A_405 {strides = array<i32>} : memref<400x64xf32, #tpu.memory_space<vmem>>, vector<1x16xf32>,
        %get3A_406 = arith.index_cast %scan3A_390 : i32 to index
        %get3A_407 = arith.constant 16 : index
        %get3A_408 = tpu.vector_load %arg6[%get3A_406, %get3A_407] {strides = array<i32>} : memref<200x64xf32, #tpu.memory_space<vmem>>, vector<1x16xf32>,
        %get3A_409 = vector.shape_cast %get3A_408 : vector<1x16xf32> to vector<16xf32>
        %swap3A_410 = arith.index_cast %scan3A_390 : i32 to index
        %swap3A_411 = arith.constant 16 : index
        %swap3A_412 = tpu.vector_load %arg13[%swap3A_410, %swap3A_411] {strides = array<i32>} : memref<400x64xf32, #tpu.memory_space<vmem>>, vector<1x16xf32>,
        %swap3A_413 = vector.shape_cast %swap3A_412 : vector<1x16xf32> to vector<16xf32>
        %swap3A_414 = vector.shape_cast %get3A_409 : vector<16xf32> to vector<1x16xf32>
        tpu.vector_store %arg13[%swap3A_410, %swap3A_411], %swap3A_414 {strides = array<i32>} : memref<400x64xf32, #tpu.memory_space<vmem>>, vector<1x16xf32>,
        %add3A_415 = arith.constant 200 : i32
        %add3A_416 = arith.addi %add3A_415, %scan3A_390 : i32
        %swap3A_417 = arith.index_cast %add3A_416 : i32 to index
        %swap3A_418 = arith.constant 16 : index
        %swap3A_419 = tpu.vector_load %arg13[%swap3A_417, %swap3A_418] {strides = array<i32>} : memref<400x64xf32, #tpu.memory_space<vmem>>, vector<1x16xf32>,
        %swap3A_420 = vector.shape_cast %swap3A_419 : vector<1x16xf32> to vector<16xf32>
        %swap3A_421 = vector.shape_cast %get3A_409 : vector<16xf32> to vector<1x16xf32>
        tpu.vector_store %arg13[%swap3A_417, %swap3A_418], %swap3A_421 {strides = array<i32>} : memref<400x64xf32, #tpu.memory_space<vmem>>, vector<1x16xf32>,
        %get3A_422 = arith.index_cast %scan3A_390 : i32 to index
        %get3A_423 = arith.constant 32 : index
        %get3A_424 = tpu.vector_load %arg6[%get3A_422, %get3A_423] {strides = array<i32>} : memref<200x64xf32, #tpu.memory_space<vmem>>, vector<1x16xf32>,
        %get3A_425 = vector.shape_cast %get3A_424 : vector<1x16xf32> to vector<16xf32>
        %swap3A_426 = arith.index_cast %scan3A_390 : i32 to index
        %swap3A_427 = arith.constant 32 : index
        %swap3A_428 = tpu.vector_load %arg13[%swap3A_426, %swap3A_427] {strides = array<i32>} : memref<400x64xf32, #tpu.memory_space<vmem>>, vector<1x16xf32>,
        %swap3A_429 = vector.shape_cast %swap3A_428 : vector<1x16xf32> to vector<16xf32>
        %swap3A_430 = vector.shape_cast %get3A_425 : vector<16xf32> to vector<1x16xf32>
        tpu.vector_store %arg13[%swap3A_426, %swap3A_427], %swap3A_430 {strides = array<i32>} : memref<400x64xf32, #tpu.memory_space<vmem>>, vector<1x16xf32>,
        %add3A_431 = arith.constant 200 : i32
        %add3A_432 = arith.addi %add3A_431, %scan3A_390 : i32
        %swap3A_433 = arith.index_cast %add3A_432 : i32 to index
        %swap3A_434 = arith.constant 32 : index
        %swap3A_435 = tpu.vector_load %arg13[%swap3A_433, %swap3A_434] {strides = array<i32>} : memref<400x64xf32, #tpu.memory_space<vmem>>, vector<1x16xf32>,
        %swap3A_436 = vector.shape_cast %swap3A_435 : vector<1x16xf32> to vector<16xf32>
        %swap3A_437 = vector.shape_cast %get3A_425 : vector<16xf32> to vector<1x16xf32>
        tpu.vector_store %arg13[%swap3A_433, %swap3A_434], %swap3A_437 {strides = array<i32>} : memref<400x64xf32, #tpu.memory_space<vmem>>, vector<1x16xf32>,
        %get3A_438 = arith.index_cast %scan3A_390 : i32 to index
        %get3A_439 = arith.constant 48 : index
        %get3A_440 = tpu.vector_load %arg6[%get3A_438, %get3A_439] {strides = array<i32>} : memref<200x64xf32, #tpu.memory_space<vmem>>, vector<1x16xf32>,
        %get3A_441 = vector.shape_cast %get3A_440 : vector<1x16xf32> to vector<16xf32>
        %swap3A_442 = arith.index_cast %scan3A_390 : i32 to index
        %swap3A_443 = arith.constant 48 : index
        %swap3A_444 = tpu.vector_load %arg13[%swap3A_442, %swap3A_443] {strides = array<i32>} : memref<400x64xf32, #tpu.memory_space<vmem>>, vector<1x16xf32>,
        %swap3A_445 = vector.shape_cast %swap3A_444 : vector<1x16xf32> to vector<16xf32>
        %swap3A_446 = vector.shape_cast %get3A_441 : vector<16xf32> to vector<1x16xf32>
        tpu.vector_store %arg13[%swap3A_442, %swap3A_443], %swap3A_446 {strides = array<i32>} : memref<400x64xf32, #tpu.memory_space<vmem>>, vector<1x16xf32>,
        %add3A_447 = arith.constant 200 : i32
        %add3A_448 = arith.addi %add3A_447, %scan3A_390 : i32
        %swap3A_449 = arith.index_cast %add3A_448 : i32 to index
        %swap3A_450 = arith.constant 48 : index
        %swap3A_451 = tpu.vector_load %arg13[%swap3A_449, %swap3A_450] {strides = array<i32>} : memref<400x64xf32, #tpu.memory_space<vmem>>, vector<1x16xf32>,
        %swap3A_452 = vector.shape_cast %swap3A_451 : vector<1x16xf32> to vector<16xf32>
        %swap3A_453 = vector.shape_cast %get3A_441 : vector<16xf32> to vector<1x16xf32>
        tpu.vector_store %arg13[%swap3A_449, %swap3A_450], %swap3A_453 {strides = array<i32>} : memref<400x64xf32, #tpu.memory_space<vmem>>, vector<1x16xf32>,
        %scan3A_454 = arith.constant 0 : i32
        %scan3A_455 = arith.constant 1 : i32
        %scan3A_456 = arith.addi %scan3A_390, %scan3A_455 : i32
        %get3A_457 = arith.index_cast %scan3A_456 : i32 to index
        %get3A_458 = arith.constant 0 : index
        %get3A_459 = tpu.vector_load %arg6[%get3A_457, %get3A_458] {strides = array<i32>} : memref<200x64xf32, #tpu.memory_space<vmem>>, vector<1x16xf32>,
        %get3A_460 = vector.shape_cast %get3A_459 : vector<1x16xf32> to vector<16xf32>
        %swap3A_461 = arith.index_cast %scan3A_456 : i32 to index
        %swap3A_462 = arith.constant 0 : index
        %swap3A_463 = tpu.vector_load %arg13[%swap3A_461, %swap3A_462] {strides = array<i32>} : memref<400x64xf32, #tpu.memory_space<vmem>>, vector<1x16xf32>,
        %swap3A_464 = vector.shape_cast %swap3A_463 : vector<1x16xf32> to vector<16xf32>
        %swap3A_465 = vector.shape_cast %get3A_460 : vector<16xf32> to vector<1x16xf32>
        tpu.vector_store %arg13[%swap3A_461, %swap3A_462], %swap3A_465 {strides = array<i32>} : memref<400x64xf32, #tpu.memory_space<vmem>>, vector<1x16xf32>,
        %add3A_466 = arith.constant 200 : i32
        %add3A_467 = arith.addi %add3A_466, %scan3A_456 : i32
        %swap3A_468 = arith.index_cast %add3A_467 : i32 to index
        %swap3A_469 = arith.constant 0 : index
        %swap3A_470 = tpu.vector_load %arg13[%swap3A_468, %swap3A_469] {strides = array<i32>} : memref<400x64xf32, #tpu.memory_space<vmem>>, vector<1x16xf32>,
        %swap3A_471 = vector.shape_cast %swap3A_470 : vector<1x16xf32> to vector<16xf32>
        %swap3A_472 = vector.shape_cast %get3A_460 : vector<16xf32> to vector<1x16xf32>
        tpu.vector_store %arg13[%swap3A_468, %swap3A_469], %swap3A_472 {strides = array<i32>} : memref<400x64xf32, #tpu.memory_space<vmem>>, vector<1x16xf32>,
        %get3A_473 = arith.index_cast %scan3A_456 : i32 to index
        %get3A_474 = arith.constant 16 : index
        %get3A_475 = tpu.vector_load %arg6[%get3A_473, %get3A_474] {strides = array<i32>} : memref<200x64xf32, #tpu.memory_space<vmem>>, vector<1x16xf32>,
        %get3A_476 = vector.shape_cast %get3A_475 : vector<1x16xf32> to vector<16xf32>
        %swap3A_477 = arith.index_cast %scan3A_456 : i32 to index
        %swap3A_478 = arith.constant 16 : index
        %swap3A_479 = tpu.vector_load %arg13[%swap3A_477, %swap3A_478] {strides = array<i32>} : memref<400x64xf32, #tpu.memory_space<vmem>>, vector<1x16xf32>,
        %swap3A_480 = vector.shape_cast %swap3A_479 : vector<1x16xf32> to vector<16xf32>
        %swap3A_481 = vector.shape_cast %get3A_476 : vector<16xf32> to vector<1x16xf32>
        tpu.vector_store %arg13[%swap3A_477, %swap3A_478], %swap3A_481 {strides = array<i32>} : memref<400x64xf32, #tpu.memory_space<vmem>>, vector<1x16xf32>,
        %add3A_482 = arith.constant 200 : i32
        %add3A_483 = arith.addi %add3A_482, %scan3A_456 : i32
        %swap3A_484 = arith.index_cast %add3A_483 : i32 to index
        %swap3A_485 = arith.constant 16 : index
        %swap3A_486 = tpu.vector_load %arg13[%swap3A_484, %swap3A_485] {strides = array<i32>} : memref<400x64xf32, #tpu.memory_space<vmem>>, vector<1x16xf32>,
        %swap3A_487 = vector.shape_cast %swap3A_486 : vector<1x16xf32> to vector<16xf32>
        %swap3A_488 = vector.shape_cast %get3A_476 : vector<16xf32> to vector<1x16xf32>
        tpu.vector_store %arg13[%swap3A_484, %swap3A_485], %swap3A_488 {strides = array<i32>} : memref<400x64xf32, #tpu.memory_space<vmem>>, vector<1x16xf32>,
        %get3A_489 = arith.index_cast %scan3A_456 : i32 to index
        %get3A_490 = arith.constant 32 : index
        %get3A_491 = tpu.vector_load %arg6[%get3A_489, %get3A_490] {strides = array<i32>} : memref<200x64xf32, #tpu.memory_space<vmem>>, vector<1x16xf32>,
        %get3A_492 = vector.shape_cast %get3A_491 : vector<1x16xf32> to vector<16xf32>
        %swap3A_493 = arith.index_cast %scan3A_456 : i32 to index
        %swap3A_494 = arith.constant 32 : index
        %swap3A_495 = tpu.vector_load %arg13[%swap3A_493, %swap3A_494] {strides = array<i32>} : memref<400x64xf32, #tpu.memory_space<vmem>>, vector<1x16xf32>,
        %swap3A_496 = vector.shape_cast %swap3A_495 : vector<1x16xf32> to vector<16xf32>
        %swap3A_497 = vector.shape_cast %get3A_492 : vector<16xf32> to vector<1x16xf32>
        tpu.vector_store %arg13[%swap3A_493, %swap3A_494], %swap3A_497 {strides = array<i32>} : memref<400x64xf32, #tpu.memory_space<vmem>>, vector<1x16xf32>,
        %add3A_498 = arith.constant 200 : i32
        %add3A_499 = arith.addi %add3A_498, %scan3A_456 : i32
        %swap3A_500 = arith.index_cast %add3A_499 : i32 to index
        %swap3A_501 = arith.constant 32 : index
        %swap3A_502 = tpu.vector_load %arg13[%swap3A_500, %swap3A_501] {strides = array<i32>} : memref<400x64xf32, #tpu.memory_space<vmem>>, vector<1x16xf32>,
        %swap3A_503 = vector.shape_cast %swap3A_502 : vector<1x16xf32> to vector<16xf32>
        %swap3A_504 = vector.shape_cast %get3A_492 : vector<16xf32> to vector<1x16xf32>
        tpu.vector_store %arg13[%swap3A_500, %swap3A_501], %swap3A_504 {strides = array<i32>} : memref<400x64xf32, #tpu.memory_space<vmem>>, vector<1x16xf32>,
        %get3A_505 = arith.index_cast %scan3A_456 : i32 to index
        %get3A_506 = arith.constant 48 : index
        %get3A_507 = tpu.vector_load %arg6[%get3A_505, %get3A_506] {strides = array<i32>} : memref<200x64xf32, #tpu.memory_space<vmem>>, vector<1x16xf32>,
        %get3A_508 = vector.shape_cast %get3A_507 : vector<1x16xf32> to vector<16xf32>
        %swap3A_509 = arith.index_cast %scan3A_456 : i32 to index
        %swap3A_510 = arith.constant 48 : index
        %swap3A_511 = tpu.vector_load %arg13[%swap3A_509, %swap3A_510] {strides = array<i32>} : memref<400x64xf32, #tpu.memory_space<vmem>>, vector<1x16xf32>,
        %swap3A_512 = vector.shape_cast %swap3A_511 : vector<1x16xf32> to vector<16xf32>
        %swap3A_513 = vector.shape_cast %get3A_508 : vector<16xf32> to vector<1x16xf32>
        tpu.vector_store %arg13[%swap3A_509, %swap3A_510], %swap3A_513 {strides = array<i32>} : memref<400x64xf32, #tpu.memory_space<vmem>>, vector<1x16xf32>,
        %add3A_514 = arith.constant 200 : i32
        %add3A_515 = arith.addi %add3A_514, %scan3A_456 : i32
        %swap3A_516 = arith.index_cast %add3A_515 : i32 to index
        %swap3A_517 = arith.constant 48 : index
        %swap3A_518 = tpu.vector_load %arg13[%swap3A_516, %swap3A_517] {strides = array<i32>} : memref<400x64xf32, #tpu.memory_space<vmem>>, vector<1x16xf32>,
        %swap3A_519 = vector.shape_cast %swap3A_518 : vector<1x16xf32> to vector<16xf32>
        %swap3A_520 = vector.shape_cast %get3A_508 : vector<16xf32> to vector<1x16xf32>
        tpu.vector_store %arg13[%swap3A_516, %swap3A_517], %swap3A_520 {strides = array<i32>} : memref<400x64xf32, #tpu.memory_space<vmem>>, vector<1x16xf32>,
        %scan3A_521 = arith.constant 0 : i32
        scf.yield %scan3A_521 : i32
      }
      %scan3A_267 = arith.constant 200 : i32
      %dma_start3A_268 = arith.constant 0 : i32
      %dma_start3A_269 = arith.constant 0 : i32
      %dma_start3A_270 = tpu.memref_slice %arg2[%dma_start3A_268, %dma_start3A_269] : memref<100000x64xf32, #tpu.memory_space<hbm>> -> memref<100000x64xf32, #tpu.memory_space<hbm>>
      tpu.enqueue_indirect_dma source(%dma_start3A_270 : memref<100000x64xf32, #tpu.memory_space<hbm>>) target(%arg13 : memref<400x64xf32, #tpu.memory_space<vmem>>) offsets(%arg9 : memref<400xi32, #tpu.memory_space<vmem>>) semaphore(%arg21 : memref<!tpu.dma_semaphore, #tpu.memory_space<semaphore_mem>>) {add = true}
      %add3A_271 = arith.constant 4 : i32
      %add3A_272 = arith.addi %add3A_244, %add3A_271 : i32
      %mul3A_273 = arith.constant 400 : i32
      %mul3A_274 = arith.muli %add3A_272, %mul3A_273 : i32
      %add3A_275 = arith.addi %mul3A_2, %mul3A_274 : i32
      %dma_start3A_276 = tpu.memref_slice %arg3[%add3A_275] : memref<819200xi32, #tpu.memory_space<hbm>> -> memref<400xi32, #tpu.memory_space<hbm>>
      %dma_start3A_277 = tpu.memref_slice %arg3[%add3A_275] : memref<819200xi32, #tpu.memory_space<hbm>> -> memref<400xi32, #tpu.memory_space<hbm>>
      tpu.enqueue_dma source(%dma_start3A_277 : memref<400xi32, #tpu.memory_space<hbm>>) target(%arg7 : memref<400xi32, #tpu.memory_space<vmem>>) target_semaphore(%arg15 : memref<!tpu.dma_semaphore, #tpu.memory_space<semaphore_mem>>)
      %mul3A_278 = arith.constant 4 : i32
      %mul3A_279 = arith.muli %mul3A_278, %scan3A_239 : i32
      %add3A_280 = arith.constant 1 : i32
      %add3A_281 = arith.addi %mul3A_279, %add3A_280 : i32
      %dma_wait3A_282 = arith.constant 0 : i32
      %dma_wait3A_283 = arith.constant 0 : i32
      %dma_wait3A_284 = tpu.memref_slice %arg2[%dma_wait3A_282, %dma_wait3A_283] : memref<100000x64xf32, #tpu.memory_space<hbm>> -> memref<100000x64xf32, #tpu.memory_space<hbm>>
      tpu.wait_indirect_dma semaphore(%arg20 : memref<!tpu.dma_semaphore, #tpu.memory_space<semaphore_mem>>) src(%dma_wait3A_284 : memref<100000x64xf32, #tpu.memory_space<hbm>>) dst(%arg12 : memref<400x64xf32, #tpu.memory_space<vmem>>)
      %mul3A_285 = arith.constant 400 : i32
      %mul3A_286 = arith.muli %add3A_281, %mul3A_285 : i32
      %add3A_287 = arith.addi %mul3A_2, %mul3A_286 : i32
      %dma_start3A_288 = arith.constant 0 : i32
      %dma_start3A_289 = tpu.memref_slice %arg5[%add3A_287, %dma_start3A_288] : memref<819200x64xf32, #tpu.memory_space<hbm>> -> memref<400x64xf32, #tpu.memory_space<hbm>>
      %dma_start3A_290 = arith.constant 0 : i32
      %dma_start3A_291 = tpu.memref_slice %arg5[%add3A_287, %dma_start3A_290] : memref<819200x64xf32, #tpu.memory_space<hbm>> -> memref<400x64xf32, #tpu.memory_space<hbm>>
      tpu.enqueue_dma source(%arg12 : memref<400x64xf32, #tpu.memory_space<vmem>>) target(%dma_start3A_291 : memref<400x64xf32, #tpu.memory_space<hbm>>) target_semaphore(%arg24 : memref<!tpu.dma_semaphore, #tpu.memory_space<semaphore_mem>>)
      %dma_wait3A_292 = arith.constant 0 : i32
      %dma_wait3A_293 = tpu.memref_slice %arg5[%mul3A_2, %dma_wait3A_292] : memref<819200x64xf32, #tpu.memory_space<hbm>> -> memref<400x64xf32, #tpu.memory_space<hbm>>
      %dma_wait3A_294 = arith.constant 0 : i32
      %dma_wait3A_295 = tpu.memref_slice %arg5[%mul3A_2, %dma_wait3A_294] : memref<819200x64xf32, #tpu.memory_space<hbm>> -> memref<400x64xf32, #tpu.memory_space<hbm>>
      tpu.wait_dma2 semaphore(%arg26 : memref<!tpu.dma_semaphore, #tpu.memory_space<semaphore_mem>>) src(%arg14 : memref<400x64xf32, #tpu.memory_space<vmem>>) dst(%dma_wait3A_295 : memref<400x64xf32, #tpu.memory_space<hbm>>)
      %dma_wait3A_296 = tpu.memref_slice %arg3[%mul3A_2] : memref<819200xi32, #tpu.memory_space<hbm>> -> memref<400xi32, #tpu.memory_space<hbm>>
      %dma_wait3A_297 = tpu.memref_slice %arg3[%mul3A_2] : memref<819200xi32, #tpu.memory_space<hbm>> -> memref<400xi32, #tpu.memory_space<hbm>>
      tpu.wait_dma2 semaphore(%arg18 : memref<!tpu.dma_semaphore, #tpu.memory_space<semaphore_mem>>) src(%dma_wait3A_297 : memref<400xi32, #tpu.memory_space<hbm>>) dst(%arg10 : memref<400xi32, #tpu.memory_space<vmem>>)
      %scan3A_298 = arith.constant 0 : i32
      %scan3A_299 = arith.constant 0 : i32
      %scan3A_300 = arith.constant 200 : i32
      %scan3A_301 = arith.addi %scan3A_299, %scan3A_300 : i32
      %scan3A_302 = arith.constant 2 : i32
      %scan3A_303 = scf.for %scan3A_390 = %scan3A_299 to %scan3A_301 step %scan3A_302 iter_args(%scan3A_391 = %scan3A_298) -> (i32)  : i32 {
        %get3A = arith.index_cast %scan3A_390 : i32 to index
        %get3A_392 = arith.constant 0 : index
        %get3A_393 = tpu.vector_load %arg6[%get3A, %get3A_392] {strides = array<i32>} : memref<200x64xf32, #tpu.memory_space<vmem>>, vector<1x16xf32>,
        %get3A_394 = vector.shape_cast %get3A_393 : vector<1x16xf32> to vector<16xf32>
        %swap3A = arith.index_cast %scan3A_390 : i32 to index
        %swap3A_395 = arith.constant 0 : index
        %swap3A_396 = tpu.vector_load %arg14[%swap3A, %swap3A_395] {strides = array<i32>} : memref<400x64xf32, #tpu.memory_space<vmem>>, vector<1x16xf32>,
        %swap3A_397 = vector.shape_cast %swap3A_396 : vector<1x16xf32> to vector<16xf32>
        %swap3A_398 = vector.shape_cast %get3A_394 : vector<16xf32> to vector<1x16xf32>
        tpu.vector_store %arg14[%swap3A, %swap3A_395], %swap3A_398 {strides = array<i32>} : memref<400x64xf32, #tpu.memory_space<vmem>>, vector<1x16xf32>,
        %add3A_399 = arith.constant 200 : i32
        %add3A_400 = arith.addi %add3A_399, %scan3A_390 : i32
        %swap3A_401 = arith.index_cast %add3A_400 : i32 to index
        %swap3A_402 = arith.constant 0 : index
        %swap3A_403 = tpu.vector_load %arg14[%swap3A_401, %swap3A_402] {strides = array<i32>} : memref<400x64xf32, #tpu.memory_space<vmem>>, vector<1x16xf32>,
        %swap3A_404 = vector.shape_cast %swap3A_403 : vector<1x16xf32> to vector<16xf32>
        %swap3A_405 = vector.shape_cast %get3A_394 : vector<16xf32> to vector<1x16xf32>
        tpu.vector_store %arg14[%swap3A_401, %swap3A_402], %swap3A_405 {strides = array<i32>} : memref<400x64xf32, #tpu.memory_space<vmem>>, vector<1x16xf32>,
        %get3A_406 = arith.index_cast %scan3A_390 : i32 to index
        %get3A_407 = arith.constant 16 : index
        %get3A_408 = tpu.vector_load %arg6[%get3A_406, %get3A_407] {strides = array<i32>} : memref<200x64xf32, #tpu.memory_space<vmem>>, vector<1x16xf32>,
        %get3A_409 = vector.shape_cast %get3A_408 : vector<1x16xf32> to vector<16xf32>
        %swap3A_410 = arith.index_cast %scan3A_390 : i32 to index
        %swap3A_411 = arith.constant 16 : index
        %swap3A_412 = tpu.vector_load %arg14[%swap3A_410, %swap3A_411] {strides = array<i32>} : memref<400x64xf32, #tpu.memory_space<vmem>>, vector<1x16xf32>,
        %swap3A_413 = vector.shape_cast %swap3A_412 : vector<1x16xf32> to vector<16xf32>
        %swap3A_414 = vector.shape_cast %get3A_409 : vector<16xf32> to vector<1x16xf32>
        tpu.vector_store %arg14[%swap3A_410, %swap3A_411], %swap3A_414 {strides = array<i32>} : memref<400x64xf32, #tpu.memory_space<vmem>>, vector<1x16xf32>,
        %add3A_415 = arith.constant 200 : i32
        %add3A_416 = arith.addi %add3A_415, %scan3A_390 : i32
        %swap3A_417 = arith.index_cast %add3A_416 : i32 to index
        %swap3A_418 = arith.constant 16 : index
        %swap3A_419 = tpu.vector_load %arg14[%swap3A_417, %swap3A_418] {strides = array<i32>} : memref<400x64xf32, #tpu.memory_space<vmem>>, vector<1x16xf32>,
        %swap3A_420 = vector.shape_cast %swap3A_419 : vector<1x16xf32> to vector<16xf32>
        %swap3A_421 = vector.shape_cast %get3A_409 : vector<16xf32> to vector<1x16xf32>
        tpu.vector_store %arg14[%swap3A_417, %swap3A_418], %swap3A_421 {strides = array<i32>} : memref<400x64xf32, #tpu.memory_space<vmem>>, vector<1x16xf32>,
        %get3A_422 = arith.index_cast %scan3A_390 : i32 to index
        %get3A_423 = arith.constant 32 : index
        %get3A_424 = tpu.vector_load %arg6[%get3A_422, %get3A_423] {strides = array<i32>} : memref<200x64xf32, #tpu.memory_space<vmem>>, vector<1x16xf32>,
        %get3A_425 = vector.shape_cast %get3A_424 : vector<1x16xf32> to vector<16xf32>
        %swap3A_426 = arith.index_cast %scan3A_390 : i32 to index
        %swap3A_427 = arith.constant 32 : index
        %swap3A_428 = tpu.vector_load %arg14[%swap3A_426, %swap3A_427] {strides = array<i32>} : memref<400x64xf32, #tpu.memory_space<vmem>>, vector<1x16xf32>,
        %swap3A_429 = vector.shape_cast %swap3A_428 : vector<1x16xf32> to vector<16xf32>
        %swap3A_430 = vector.shape_cast %get3A_425 : vector<16xf32> to vector<1x16xf32>
        tpu.vector_store %arg14[%swap3A_426, %swap3A_427], %swap3A_430 {strides = array<i32>} : memref<400x64xf32, #tpu.memory_space<vmem>>, vector<1x16xf32>,
        %add3A_431 = arith.constant 200 : i32
        %add3A_432 = arith.addi %add3A_431, %scan3A_390 : i32
        %swap3A_433 = arith.index_cast %add3A_432 : i32 to index
        %swap3A_434 = arith.constant 32 : index
        %swap3A_435 = tpu.vector_load %arg14[%swap3A_433, %swap3A_434] {strides = array<i32>} : memref<400x64xf32, #tpu.memory_space<vmem>>, vector<1x16xf32>,
        %swap3A_436 = vector.shape_cast %swap3A_435 : vector<1x16xf32> to vector<16xf32>
        %swap3A_437 = vector.shape_cast %get3A_425 : vector<16xf32> to vector<1x16xf32>
        tpu.vector_store %arg14[%swap3A_433, %swap3A_434], %swap3A_437 {strides = array<i32>} : memref<400x64xf32, #tpu.memory_space<vmem>>, vector<1x16xf32>,
        %get3A_438 = arith.index_cast %scan3A_390 : i32 to index
        %get3A_439 = arith.constant 48 : index
        %get3A_440 = tpu.vector_load %arg6[%get3A_438, %get3A_439] {strides = array<i32>} : memref<200x64xf32, #tpu.memory_space<vmem>>, vector<1x16xf32>,
        %get3A_441 = vector.shape_cast %get3A_440 : vector<1x16xf32> to vector<16xf32>
        %swap3A_442 = arith.index_cast %scan3A_390 : i32 to index
        %swap3A_443 = arith.constant 48 : index
        %swap3A_444 = tpu.vector_load %arg14[%swap3A_442, %swap3A_443] {strides = array<i32>} : memref<400x64xf32, #tpu.memory_space<vmem>>, vector<1x16xf32>,
        %swap3A_445 = vector.shape_cast %swap3A_444 : vector<1x16xf32> to vector<16xf32>
        %swap3A_446 = vector.shape_cast %get3A_441 : vector<16xf32> to vector<1x16xf32>
        tpu.vector_store %arg14[%swap3A_442, %swap3A_443], %swap3A_446 {strides = array<i32>} : memref<400x64xf32, #tpu.memory_space<vmem>>, vector<1x16xf32>,
        %add3A_447 = arith.constant 200 : i32
        %add3A_448 = arith.addi %add3A_447, %scan3A_390 : i32
        %swap3A_449 = arith.index_cast %add3A_448 : i32 to index
        %swap3A_450 = arith.constant 48 : index
        %swap3A_451 = tpu.vector_load %arg14[%swap3A_449, %swap3A_450] {strides = array<i32>} : memref<400x64xf32, #tpu.memory_space<vmem>>, vector<1x16xf32>,
        %swap3A_452 = vector.shape_cast %swap3A_451 : vector<1x16xf32> to vector<16xf32>
        %swap3A_453 = vector.shape_cast %get3A_441 : vector<16xf32> to vector<1x16xf32>
        tpu.vector_store %arg14[%swap3A_449, %swap3A_450], %swap3A_453 {strides = array<i32>} : memref<400x64xf32, #tpu.memory_space<vmem>>, vector<1x16xf32>,
        %scan3A_454 = arith.constant 0 : i32
        %scan3A_455 = arith.constant 1 : i32
        %scan3A_456 = arith.addi %scan3A_390, %scan3A_455 : i32
        %get3A_457 = arith.index_cast %scan3A_456 : i32 to index
        %get3A_458 = arith.constant 0 : index
        %get3A_459 = tpu.vector_load %arg6[%get3A_457, %get3A_458] {strides = array<i32>} : memref<200x64xf32, #tpu.memory_space<vmem>>, vector<1x16xf32>,
        %get3A_460 = vector.shape_cast %get3A_459 : vector<1x16xf32> to vector<16xf32>
        %swap3A_461 = arith.index_cast %scan3A_456 : i32 to index
        %swap3A_462 = arith.constant 0 : index
        %swap3A_463 = tpu.vector_load %arg14[%swap3A_461, %swap3A_462] {strides = array<i32>} : memref<400x64xf32, #tpu.memory_space<vmem>>, vector<1x16xf32>,
        %swap3A_464 = vector.shape_cast %swap3A_463 : vector<1x16xf32> to vector<16xf32>
        %swap3A_465 = vector.shape_cast %get3A_460 : vector<16xf32> to vector<1x16xf32>
        tpu.vector_store %arg14[%swap3A_461, %swap3A_462], %swap3A_465 {strides = array<i32>} : memref<400x64xf32, #tpu.memory_space<vmem>>, vector<1x16xf32>,
        %add3A_466 = arith.constant 200 : i32
        %add3A_467 = arith.addi %add3A_466, %scan3A_456 : i32
        %swap3A_468 = arith.index_cast %add3A_467 : i32 to index
        %swap3A_469 = arith.constant 0 : index
        %swap3A_470 = tpu.vector_load %arg14[%swap3A_468, %swap3A_469] {strides = array<i32>} : memref<400x64xf32, #tpu.memory_space<vmem>>, vector<1x16xf32>,
        %swap3A_471 = vector.shape_cast %swap3A_470 : vector<1x16xf32> to vector<16xf32>
        %swap3A_472 = vector.shape_cast %get3A_460 : vector<16xf32> to vector<1x16xf32>
        tpu.vector_store %arg14[%swap3A_468, %swap3A_469], %swap3A_472 {strides = array<i32>} : memref<400x64xf32, #tpu.memory_space<vmem>>, vector<1x16xf32>,
        %get3A_473 = arith.index_cast %scan3A_456 : i32 to index
        %get3A_474 = arith.constant 16 : index
        %get3A_475 = tpu.vector_load %arg6[%get3A_473, %get3A_474] {strides = array<i32>} : memref<200x64xf32, #tpu.memory_space<vmem>>, vector<1x16xf32>,
        %get3A_476 = vector.shape_cast %get3A_475 : vector<1x16xf32> to vector<16xf32>
        %swap3A_477 = arith.index_cast %scan3A_456 : i32 to index
        %swap3A_478 = arith.constant 16 : index
        %swap3A_479 = tpu.vector_load %arg14[%swap3A_477, %swap3A_478] {strides = array<i32>} : memref<400x64xf32, #tpu.memory_space<vmem>>, vector<1x16xf32>,
        %swap3A_480 = vector.shape_cast %swap3A_479 : vector<1x16xf32> to vector<16xf32>
        %swap3A_481 = vector.shape_cast %get3A_476 : vector<16xf32> to vector<1x16xf32>
        tpu.vector_store %arg14[%swap3A_477, %swap3A_478], %swap3A_481 {strides = array<i32>} : memref<400x64xf32, #tpu.memory_space<vmem>>, vector<1x16xf32>,
        %add3A_482 = arith.constant 200 : i32
        %add3A_483 = arith.addi %add3A_482, %scan3A_456 : i32
        %swap3A_484 = arith.index_cast %add3A_483 : i32 to index
        %swap3A_485 = arith.constant 16 : index
        %swap3A_486 = tpu.vector_load %arg14[%swap3A_484, %swap3A_485] {strides = array<i32>} : memref<400x64xf32, #tpu.memory_space<vmem>>, vector<1x16xf32>,
        %swap3A_487 = vector.shape_cast %swap3A_486 : vector<1x16xf32> to vector<16xf32>
        %swap3A_488 = vector.shape_cast %get3A_476 : vector<16xf32> to vector<1x16xf32>
        tpu.vector_store %arg14[%swap3A_484, %swap3A_485], %swap3A_488 {strides = array<i32>} : memref<400x64xf32, #tpu.memory_space<vmem>>, vector<1x16xf32>,
        %get3A_489 = arith.index_cast %scan3A_456 : i32 to index
        %get3A_490 = arith.constant 32 : index
        %get3A_491 = tpu.vector_load %arg6[%get3A_489, %get3A_490] {strides = array<i32>} : memref<200x64xf32, #tpu.memory_space<vmem>>, vector<1x16xf32>,
        %get3A_492 = vector.shape_cast %get3A_491 : vector<1x16xf32> to vector<16xf32>
        %swap3A_493 = arith.index_cast %scan3A_456 : i32 to index
        %swap3A_494 = arith.constant 32 : index
        %swap3A_495 = tpu.vector_load %arg14[%swap3A_493, %swap3A_494] {strides = array<i32>} : memref<400x64xf32, #tpu.memory_space<vmem>>, vector<1x16xf32>,
        %swap3A_496 = vector.shape_cast %swap3A_495 : vector<1x16xf32> to vector<16xf32>
        %swap3A_497 = vector.shape_cast %get3A_492 : vector<16xf32> to vector<1x16xf32>
        tpu.vector_store %arg14[%swap3A_493, %swap3A_494], %swap3A_497 {strides = array<i32>} : memref<400x64xf32, #tpu.memory_space<vmem>>, vector<1x16xf32>,
        %add3A_498 = arith.constant 200 : i32
        %add3A_499 = arith.addi %add3A_498, %scan3A_456 : i32
        %swap3A_500 = arith.index_cast %add3A_499 : i32 to index
        %swap3A_501 = arith.constant 32 : index
        %swap3A_502 = tpu.vector_load %arg14[%swap3A_500, %swap3A_501] {strides = array<i32>} : memref<400x64xf32, #tpu.memory_space<vmem>>, vector<1x16xf32>,
        %swap3A_503 = vector.shape_cast %swap3A_502 : vector<1x16xf32> to vector<16xf32>
        %swap3A_504 = vector.shape_cast %get3A_492 : vector<16xf32> to vector<1x16xf32>
        tpu.vector_store %arg14[%swap3A_500, %swap3A_501], %swap3A_504 {strides = array<i32>} : memref<400x64xf32, #tpu.memory_space<vmem>>, vector<1x16xf32>,
        %get3A_505 = arith.index_cast %scan3A_456 : i32 to index
        %get3A_506 = arith.constant 48 : index
        %get3A_507 = tpu.vector_load %arg6[%get3A_505, %get3A_506] {strides = array<i32>} : memref<200x64xf32, #tpu.memory_space<vmem>>, vector<1x16xf32>,
        %get3A_508 = vector.shape_cast %get3A_507 : vector<1x16xf32> to vector<16xf32>
        %swap3A_509 = arith.index_cast %scan3A_456 : i32 to index
        %swap3A_510 = arith.constant 48 : index
        %swap3A_511 = tpu.vector_load %arg14[%swap3A_509, %swap3A_510] {strides = array<i32>} : memref<400x64xf32, #tpu.memory_space<vmem>>, vector<1x16xf32>,
        %swap3A_512 = vector.shape_cast %swap3A_511 : vector<1x16xf32> to vector<16xf32>
        %swap3A_513 = vector.shape_cast %get3A_508 : vector<16xf32> to vector<1x16xf32>
        tpu.vector_store %arg14[%swap3A_509, %swap3A_510], %swap3A_513 {strides = array<i32>} : memref<400x64xf32, #tpu.memory_space<vmem>>, vector<1x16xf32>,
        %add3A_514 = arith.constant 200 : i32
        %add3A_515 = arith.addi %add3A_514, %scan3A_456 : i32
        %swap3A_516 = arith.index_cast %add3A_515 : i32 to index
        %swap3A_517 = arith.constant 48 : index
        %swap3A_518 = tpu.vector_load %arg14[%swap3A_516, %swap3A_517] {strides = array<i32>} : memref<400x64xf32, #tpu.memory_space<vmem>>, vector<1x16xf32>,
        %swap3A_519 = vector.shape_cast %swap3A_518 : vector<1x16xf32> to vector<16xf32>
        %swap3A_520 = vector.shape_cast %get3A_508 : vector<16xf32> to vector<1x16xf32>
        tpu.vector_store %arg14[%swap3A_516, %swap3A_517], %swap3A_520 {strides = array<i32>} : memref<400x64xf32, #tpu.memory_space<vmem>>, vector<1x16xf32>,
        %scan3A_521 = arith.constant 0 : i32
        scf.yield %scan3A_521 : i32
      }
      %scan3A_304 = arith.constant 200 : i32
      %dma_start3A_305 = arith.constant 0 : i32
      %dma_start3A_306 = arith.constant 0 : i32
      %dma_start3A_307 = tpu.memref_slice %arg2[%dma_start3A_305, %dma_start3A_306] : memref<100000x64xf32, #tpu.memory_space<hbm>> -> memref<100000x64xf32, #tpu.memory_space<hbm>>
      tpu.enqueue_indirect_dma source(%dma_start3A_307 : memref<100000x64xf32, #tpu.memory_space<hbm>>) target(%arg14 : memref<400x64xf32, #tpu.memory_space<vmem>>) offsets(%arg10 : memref<400xi32, #tpu.memory_space<vmem>>) semaphore(%arg22 : memref<!tpu.dma_semaphore, #tpu.memory_space<semaphore_mem>>) {add = true}
      %add3A_308 = arith.constant 4 : i32
      %add3A_309 = arith.addi %add3A_281, %add3A_308 : i32
      %mul3A_310 = arith.constant 400 : i32
      %mul3A_311 = arith.muli %add3A_309, %mul3A_310 : i32
      %add3A_312 = arith.addi %mul3A_2, %mul3A_311 : i32
      %dma_start3A_313 = tpu.memref_slice %arg3[%add3A_312] : memref<819200xi32, #tpu.memory_space<hbm>> -> memref<400xi32, #tpu.memory_space<hbm>>
      %dma_start3A_314 = tpu.memref_slice %arg3[%add3A_312] : memref<819200xi32, #tpu.memory_space<hbm>> -> memref<400xi32, #tpu.memory_space<hbm>>
      tpu.enqueue_dma source(%dma_start3A_314 : memref<400xi32, #tpu.memory_space<hbm>>) target(%arg8 : memref<400xi32, #tpu.memory_space<vmem>>) target_semaphore(%arg16 : memref<!tpu.dma_semaphore, #tpu.memory_space<semaphore_mem>>)
      %mul3A_315 = arith.constant 4 : i32
      %mul3A_316 = arith.muli %mul3A_315, %scan3A_239 : i32
      %add3A_317 = arith.constant 2 : i32
      %add3A_318 = arith.addi %mul3A_316, %add3A_317 : i32
      %dma_wait3A_319 = arith.constant 0 : i32
      %dma_wait3A_320 = arith.constant 0 : i32
      %dma_wait3A_321 = tpu.memref_slice %arg2[%dma_wait3A_319, %dma_wait3A_320] : memref<100000x64xf32, #tpu.memory_space<hbm>> -> memref<100000x64xf32, #tpu.memory_space<hbm>>
      tpu.wait_indirect_dma semaphore(%arg21 : memref<!tpu.dma_semaphore, #tpu.memory_space<semaphore_mem>>) src(%dma_wait3A_321 : memref<100000x64xf32, #tpu.memory_space<hbm>>) dst(%arg13 : memref<400x64xf32, #tpu.memory_space<vmem>>)
      %mul3A_322 = arith.constant 400 : i32
      %mul3A_323 = arith.muli %add3A_318, %mul3A_322 : i32
      %add3A_324 = arith.addi %mul3A_2, %mul3A_323 : i32
      %dma_start3A_325 = arith.constant 0 : i32
      %dma_start3A_326 = tpu.memref_slice %arg5[%add3A_324, %dma_start3A_325] : memref<819200x64xf32, #tpu.memory_space<hbm>> -> memref<400x64xf32, #tpu.memory_space<hbm>>
      %dma_start3A_327 = arith.constant 0 : i32
      %dma_start3A_328 = tpu.memref_slice %arg5[%add3A_324, %dma_start3A_327] : memref<819200x64xf32, #tpu.memory_space<hbm>> -> memref<400x64xf32, #tpu.memory_space<hbm>>
      tpu.enqueue_dma source(%arg13 : memref<400x64xf32, #tpu.memory_space<vmem>>) target(%dma_start3A_328 : memref<400x64xf32, #tpu.memory_space<hbm>>) target_semaphore(%arg25 : memref<!tpu.dma_semaphore, #tpu.memory_space<semaphore_mem>>)
      %dma_wait3A_329 = arith.constant 0 : i32
      %dma_wait3A_330 = tpu.memref_slice %arg5[%mul3A_2, %dma_wait3A_329] : memref<819200x64xf32, #tpu.memory_space<hbm>> -> memref<400x64xf32, #tpu.memory_space<hbm>>
      %dma_wait3A_331 = arith.constant 0 : i32
      %dma_wait3A_332 = tpu.memref_slice %arg5[%mul3A_2, %dma_wait3A_331] : memref<819200x64xf32, #tpu.memory_space<hbm>> -> memref<400x64xf32, #tpu.memory_space<hbm>>
      tpu.wait_dma2 semaphore(%arg23 : memref<!tpu.dma_semaphore, #tpu.memory_space<semaphore_mem>>) src(%arg11 : memref<400x64xf32, #tpu.memory_space<vmem>>) dst(%dma_wait3A_332 : memref<400x64xf32, #tpu.memory_space<hbm>>)
      %dma_wait3A_333 = tpu.memref_slice %arg3[%mul3A_2] : memref<819200xi32, #tpu.memory_space<hbm>> -> memref<400xi32, #tpu.memory_space<hbm>>
      %dma_wait3A_334 = tpu.memref_slice %arg3[%mul3A_2] : memref<819200xi32, #tpu.memory_space<hbm>> -> memref<400xi32, #tpu.memory_space<hbm>>
      tpu.wait_dma2 semaphore(%arg15 : memref<!tpu.dma_semaphore, #tpu.memory_space<semaphore_mem>>) src(%dma_wait3A_334 : memref<400xi32, #tpu.memory_space<hbm>>) dst(%arg7 : memref<400xi32, #tpu.memory_space<vmem>>)
      %scan3A_335 = arith.constant 0 : i32
      %scan3A_336 = arith.constant 0 : i32
      %scan3A_337 = arith.constant 200 : i32
      %scan3A_338 = arith.addi %scan3A_336, %scan3A_337 : i32
      %scan3A_339 = arith.constant 2 : i32
      %scan3A_340 = scf.for %scan3A_390 = %scan3A_336 to %scan3A_338 step %scan3A_339 iter_args(%scan3A_391 = %scan3A_335) -> (i32)  : i32 {
        %get3A = arith.index_cast %scan3A_390 : i32 to index
        %get3A_392 = arith.constant 0 : index
        %get3A_393 = tpu.vector_load %arg6[%get3A, %get3A_392] {strides = array<i32>} : memref<200x64xf32, #tpu.memory_space<vmem>>, vector<1x16xf32>,
        %get3A_394 = vector.shape_cast %get3A_393 : vector<1x16xf32> to vector<16xf32>
        %swap3A = arith.index_cast %scan3A_390 : i32 to index
        %swap3A_395 = arith.constant 0 : index
        %swap3A_396 = tpu.vector_load %arg11[%swap3A, %swap3A_395] {strides = array<i32>} : memref<400x64xf32, #tpu.memory_space<vmem>>, vector<1x16xf32>,
        %swap3A_397 = vector.shape_cast %swap3A_396 : vector<1x16xf32> to vector<16xf32>
        %swap3A_398 = vector.shape_cast %get3A_394 : vector<16xf32> to vector<1x16xf32>
        tpu.vector_store %arg11[%swap3A, %swap3A_395], %swap3A_398 {strides = array<i32>} : memref<400x64xf32, #tpu.memory_space<vmem>>, vector<1x16xf32>,
        %add3A_399 = arith.constant 200 : i32
        %add3A_400 = arith.addi %add3A_399, %scan3A_390 : i32
        %swap3A_401 = arith.index_cast %add3A_400 : i32 to index
        %swap3A_402 = arith.constant 0 : index
        %swap3A_403 = tpu.vector_load %arg11[%swap3A_401, %swap3A_402] {strides = array<i32>} : memref<400x64xf32, #tpu.memory_space<vmem>>, vector<1x16xf32>,
        %swap3A_404 = vector.shape_cast %swap3A_403 : vector<1x16xf32> to vector<16xf32>
        %swap3A_405 = vector.shape_cast %get3A_394 : vector<16xf32> to vector<1x16xf32>
        tpu.vector_store %arg11[%swap3A_401, %swap3A_402], %swap3A_405 {strides = array<i32>} : memref<400x64xf32, #tpu.memory_space<vmem>>, vector<1x16xf32>,
        %get3A_406 = arith.index_cast %scan3A_390 : i32 to index
        %get3A_407 = arith.constant 16 : index
        %get3A_408 = tpu.vector_load %arg6[%get3A_406, %get3A_407] {strides = array<i32>} : memref<200x64xf32, #tpu.memory_space<vmem>>, vector<1x16xf32>,
        %get3A_409 = vector.shape_cast %get3A_408 : vector<1x16xf32> to vector<16xf32>
        %swap3A_410 = arith.index_cast %scan3A_390 : i32 to index
        %swap3A_411 = arith.constant 16 : index
        %swap3A_412 = tpu.vector_load %arg11[%swap3A_410, %swap3A_411] {strides = array<i32>} : memref<400x64xf32, #tpu.memory_space<vmem>>, vector<1x16xf32>,
        %swap3A_413 = vector.shape_cast %swap3A_412 : vector<1x16xf32> to vector<16xf32>
        %swap3A_414 = vector.shape_cast %get3A_409 : vector<16xf32> to vector<1x16xf32>
        tpu.vector_store %arg11[%swap3A_410, %swap3A_411], %swap3A_414 {strides = array<i32>} : memref<400x64xf32, #tpu.memory_space<vmem>>, vector<1x16xf32>,
        %add3A_415 = arith.constant 200 : i32
        %add3A_416 = arith.addi %add3A_415, %scan3A_390 : i32
        %swap3A_417 = arith.index_cast %add3A_416 : i32 to index
        %swap3A_418 = arith.constant 16 : index
        %swap3A_419 = tpu.vector_load %arg11[%swap3A_417, %swap3A_418] {strides = array<i32>} : memref<400x64xf32, #tpu.memory_space<vmem>>, vector<1x16xf32>,
        %swap3A_420 = vector.shape_cast %swap3A_419 : vector<1x16xf32> to vector<16xf32>
        %swap3A_421 = vector.shape_cast %get3A_409 : vector<16xf32> to vector<1x16xf32>
        tpu.vector_store %arg11[%swap3A_417, %swap3A_418], %swap3A_421 {strides = array<i32>} : memref<400x64xf32, #tpu.memory_space<vmem>>, vector<1x16xf32>,
        %get3A_422 = arith.index_cast %scan3A_390 : i32 to index
        %get3A_423 = arith.constant 32 : index
        %get3A_424 = tpu.vector_load %arg6[%get3A_422, %get3A_423] {strides = array<i32>} : memref<200x64xf32, #tpu.memory_space<vmem>>, vector<1x16xf32>,
        %get3A_425 = vector.shape_cast %get3A_424 : vector<1x16xf32> to vector<16xf32>
        %swap3A_426 = arith.index_cast %scan3A_390 : i32 to index
        %swap3A_427 = arith.constant 32 : index
        %swap3A_428 = tpu.vector_load %arg11[%swap3A_426, %swap3A_427] {strides = array<i32>} : memref<400x64xf32, #tpu.memory_space<vmem>>, vector<1x16xf32>,
        %swap3A_429 = vector.shape_cast %swap3A_428 : vector<1x16xf32> to vector<16xf32>
        %swap3A_430 = vector.shape_cast %get3A_425 : vector<16xf32> to vector<1x16xf32>
        tpu.vector_store %arg11[%swap3A_426, %swap3A_427], %swap3A_430 {strides = array<i32>} : memref<400x64xf32, #tpu.memory_space<vmem>>, vector<1x16xf32>,
        %add3A_431 = arith.constant 200 : i32
        %add3A_432 = arith.addi %add3A_431, %scan3A_390 : i32
        %swap3A_433 = arith.index_cast %add3A_432 : i32 to index
        %swap3A_434 = arith.constant 32 : index
        %swap3A_435 = tpu.vector_load %arg11[%swap3A_433, %swap3A_434] {strides = array<i32>} : memref<400x64xf32, #tpu.memory_space<vmem>>, vector<1x16xf32>,
        %swap3A_436 = vector.shape_cast %swap3A_435 : vector<1x16xf32> to vector<16xf32>
        %swap3A_437 = vector.shape_cast %get3A_425 : vector<16xf32> to vector<1x16xf32>
        tpu.vector_store %arg11[%swap3A_433, %swap3A_434], %swap3A_437 {strides = array<i32>} : memref<400x64xf32, #tpu.memory_space<vmem>>, vector<1x16xf32>,
        %get3A_438 = arith.index_cast %scan3A_390 : i32 to index
        %get3A_439 = arith.constant 48 : index
        %get3A_440 = tpu.vector_load %arg6[%get3A_438, %get3A_439] {strides = array<i32>} : memref<200x64xf32, #tpu.memory_space<vmem>>, vector<1x16xf32>,
        %get3A_441 = vector.shape_cast %get3A_440 : vector<1x16xf32> to vector<16xf32>
        %swap3A_442 = arith.index_cast %scan3A_390 : i32 to index
        %swap3A_443 = arith.constant 48 : index
        %swap3A_444 = tpu.vector_load %arg11[%swap3A_442, %swap3A_443] {strides = array<i32>} : memref<400x64xf32, #tpu.memory_space<vmem>>, vector<1x16xf32>,
        %swap3A_445 = vector.shape_cast %swap3A_444 : vector<1x16xf32> to vector<16xf32>
        %swap3A_446 = vector.shape_cast %get3A_441 : vector<16xf32> to vector<1x16xf32>
        tpu.vector_store %arg11[%swap3A_442, %swap3A_443], %swap3A_446 {strides = array<i32>} : memref<400x64xf32, #tpu.memory_space<vmem>>, vector<1x16xf32>,
        %add3A_447 = arith.constant 200 : i32
        %add3A_448 = arith.addi %add3A_447, %scan3A_390 : i32
        %swap3A_449 = arith.index_cast %add3A_448 : i32 to index
        %swap3A_450 = arith.constant 48 : index
        %swap3A_451 = tpu.vector_load %arg11[%swap3A_449, %swap3A_450] {strides = array<i32>} : memref<400x64xf32, #tpu.memory_space<vmem>>, vector<1x16xf32>,
        %swap3A_452 = vector.shape_cast %swap3A_451 : vector<1x16xf32> to vector<16xf32>
        %swap3A_453 = vector.shape_cast %get3A_441 : vector<16xf32> to vector<1x16xf32>
        tpu.vector_store %arg11[%swap3A_449, %swap3A_450], %swap3A_453 {strides = array<i32>} : memref<400x64xf32, #tpu.memory_space<vmem>>, vector<1x16xf32>,
        %scan3A_454 = arith.constant 0 : i32
        %scan3A_455 = arith.constant 1 : i32
        %scan3A_456 = arith.addi %scan3A_390, %scan3A_455 : i32
        %get3A_457 = arith.index_cast %scan3A_456 : i32 to index
        %get3A_458 = arith.constant 0 : index
        %get3A_459 = tpu.vector_load %arg6[%get3A_457, %get3A_458] {strides = array<i32>} : memref<200x64xf32, #tpu.memory_space<vmem>>, vector<1x16xf32>,
        %get3A_460 = vector.shape_cast %get3A_459 : vector<1x16xf32> to vector<16xf32>
        %swap3A_461 = arith.index_cast %scan3A_456 : i32 to index
        %swap3A_462 = arith.constant 0 : index
        %swap3A_463 = tpu.vector_load %arg11[%swap3A_461, %swap3A_462] {strides = array<i32>} : memref<400x64xf32, #tpu.memory_space<vmem>>, vector<1x16xf32>,
        %swap3A_464 = vector.shape_cast %swap3A_463 : vector<1x16xf32> to vector<16xf32>
        %swap3A_465 = vector.shape_cast %get3A_460 : vector<16xf32> to vector<1x16xf32>
        tpu.vector_store %arg11[%swap3A_461, %swap3A_462], %swap3A_465 {strides = array<i32>} : memref<400x64xf32, #tpu.memory_space<vmem>>, vector<1x16xf32>,
        %add3A_466 = arith.constant 200 : i32
        %add3A_467 = arith.addi %add3A_466, %scan3A_456 : i32
        %swap3A_468 = arith.index_cast %add3A_467 : i32 to index
        %swap3A_469 = arith.constant 0 : index
        %swap3A_470 = tpu.vector_load %arg11[%swap3A_468, %swap3A_469] {strides = array<i32>} : memref<400x64xf32, #tpu.memory_space<vmem>>, vector<1x16xf32>,
        %swap3A_471 = vector.shape_cast %swap3A_470 : vector<1x16xf32> to vector<16xf32>
        %swap3A_472 = vector.shape_cast %get3A_460 : vector<16xf32> to vector<1x16xf32>
        tpu.vector_store %arg11[%swap3A_468, %swap3A_469], %swap3A_472 {strides = array<i32>} : memref<400x64xf32, #tpu.memory_space<vmem>>, vector<1x16xf32>,
        %get3A_473 = arith.index_cast %scan3A_456 : i32 to index
        %get3A_474 = arith.constant 16 : index
        %get3A_475 = tpu.vector_load %arg6[%get3A_473, %get3A_474] {strides = array<i32>} : memref<200x64xf32, #tpu.memory_space<vmem>>, vector<1x16xf32>,
        %get3A_476 = vector.shape_cast %get3A_475 : vector<1x16xf32> to vector<16xf32>
        %swap3A_477 = arith.index_cast %scan3A_456 : i32 to index
        %swap3A_478 = arith.constant 16 : index
        %swap3A_479 = tpu.vector_load %arg11[%swap3A_477, %swap3A_478] {strides = array<i32>} : memref<400x64xf32, #tpu.memory_space<vmem>>, vector<1x16xf32>,
        %swap3A_480 = vector.shape_cast %swap3A_479 : vector<1x16xf32> to vector<16xf32>
        %swap3A_481 = vector.shape_cast %get3A_476 : vector<16xf32> to vector<1x16xf32>
        tpu.vector_store %arg11[%swap3A_477, %swap3A_478], %swap3A_481 {strides = array<i32>} : memref<400x64xf32, #tpu.memory_space<vmem>>, vector<1x16xf32>,
        %add3A_482 = arith.constant 200 : i32
        %add3A_483 = arith.addi %add3A_482, %scan3A_456 : i32
        %swap3A_484 = arith.index_cast %add3A_483 : i32 to index
        %swap3A_485 = arith.constant 16 : index
        %swap3A_486 = tpu.vector_load %arg11[%swap3A_484, %swap3A_485] {strides = array<i32>} : memref<400x64xf32, #tpu.memory_space<vmem>>, vector<1x16xf32>,
        %swap3A_487 = vector.shape_cast %swap3A_486 : vector<1x16xf32> to vector<16xf32>
        %swap3A_488 = vector.shape_cast %get3A_476 : vector<16xf32> to vector<1x16xf32>
        tpu.vector_store %arg11[%swap3A_484, %swap3A_485], %swap3A_488 {strides = array<i32>} : memref<400x64xf32, #tpu.memory_space<vmem>>, vector<1x16xf32>,
        %get3A_489 = arith.index_cast %scan3A_456 : i32 to index
        %get3A_490 = arith.constant 32 : index
        %get3A_491 = tpu.vector_load %arg6[%get3A_489, %get3A_490] {strides = array<i32>} : memref<200x64xf32, #tpu.memory_space<vmem>>, vector<1x16xf32>,
        %get3A_492 = vector.shape_cast %get3A_491 : vector<1x16xf32> to vector<16xf32>
        %swap3A_493 = arith.index_cast %scan3A_456 : i32 to index
        %swap3A_494 = arith.constant 32 : index
        %swap3A_495 = tpu.vector_load %arg11[%swap3A_493, %swap3A_494] {strides = array<i32>} : memref<400x64xf32, #tpu.memory_space<vmem>>, vector<1x16xf32>,
        %swap3A_496 = vector.shape_cast %swap3A_495 : vector<1x16xf32> to vector<16xf32>
        %swap3A_497 = vector.shape_cast %get3A_492 : vector<16xf32> to vector<1x16xf32>
        tpu.vector_store %arg11[%swap3A_493, %swap3A_494], %swap3A_497 {strides = array<i32>} : memref<400x64xf32, #tpu.memory_space<vmem>>, vector<1x16xf32>,
        %add3A_498 = arith.constant 200 : i32
        %add3A_499 = arith.addi %add3A_498, %scan3A_456 : i32
        %swap3A_500 = arith.index_cast %add3A_499 : i32 to index
        %swap3A_501 = arith.constant 32 : index
        %swap3A_502 = tpu.vector_load %arg11[%swap3A_500, %swap3A_501] {strides = array<i32>} : memref<400x64xf32, #tpu.memory_space<vmem>>, vector<1x16xf32>,
        %swap3A_503 = vector.shape_cast %swap3A_502 : vector<1x16xf32> to vector<16xf32>
        %swap3A_504 = vector.shape_cast %get3A_492 : vector<16xf32> to vector<1x16xf32>
        tpu.vector_store %arg11[%swap3A_500, %swap3A_501], %swap3A_504 {strides = array<i32>} : memref<400x64xf32, #tpu.memory_space<vmem>>, vector<1x16xf32>,
        %get3A_505 = arith.index_cast %scan3A_456 : i32 to index
        %get3A_506 = arith.constant 48 : index
        %get3A_507 = tpu.vector_load %arg6[%get3A_505, %get3A_506] {strides = array<i32>} : memref<200x64xf32, #tpu.memory_space<vmem>>, vector<1x16xf32>,
        %get3A_508 = vector.shape_cast %get3A_507 : vector<1x16xf32> to vector<16xf32>
        %swap3A_509 = arith.index_cast %scan3A_456 : i32 to index
        %swap3A_510 = arith.constant 48 : index
        %swap3A_511 = tpu.vector_load %arg11[%swap3A_509, %swap3A_510] {strides = array<i32>} : memref<400x64xf32, #tpu.memory_space<vmem>>, vector<1x16xf32>,
        %swap3A_512 = vector.shape_cast %swap3A_511 : vector<1x16xf32> to vector<16xf32>
        %swap3A_513 = vector.shape_cast %get3A_508 : vector<16xf32> to vector<1x16xf32>
        tpu.vector_store %arg11[%swap3A_509, %swap3A_510], %swap3A_513 {strides = array<i32>} : memref<400x64xf32, #tpu.memory_space<vmem>>, vector<1x16xf32>,
        %add3A_514 = arith.constant 200 : i32
        %add3A_515 = arith.addi %add3A_514, %scan3A_456 : i32
        %swap3A_516 = arith.index_cast %add3A_515 : i32 to index
        %swap3A_517 = arith.constant 48 : index
        %swap3A_518 = tpu.vector_load %arg11[%swap3A_516, %swap3A_517] {strides = array<i32>} : memref<400x64xf32, #tpu.memory_space<vmem>>, vector<1x16xf32>,
        %swap3A_519 = vector.shape_cast %swap3A_518 : vector<1x16xf32> to vector<16xf32>
        %swap3A_520 = vector.shape_cast %get3A_508 : vector<16xf32> to vector<1x16xf32>
        tpu.vector_store %arg11[%swap3A_516, %swap3A_517], %swap3A_520 {strides = array<i32>} : memref<400x64xf32, #tpu.memory_space<vmem>>, vector<1x16xf32>,
        %scan3A_521 = arith.constant 0 : i32
        scf.yield %scan3A_521 : i32
      }
      %scan3A_341 = arith.constant 200 : i32
      %dma_start3A_342 = arith.constant 0 : i32
      %dma_start3A_343 = arith.constant 0 : i32
      %dma_start3A_344 = tpu.memref_slice %arg2[%dma_start3A_342, %dma_start3A_343] : memref<100000x64xf32, #tpu.memory_space<hbm>> -> memref<100000x64xf32, #tpu.memory_space<hbm>>
      tpu.enqueue_indirect_dma source(%dma_start3A_344 : memref<100000x64xf32, #tpu.memory_space<hbm>>) target(%arg11 : memref<400x64xf32, #tpu.memory_space<vmem>>) offsets(%arg7 : memref<400xi32, #tpu.memory_space<vmem>>) semaphore(%arg19 : memref<!tpu.dma_semaphore, #tpu.memory_space<semaphore_mem>>) {add = true}
      %add3A_345 = arith.constant 4 : i32
      %add3A_346 = arith.addi %add3A_318, %add3A_345 : i32
      %mul3A_347 = arith.constant 400 : i32
      %mul3A_348 = arith.muli %add3A_346, %mul3A_347 : i32
      %add3A_349 = arith.addi %mul3A_2, %mul3A_348 : i32
      %dma_start3A_350 = tpu.memref_slice %arg3[%add3A_349] : memref<819200xi32, #tpu.memory_space<hbm>> -> memref<400xi32, #tpu.memory_space<hbm>>
      %dma_start3A_351 = tpu.memref_slice %arg3[%add3A_349] : memref<819200xi32, #tpu.memory_space<hbm>> -> memref<400xi32, #tpu.memory_space<hbm>>
      tpu.enqueue_dma source(%dma_start3A_351 : memref<400xi32, #tpu.memory_space<hbm>>) target(%arg9 : memref<400xi32, #tpu.memory_space<vmem>>) target_semaphore(%arg17 : memref<!tpu.dma_semaphore, #tpu.memory_space<semaphore_mem>>)
      %mul3A_352 = arith.constant 4 : i32
      %mul3A_353 = arith.muli %mul3A_352, %scan3A_239 : i32
      %add3A_354 = arith.constant 3 : i32
      %add3A_355 = arith.addi %mul3A_353, %add3A_354 : i32
      %dma_wait3A_356 = arith.constant 0 : i32
      %dma_wait3A_357 = arith.constant 0 : i32
      %dma_wait3A_358 = tpu.memref_slice %arg2[%dma_wait3A_356, %dma_wait3A_357] : memref<100000x64xf32, #tpu.memory_space<hbm>> -> memref<100000x64xf32, #tpu.memory_space<hbm>>
      tpu.wait_indirect_dma semaphore(%arg22 : memref<!tpu.dma_semaphore, #tpu.memory_space<semaphore_mem>>) src(%dma_wait3A_358 : memref<100000x64xf32, #tpu.memory_space<hbm>>) dst(%arg14 : memref<400x64xf32, #tpu.memory_space<vmem>>)
      %mul3A_359 = arith.constant 400 : i32
      %mul3A_360 = arith.muli %add3A_355, %mul3A_359 : i32
      %add3A_361 = arith.addi %mul3A_2, %mul3A_360 : i32
      %dma_start3A_362 = arith.constant 0 : i32
      %dma_start3A_363 = tpu.memref_slice %arg5[%add3A_361, %dma_start3A_362] : memref<819200x64xf32, #tpu.memory_space<hbm>> -> memref<400x64xf32, #tpu.memory_space<hbm>>
      %dma_start3A_364 = arith.constant 0 : i32
      %dma_start3A_365 = tpu.memref_slice %arg5[%add3A_361, %dma_start3A_364] : memref<819200x64xf32, #tpu.memory_space<hbm>> -> memref<400x64xf32, #tpu.memory_space<hbm>>
      tpu.enqueue_dma source(%arg14 : memref<400x64xf32, #tpu.memory_space<vmem>>) target(%dma_start3A_365 : memref<400x64xf32, #tpu.memory_space<hbm>>) target_semaphore(%arg26 : memref<!tpu.dma_semaphore, #tpu.memory_space<semaphore_mem>>)
      %dma_wait3A_366 = arith.constant 0 : i32
      %dma_wait3A_367 = tpu.memref_slice %arg5[%mul3A_2, %dma_wait3A_366] : memref<819200x64xf32, #tpu.memory_space<hbm>> -> memref<400x64xf32, #tpu.memory_space<hbm>>
      %dma_wait3A_368 = arith.constant 0 : i32
      %dma_wait3A_369 = tpu.memref_slice %arg5[%mul3A_2, %dma_wait3A_368] : memref<819200x64xf32, #tpu.memory_space<hbm>> -> memref<400x64xf32, #tpu.memory_space<hbm>>
      tpu.wait_dma2 semaphore(%arg24 : memref<!tpu.dma_semaphore, #tpu.memory_space<semaphore_mem>>) src(%arg12 : memref<400x64xf32, #tpu.memory_space<vmem>>) dst(%dma_wait3A_369 : memref<400x64xf32, #tpu.memory_space<hbm>>)
      %dma_wait3A_370 = tpu.memref_slice %arg3[%mul3A_2] : memref<819200xi32, #tpu.memory_space<hbm>> -> memref<400xi32, #tpu.memory_space<hbm>>
      %dma_wait3A_371 = tpu.memref_slice %arg3[%mul3A_2] : memref<819200xi32, #tpu.memory_space<hbm>> -> memref<400xi32, #tpu.memory_space<hbm>>
      tpu.wait_dma2 semaphore(%arg16 : memref<!tpu.dma_semaphore, #tpu.memory_space<semaphore_mem>>) src(%dma_wait3A_371 : memref<400xi32, #tpu.memory_space<hbm>>) dst(%arg8 : memref<400xi32, #tpu.memory_space<vmem>>)
      %scan3A_372 = arith.constant 0 : i32
      %scan3A_373 = arith.constant 0 : i32
      %scan3A_374 = arith.constant 200 : i32
      %scan3A_375 = arith.addi %scan3A_373, %scan3A_374 : i32
      %scan3A_376 = arith.constant 2 : i32
      %scan3A_377 = scf.for %scan3A_390 = %scan3A_373 to %scan3A_375 step %scan3A_376 iter_args(%scan3A_391 = %scan3A_372) -> (i32)  : i32 {
        %get3A = arith.index_cast %scan3A_390 : i32 to index
        %get3A_392 = arith.constant 0 : index
        %get3A_393 = tpu.vector_load %arg6[%get3A, %get3A_392] {strides = array<i32>} : memref<200x64xf32, #tpu.memory_space<vmem>>, vector<1x16xf32>,
        %get3A_394 = vector.shape_cast %get3A_393 : vector<1x16xf32> to vector<16xf32>
        %swap3A = arith.index_cast %scan3A_390 : i32 to index
        %swap3A_395 = arith.constant 0 : index
        %swap3A_396 = tpu.vector_load %arg12[%swap3A, %swap3A_395] {strides = array<i32>} : memref<400x64xf32, #tpu.memory_space<vmem>>, vector<1x16xf32>,
        %swap3A_397 = vector.shape_cast %swap3A_396 : vector<1x16xf32> to vector<16xf32>
        %swap3A_398 = vector.shape_cast %get3A_394 : vector<16xf32> to vector<1x16xf32>
        tpu.vector_store %arg12[%swap3A, %swap3A_395], %swap3A_398 {strides = array<i32>} : memref<400x64xf32, #tpu.memory_space<vmem>>, vector<1x16xf32>,
        %add3A_399 = arith.constant 200 : i32
        %add3A_400 = arith.addi %add3A_399, %scan3A_390 : i32
        %swap3A_401 = arith.index_cast %add3A_400 : i32 to index
        %swap3A_402 = arith.constant 0 : index
        %swap3A_403 = tpu.vector_load %arg12[%swap3A_401, %swap3A_402] {strides = array<i32>} : memref<400x64xf32, #tpu.memory_space<vmem>>, vector<1x16xf32>,
        %swap3A_404 = vector.shape_cast %swap3A_403 : vector<1x16xf32> to vector<16xf32>
        %swap3A_405 = vector.shape_cast %get3A_394 : vector<16xf32> to vector<1x16xf32>
        tpu.vector_store %arg12[%swap3A_401, %swap3A_402], %swap3A_405 {strides = array<i32>} : memref<400x64xf32, #tpu.memory_space<vmem>>, vector<1x16xf32>,
        %get3A_406 = arith.index_cast %scan3A_390 : i32 to index
        %get3A_407 = arith.constant 16 : index
        %get3A_408 = tpu.vector_load %arg6[%get3A_406, %get3A_407] {strides = array<i32>} : memref<200x64xf32, #tpu.memory_space<vmem>>, vector<1x16xf32>,
        %get3A_409 = vector.shape_cast %get3A_408 : vector<1x16xf32> to vector<16xf32>
        %swap3A_410 = arith.index_cast %scan3A_390 : i32 to index
        %swap3A_411 = arith.constant 16 : index
        %swap3A_412 = tpu.vector_load %arg12[%swap3A_410, %swap3A_411] {strides = array<i32>} : memref<400x64xf32, #tpu.memory_space<vmem>>, vector<1x16xf32>,
        %swap3A_413 = vector.shape_cast %swap3A_412 : vector<1x16xf32> to vector<16xf32>
        %swap3A_414 = vector.shape_cast %get3A_409 : vector<16xf32> to vector<1x16xf32>
        tpu.vector_store %arg12[%swap3A_410, %swap3A_411], %swap3A_414 {strides = array<i32>} : memref<400x64xf32, #tpu.memory_space<vmem>>, vector<1x16xf32>,
        %add3A_415 = arith.constant 200 : i32
        %add3A_416 = arith.addi %add3A_415, %scan3A_390 : i32
        %swap3A_417 = arith.index_cast %add3A_416 : i32 to index
        %swap3A_418 = arith.constant 16 : index
        %swap3A_419 = tpu.vector_load %arg12[%swap3A_417, %swap3A_418] {strides = array<i32>} : memref<400x64xf32, #tpu.memory_space<vmem>>, vector<1x16xf32>,
        %swap3A_420 = vector.shape_cast %swap3A_419 : vector<1x16xf32> to vector<16xf32>
        %swap3A_421 = vector.shape_cast %get3A_409 : vector<16xf32> to vector<1x16xf32>
        tpu.vector_store %arg12[%swap3A_417, %swap3A_418], %swap3A_421 {strides = array<i32>} : memref<400x64xf32, #tpu.memory_space<vmem>>, vector<1x16xf32>,
        %get3A_422 = arith.index_cast %scan3A_390 : i32 to index
        %get3A_423 = arith.constant 32 : index
        %get3A_424 = tpu.vector_load %arg6[%get3A_422, %get3A_423] {strides = array<i32>} : memref<200x64xf32, #tpu.memory_space<vmem>>, vector<1x16xf32>,
        %get3A_425 = vector.shape_cast %get3A_424 : vector<1x16xf32> to vector<16xf32>
        %swap3A_426 = arith.index_cast %scan3A_390 : i32 to index
        %swap3A_427 = arith.constant 32 : index
        %swap3A_428 = tpu.vector_load %arg12[%swap3A_426, %swap3A_427] {strides = array<i32>} : memref<400x64xf32, #tpu.memory_space<vmem>>, vector<1x16xf32>,
        %swap3A_429 = vector.shape_cast %swap3A_428 : vector<1x16xf32> to vector<16xf32>
        %swap3A_430 = vector.shape_cast %get3A_425 : vector<16xf32> to vector<1x16xf32>
        tpu.vector_store %arg12[%swap3A_426, %swap3A_427], %swap3A_430 {strides = array<i32>} : memref<400x64xf32, #tpu.memory_space<vmem>>, vector<1x16xf32>,
        %add3A_431 = arith.constant 200 : i32
        %add3A_432 = arith.addi %add3A_431, %scan3A_390 : i32
        %swap3A_433 = arith.index_cast %add3A_432 : i32 to index
        %swap3A_434 = arith.constant 32 : index
        %swap3A_435 = tpu.vector_load %arg12[%swap3A_433, %swap3A_434] {strides = array<i32>} : memref<400x64xf32, #tpu.memory_space<vmem>>, vector<1x16xf32>,
        %swap3A_436 = vector.shape_cast %swap3A_435 : vector<1x16xf32> to vector<16xf32>
        %swap3A_437 = vector.shape_cast %get3A_425 : vector<16xf32> to vector<1x16xf32>
        tpu.vector_store %arg12[%swap3A_433, %swap3A_434], %swap3A_437 {strides = array<i32>} : memref<400x64xf32, #tpu.memory_space<vmem>>, vector<1x16xf32>,
        %get3A_438 = arith.index_cast %scan3A_390 : i32 to index
        %get3A_439 = arith.constant 48 : index
        %get3A_440 = tpu.vector_load %arg6[%get3A_438, %get3A_439] {strides = array<i32>} : memref<200x64xf32, #tpu.memory_space<vmem>>, vector<1x16xf32>,
        %get3A_441 = vector.shape_cast %get3A_440 : vector<1x16xf32> to vector<16xf32>
        %swap3A_442 = arith.index_cast %scan3A_390 : i32 to index
        %swap3A_443 = arith.constant 48 : index
        %swap3A_444 = tpu.vector_load %arg12[%swap3A_442, %swap3A_443] {strides = array<i32>} : memref<400x64xf32, #tpu.memory_space<vmem>>, vector<1x16xf32>,
        %swap3A_445 = vector.shape_cast %swap3A_444 : vector<1x16xf32> to vector<16xf32>
        %swap3A_446 = vector.shape_cast %get3A_441 : vector<16xf32> to vector<1x16xf32>
        tpu.vector_store %arg12[%swap3A_442, %swap3A_443], %swap3A_446 {strides = array<i32>} : memref<400x64xf32, #tpu.memory_space<vmem>>, vector<1x16xf32>,
        %add3A_447 = arith.constant 200 : i32
        %add3A_448 = arith.addi %add3A_447, %scan3A_390 : i32
        %swap3A_449 = arith.index_cast %add3A_448 : i32 to index
        %swap3A_450 = arith.constant 48 : index
        %swap3A_451 = tpu.vector_load %arg12[%swap3A_449, %swap3A_450] {strides = array<i32>} : memref<400x64xf32, #tpu.memory_space<vmem>>, vector<1x16xf32>,
        %swap3A_452 = vector.shape_cast %swap3A_451 : vector<1x16xf32> to vector<16xf32>
        %swap3A_453 = vector.shape_cast %get3A_441 : vector<16xf32> to vector<1x16xf32>
        tpu.vector_store %arg12[%swap3A_449, %swap3A_450], %swap3A_453 {strides = array<i32>} : memref<400x64xf32, #tpu.memory_space<vmem>>, vector<1x16xf32>,
        %scan3A_454 = arith.constant 0 : i32
        %scan3A_455 = arith.constant 1 : i32
        %scan3A_456 = arith.addi %scan3A_390, %scan3A_455 : i32
        %get3A_457 = arith.index_cast %scan3A_456 : i32 to index
        %get3A_458 = arith.constant 0 : index
        %get3A_459 = tpu.vector_load %arg6[%get3A_457, %get3A_458] {strides = array<i32>} : memref<200x64xf32, #tpu.memory_space<vmem>>, vector<1x16xf32>,
        %get3A_460 = vector.shape_cast %get3A_459 : vector<1x16xf32> to vector<16xf32>
        %swap3A_461 = arith.index_cast %scan3A_456 : i32 to index
        %swap3A_462 = arith.constant 0 : index
        %swap3A_463 = tpu.vector_load %arg12[%swap3A_461, %swap3A_462] {strides = array<i32>} : memref<400x64xf32, #tpu.memory_space<vmem>>, vector<1x16xf32>,
        %swap3A_464 = vector.shape_cast %swap3A_463 : vector<1x16xf32> to vector<16xf32>
        %swap3A_465 = vector.shape_cast %get3A_460 : vector<16xf32> to vector<1x16xf32>
        tpu.vector_store %arg12[%swap3A_461, %swap3A_462], %swap3A_465 {strides = array<i32>} : memref<400x64xf32, #tpu.memory_space<vmem>>, vector<1x16xf32>,
        %add3A_466 = arith.constant 200 : i32
        %add3A_467 = arith.addi %add3A_466, %scan3A_456 : i32
        %swap3A_468 = arith.index_cast %add3A_467 : i32 to index
        %swap3A_469 = arith.constant 0 : index
        %swap3A_470 = tpu.vector_load %arg12[%swap3A_468, %swap3A_469] {strides = array<i32>} : memref<400x64xf32, #tpu.memory_space<vmem>>, vector<1x16xf32>,
        %swap3A_471 = vector.shape_cast %swap3A_470 : vector<1x16xf32> to vector<16xf32>
        %swap3A_472 = vector.shape_cast %get3A_460 : vector<16xf32> to vector<1x16xf32>
        tpu.vector_store %arg12[%swap3A_468, %swap3A_469], %swap3A_472 {strides = array<i32>} : memref<400x64xf32, #tpu.memory_space<vmem>>, vector<1x16xf32>,
        %get3A_473 = arith.index_cast %scan3A_456 : i32 to index
        %get3A_474 = arith.constant 16 : index
        %get3A_475 = tpu.vector_load %arg6[%get3A_473, %get3A_474] {strides = array<i32>} : memref<200x64xf32, #tpu.memory_space<vmem>>, vector<1x16xf32>,
        %get3A_476 = vector.shape_cast %get3A_475 : vector<1x16xf32> to vector<16xf32>
        %swap3A_477 = arith.index_cast %scan3A_456 : i32 to index
        %swap3A_478 = arith.constant 16 : index
        %swap3A_479 = tpu.vector_load %arg12[%swap3A_477, %swap3A_478] {strides = array<i32>} : memref<400x64xf32, #tpu.memory_space<vmem>>, vector<1x16xf32>,
        %swap3A_480 = vector.shape_cast %swap3A_479 : vector<1x16xf32> to vector<16xf32>
        %swap3A_481 = vector.shape_cast %get3A_476 : vector<16xf32> to vector<1x16xf32>
        tpu.vector_store %arg12[%swap3A_477, %swap3A_478], %swap3A_481 {strides = array<i32>} : memref<400x64xf32, #tpu.memory_space<vmem>>, vector<1x16xf32>,
        %add3A_482 = arith.constant 200 : i32
        %add3A_483 = arith.addi %add3A_482, %scan3A_456 : i32
        %swap3A_484 = arith.index_cast %add3A_483 : i32 to index
        %swap3A_485 = arith.constant 16 : index
        %swap3A_486 = tpu.vector_load %arg12[%swap3A_484, %swap3A_485] {strides = array<i32>} : memref<400x64xf32, #tpu.memory_space<vmem>>, vector<1x16xf32>,
        %swap3A_487 = vector.shape_cast %swap3A_486 : vector<1x16xf32> to vector<16xf32>
        %swap3A_488 = vector.shape_cast %get3A_476 : vector<16xf32> to vector<1x16xf32>
        tpu.vector_store %arg12[%swap3A_484, %swap3A_485], %swap3A_488 {strides = array<i32>} : memref<400x64xf32, #tpu.memory_space<vmem>>, vector<1x16xf32>,
        %get3A_489 = arith.index_cast %scan3A_456 : i32 to index
        %get3A_490 = arith.constant 32 : index
        %get3A_491 = tpu.vector_load %arg6[%get3A_489, %get3A_490] {strides = array<i32>} : memref<200x64xf32, #tpu.memory_space<vmem>>, vector<1x16xf32>,
        %get3A_492 = vector.shape_cast %get3A_491 : vector<1x16xf32> to vector<16xf32>
        %swap3A_493 = arith.index_cast %scan3A_456 : i32 to index
        %swap3A_494 = arith.constant 32 : index
        %swap3A_495 = tpu.vector_load %arg12[%swap3A_493, %swap3A_494] {strides = array<i32>} : memref<400x64xf32, #tpu.memory_space<vmem>>, vector<1x16xf32>,
        %swap3A_496 = vector.shape_cast %swap3A_495 : vector<1x16xf32> to vector<16xf32>
        %swap3A_497 = vector.shape_cast %get3A_492 : vector<16xf32> to vector<1x16xf32>
        tpu.vector_store %arg12[%swap3A_493, %swap3A_494], %swap3A_497 {strides = array<i32>} : memref<400x64xf32, #tpu.memory_space<vmem>>, vector<1x16xf32>,
        %add3A_498 = arith.constant 200 : i32
        %add3A_499 = arith.addi %add3A_498, %scan3A_456 : i32
        %swap3A_500 = arith.index_cast %add3A_499 : i32 to index
        %swap3A_501 = arith.constant 32 : index
        %swap3A_502 = tpu.vector_load %arg12[%swap3A_500, %swap3A_501] {strides = array<i32>} : memref<400x64xf32, #tpu.memory_space<vmem>>, vector<1x16xf32>,
        %swap3A_503 = vector.shape_cast %swap3A_502 : vector<1x16xf32> to vector<16xf32>
        %swap3A_504 = vector.shape_cast %get3A_492 : vector<16xf32> to vector<1x16xf32>
        tpu.vector_store %arg12[%swap3A_500, %swap3A_501], %swap3A_504 {strides = array<i32>} : memref<400x64xf32, #tpu.memory_space<vmem>>, vector<1x16xf32>,
        %get3A_505 = arith.index_cast %scan3A_456 : i32 to index
        %get3A_506 = arith.constant 48 : index
        %get3A_507 = tpu.vector_load %arg6[%get3A_505, %get3A_506] {strides = array<i32>} : memref<200x64xf32, #tpu.memory_space<vmem>>, vector<1x16xf32>,
        %get3A_508 = vector.shape_cast %get3A_507 : vector<1x16xf32> to vector<16xf32>
        %swap3A_509 = arith.index_cast %scan3A_456 : i32 to index
        %swap3A_510 = arith.constant 48 : index
        %swap3A_511 = tpu.vector_load %arg12[%swap3A_509, %swap3A_510] {strides = array<i32>} : memref<400x64xf32, #tpu.memory_space<vmem>>, vector<1x16xf32>,
        %swap3A_512 = vector.shape_cast %swap3A_511 : vector<1x16xf32> to vector<16xf32>
        %swap3A_513 = vector.shape_cast %get3A_508 : vector<16xf32> to vector<1x16xf32>
        tpu.vector_store %arg12[%swap3A_509, %swap3A_510], %swap3A_513 {strides = array<i32>} : memref<400x64xf32, #tpu.memory_space<vmem>>, vector<1x16xf32>,
        %add3A_514 = arith.constant 200 : i32
        %add3A_515 = arith.addi %add3A_514, %scan3A_456 : i32
        %swap3A_516 = arith.index_cast %add3A_515 : i32 to index
        %swap3A_517 = arith.constant 48 : index
        %swap3A_518 = tpu.vector_load %arg12[%swap3A_516, %swap3A_517] {strides = array<i32>} : memref<400x64xf32, #tpu.memory_space<vmem>>, vector<1x16xf32>,
        %swap3A_519 = vector.shape_cast %swap3A_518 : vector<1x16xf32> to vector<16xf32>
        %swap3A_520 = vector.shape_cast %get3A_508 : vector<16xf32> to vector<1x16xf32>
        tpu.vector_store %arg12[%swap3A_516, %swap3A_517], %swap3A_520 {strides = array<i32>} : memref<400x64xf32, #tpu.memory_space<vmem>>, vector<1x16xf32>,
        %scan3A_521 = arith.constant 0 : i32
        scf.yield %scan3A_521 : i32
      }
      %scan3A_378 = arith.constant 200 : i32
      %dma_start3A_379 = arith.constant 0 : i32
      %dma_start3A_380 = arith.constant 0 : i32
      %dma_start3A_381 = tpu.memref_slice %arg2[%dma_start3A_379, %dma_start3A_380] : memref<100000x64xf32, #tpu.memory_space<hbm>> -> memref<100000x64xf32, #tpu.memory_space<hbm>>
      tpu.enqueue_indirect_dma source(%dma_start3A_381 : memref<100000x64xf32, #tpu.memory_space<hbm>>) target(%arg12 : memref<400x64xf32, #tpu.memory_space<vmem>>) offsets(%arg8 : memref<400xi32, #tpu.memory_space<vmem>>) semaphore(%arg20 : memref<!tpu.dma_semaphore, #tpu.memory_space<semaphore_mem>>) {add = true}
      %add3A_382 = arith.constant 4 : i32
      %add3A_383 = arith.addi %add3A_355, %add3A_382 : i32
      %mul3A_384 = arith.constant 400 : i32
      %mul3A_385 = arith.muli %add3A_383, %mul3A_384 : i32
      %add3A_386 = arith.addi %mul3A_2, %mul3A_385 : i32
      %dma_start3A_387 = tpu.memref_slice %arg3[%add3A_386] : memref<819200xi32, #tpu.memory_space<hbm>> -> memref<400xi32, #tpu.memory_space<hbm>>
      %dma_start3A_388 = tpu.memref_slice %arg3[%add3A_386] : memref<819200xi32, #tpu.memory_space<hbm>> -> memref<400xi32, #tpu.memory_space<hbm>>
      tpu.enqueue_dma source(%dma_start3A_388 : memref<400xi32, #tpu.memory_space<hbm>>) target(%arg10 : memref<400xi32, #tpu.memory_space<vmem>>) target_semaphore(%arg18 : memref<!tpu.dma_semaphore, #tpu.memory_space<semaphore_mem>>)
      %scan3A_389 = arith.constant 0 : i32
      scf.yield %scan3A_389 : i32
    }
    %scan3A_154 = arith.constant 14 : i32
    %dma_wait3A_155 = arith.constant 0 : i32
    %dma_wait3A_156 = arith.constant 0 : i32
    %dma_wait3A_157 = tpu.memref_slice %arg2[%dma_wait3A_155, %dma_wait3A_156] : memref<100000x64xf32, #tpu.memory_space<hbm>> -> memref<100000x64xf32, #tpu.memory_space<hbm>>
    tpu.wait_indirect_dma semaphore(%arg19 : memref<!tpu.dma_semaphore, #tpu.memory_space<semaphore_mem>>) src(%dma_wait3A_157 : memref<100000x64xf32, #tpu.memory_space<hbm>>) dst(%arg11 : memref<400x64xf32, #tpu.memory_space<vmem>>)
    %add3A_158 = arith.constant 24000 : i32
    %add3A_159 = arith.addi %mul3A_2, %add3A_158 : i32
    %dma_start3A_160 = arith.constant 0 : i32
    %dma_start3A_161 = tpu.memref_slice %arg5[%add3A_159, %dma_start3A_160] : memref<819200x64xf32, #tpu.memory_space<hbm>> -> memref<400x64xf32, #tpu.memory_space<hbm>>
    %dma_start3A_162 = arith.constant 0 : i32
    %dma_start3A_163 = tpu.memref_slice %arg5[%add3A_159, %dma_start3A_162] : memref<819200x64xf32, #tpu.memory_space<hbm>> -> memref<400x64xf32, #tpu.memory_space<hbm>>
    tpu.enqueue_dma source(%arg11 : memref<400x64xf32, #tpu.memory_space<vmem>>) target(%dma_start3A_163 : memref<400x64xf32, #tpu.memory_space<hbm>>) target_semaphore(%arg23 : memref<!tpu.dma_semaphore, #tpu.memory_space<semaphore_mem>>)
    %dma_wait3A_164 = arith.constant 0 : i32
    %dma_wait3A_165 = tpu.memref_slice %arg5[%mul3A_2, %dma_wait3A_164] : memref<819200x64xf32, #tpu.memory_space<hbm>> -> memref<400x64xf32, #tpu.memory_space<hbm>>
    %dma_wait3A_166 = arith.constant 0 : i32
    %dma_wait3A_167 = tpu.memref_slice %arg5[%mul3A_2, %dma_wait3A_166] : memref<819200x64xf32, #tpu.memory_space<hbm>> -> memref<400x64xf32, #tpu.memory_space<hbm>>
    tpu.wait_dma2 semaphore(%arg25 : memref<!tpu.dma_semaphore, #tpu.memory_space<semaphore_mem>>) src(%arg13 : memref<400x64xf32, #tpu.memory_space<vmem>>) dst(%dma_wait3A_167 : memref<400x64xf32, #tpu.memory_space<hbm>>)
    %dma_wait3A_168 = tpu.memref_slice %arg3[%mul3A_2] : memref<819200xi32, #tpu.memory_space<hbm>> -> memref<400xi32, #tpu.memory_space<hbm>>
    %dma_wait3A_169 = tpu.memref_slice %arg3[%mul3A_2] : memref<819200xi32, #tpu.memory_space<hbm>> -> memref<400xi32, #tpu.memory_space<hbm>>
    tpu.wait_dma2 semaphore(%arg17 : memref<!tpu.dma_semaphore, #tpu.memory_space<semaphore_mem>>) src(%dma_wait3A_169 : memref<400xi32, #tpu.memory_space<hbm>>) dst(%arg9 : memref<400xi32, #tpu.memory_space<vmem>>)
    %scan3A_170 = arith.constant 0 : i32
    %scan3A_171 = arith.constant 0 : i32
    %scan3A_172 = arith.constant 200 : i32
    %scan3A_173 = arith.addi %scan3A_171, %scan3A_172 : i32
    %scan3A_174 = arith.constant 2 : i32
    %scan3A_175 = scf.for %scan3A_239 = %scan3A_171 to %scan3A_173 step %scan3A_174 iter_args(%scan3A_240 = %scan3A_170) -> (i32)  : i32 {
      %get3A = arith.index_cast %scan3A_239 : i32 to index
      %get3A_241 = arith.constant 0 : index
      %get3A_242 = tpu.vector_load %arg6[%get3A, %get3A_241] {strides = array<i32>} : memref<200x64xf32, #tpu.memory_space<vmem>>, vector<1x16xf32>,
      %get3A_243 = vector.shape_cast %get3A_242 : vector<1x16xf32> to vector<16xf32>
      %swap3A = arith.index_cast %scan3A_239 : i32 to index
      %swap3A_244 = arith.constant 0 : index
      %swap3A_245 = tpu.vector_load %arg13[%swap3A, %swap3A_244] {strides = array<i32>} : memref<400x64xf32, #tpu.memory_space<vmem>>, vector<1x16xf32>,
      %swap3A_246 = vector.shape_cast %swap3A_245 : vector<1x16xf32> to vector<16xf32>
      %swap3A_247 = vector.shape_cast %get3A_243 : vector<16xf32> to vector<1x16xf32>
      tpu.vector_store %arg13[%swap3A, %swap3A_244], %swap3A_247 {strides = array<i32>} : memref<400x64xf32, #tpu.memory_space<vmem>>, vector<1x16xf32>,
      %add3A_248 = arith.constant 200 : i32
      %add3A_249 = arith.addi %add3A_248, %scan3A_239 : i32
      %swap3A_250 = arith.index_cast %add3A_249 : i32 to index
      %swap3A_251 = arith.constant 0 : index
      %swap3A_252 = tpu.vector_load %arg13[%swap3A_250, %swap3A_251] {strides = array<i32>} : memref<400x64xf32, #tpu.memory_space<vmem>>, vector<1x16xf32>,
      %swap3A_253 = vector.shape_cast %swap3A_252 : vector<1x16xf32> to vector<16xf32>
      %swap3A_254 = vector.shape_cast %get3A_243 : vector<16xf32> to vector<1x16xf32>
      tpu.vector_store %arg13[%swap3A_250, %swap3A_251], %swap3A_254 {strides = array<i32>} : memref<400x64xf32, #tpu.memory_space<vmem>>, vector<1x16xf32>,
      %get3A_255 = arith.index_cast %scan3A_239 : i32 to index
      %get3A_256 = arith.constant 16 : index
      %get3A_257 = tpu.vector_load %arg6[%get3A_255, %get3A_256] {strides = array<i32>} : memref<200x64xf32, #tpu.memory_space<vmem>>, vector<1x16xf32>,
      %get3A_258 = vector.shape_cast %get3A_257 : vector<1x16xf32> to vector<16xf32>
      %swap3A_259 = arith.index_cast %scan3A_239 : i32 to index
      %swap3A_260 = arith.constant 16 : index
      %swap3A_261 = tpu.vector_load %arg13[%swap3A_259, %swap3A_260] {strides = array<i32>} : memref<400x64xf32, #tpu.memory_space<vmem>>, vector<1x16xf32>,
      %swap3A_262 = vector.shape_cast %swap3A_261 : vector<1x16xf32> to vector<16xf32>
      %swap3A_263 = vector.shape_cast %get3A_258 : vector<16xf32> to vector<1x16xf32>
      tpu.vector_store %arg13[%swap3A_259, %swap3A_260], %swap3A_263 {strides = array<i32>} : memref<400x64xf32, #tpu.memory_space<vmem>>, vector<1x16xf32>,
      %add3A_264 = arith.constant 200 : i32
      %add3A_265 = arith.addi %add3A_264, %scan3A_239 : i32
      %swap3A_266 = arith.index_cast %add3A_265 : i32 to index
      %swap3A_267 = arith.constant 16 : index
      %swap3A_268 = tpu.vector_load %arg13[%swap3A_266, %swap3A_267] {strides = array<i32>} : memref<400x64xf32, #tpu.memory_space<vmem>>, vector<1x16xf32>,
      %swap3A_269 = vector.shape_cast %swap3A_268 : vector<1x16xf32> to vector<16xf32>
      %swap3A_270 = vector.shape_cast %get3A_258 : vector<16xf32> to vector<1x16xf32>
      tpu.vector_store %arg13[%swap3A_266, %swap3A_267], %swap3A_270 {strides = array<i32>} : memref<400x64xf32, #tpu.memory_space<vmem>>, vector<1x16xf32>,
      %get3A_271 = arith.index_cast %scan3A_239 : i32 to index
      %get3A_272 = arith.constant 32 : index
      %get3A_273 = tpu.vector_load %arg6[%get3A_271, %get3A_272] {strides = array<i32>} : memref<200x64xf32, #tpu.memory_space<vmem>>, vector<1x16xf32>,
      %get3A_274 = vector.shape_cast %get3A_273 : vector<1x16xf32> to vector<16xf32>
      %swap3A_275 = arith.index_cast %scan3A_239 : i32 to index
      %swap3A_276 = arith.constant 32 : index
      %swap3A_277 = tpu.vector_load %arg13[%swap3A_275, %swap3A_276] {strides = array<i32>} : memref<400x64xf32, #tpu.memory_space<vmem>>, vector<1x16xf32>,
      %swap3A_278 = vector.shape_cast %swap3A_277 : vector<1x16xf32> to vector<16xf32>
      %swap3A_279 = vector.shape_cast %get3A_274 : vector<16xf32> to vector<1x16xf32>
      tpu.vector_store %arg13[%swap3A_275, %swap3A_276], %swap3A_279 {strides = array<i32>} : memref<400x64xf32, #tpu.memory_space<vmem>>, vector<1x16xf32>,
      %add3A_280 = arith.constant 200 : i32
      %add3A_281 = arith.addi %add3A_280, %scan3A_239 : i32
      %swap3A_282 = arith.index_cast %add3A_281 : i32 to index
      %swap3A_283 = arith.constant 32 : index
      %swap3A_284 = tpu.vector_load %arg13[%swap3A_282, %swap3A_283] {strides = array<i32>} : memref<400x64xf32, #tpu.memory_space<vmem>>, vector<1x16xf32>,
      %swap3A_285 = vector.shape_cast %swap3A_284 : vector<1x16xf32> to vector<16xf32>
      %swap3A_286 = vector.shape_cast %get3A_274 : vector<16xf32> to vector<1x16xf32>
      tpu.vector_store %arg13[%swap3A_282, %swap3A_283], %swap3A_286 {strides = array<i32>} : memref<400x64xf32, #tpu.memory_space<vmem>>, vector<1x16xf32>,
      %get3A_287 = arith.index_cast %scan3A_239 : i32 to index
      %get3A_288 = arith.constant 48 : index
      %get3A_289 = tpu.vector_load %arg6[%get3A_287, %get3A_288] {strides = array<i32>} : memref<200x64xf32, #tpu.memory_space<vmem>>, vector<1x16xf32>,
      %get3A_290 = vector.shape_cast %get3A_289 : vector<1x16xf32> to vector<16xf32>
      %swap3A_291 = arith.index_cast %scan3A_239 : i32 to index
      %swap3A_292 = arith.constant 48 : index
      %swap3A_293 = tpu.vector_load %arg13[%swap3A_291, %swap3A_292] {strides = array<i32>} : memref<400x64xf32, #tpu.memory_space<vmem>>, vector<1x16xf32>,
      %swap3A_294 = vector.shape_cast %swap3A_293 : vector<1x16xf32> to vector<16xf32>
      %swap3A_295 = vector.shape_cast %get3A_290 : vector<16xf32> to vector<1x16xf32>
      tpu.vector_store %arg13[%swap3A_291, %swap3A_292], %swap3A_295 {strides = array<i32>} : memref<400x64xf32, #tpu.memory_space<vmem>>, vector<1x16xf32>,
      %add3A_296 = arith.constant 200 : i32
      %add3A_297 = arith.addi %add3A_296, %scan3A_239 : i32
      %swap3A_298 = arith.index_cast %add3A_297 : i32 to index
      %swap3A_299 = arith.constant 48 : index
      %swap3A_300 = tpu.vector_load %arg13[%swap3A_298, %swap3A_299] {strides = array<i32>} : memref<400x64xf32, #tpu.memory_space<vmem>>, vector<1x16xf32>,
      %swap3A_301 = vector.shape_cast %swap3A_300 : vector<1x16xf32> to vector<16xf32>
      %swap3A_302 = vector.shape_cast %get3A_290 : vector<16xf32> to vector<1x16xf32>
      tpu.vector_store %arg13[%swap3A_298, %swap3A_299], %swap3A_302 {strides = array<i32>} : memref<400x64xf32, #tpu.memory_space<vmem>>, vector<1x16xf32>,
      %scan3A_303 = arith.constant 0 : i32
      %scan3A_304 = arith.constant 1 : i32
      %scan3A_305 = arith.addi %scan3A_239, %scan3A_304 : i32
      %get3A_306 = arith.index_cast %scan3A_305 : i32 to index
      %get3A_307 = arith.constant 0 : index
      %get3A_308 = tpu.vector_load %arg6[%get3A_306, %get3A_307] {strides = array<i32>} : memref<200x64xf32, #tpu.memory_space<vmem>>, vector<1x16xf32>,
      %get3A_309 = vector.shape_cast %get3A_308 : vector<1x16xf32> to vector<16xf32>
      %swap3A_310 = arith.index_cast %scan3A_305 : i32 to index
      %swap3A_311 = arith.constant 0 : index
      %swap3A_312 = tpu.vector_load %arg13[%swap3A_310, %swap3A_311] {strides = array<i32>} : memref<400x64xf32, #tpu.memory_space<vmem>>, vector<1x16xf32>,
      %swap3A_313 = vector.shape_cast %swap3A_312 : vector<1x16xf32> to vector<16xf32>
      %swap3A_314 = vector.shape_cast %get3A_309 : vector<16xf32> to vector<1x16xf32>
      tpu.vector_store %arg13[%swap3A_310, %swap3A_311], %swap3A_314 {strides = array<i32>} : memref<400x64xf32, #tpu.memory_space<vmem>>, vector<1x16xf32>,
      %add3A_315 = arith.constant 200 : i32
      %add3A_316 = arith.addi %add3A_315, %scan3A_305 : i32
      %swap3A_317 = arith.index_cast %add3A_316 : i32 to index
      %swap3A_318 = arith.constant 0 : index
      %swap3A_319 = tpu.vector_load %arg13[%swap3A_317, %swap3A_318] {strides = array<i32>} : memref<400x64xf32, #tpu.memory_space<vmem>>, vector<1x16xf32>,
      %swap3A_320 = vector.shape_cast %swap3A_319 : vector<1x16xf32> to vector<16xf32>
      %swap3A_321 = vector.shape_cast %get3A_309 : vector<16xf32> to vector<1x16xf32>
      tpu.vector_store %arg13[%swap3A_317, %swap3A_318], %swap3A_321 {strides = array<i32>} : memref<400x64xf32, #tpu.memory_space<vmem>>, vector<1x16xf32>,
      %get3A_322 = arith.index_cast %scan3A_305 : i32 to index
      %get3A_323 = arith.constant 16 : index
      %get3A_324 = tpu.vector_load %arg6[%get3A_322, %get3A_323] {strides = array<i32>} : memref<200x64xf32, #tpu.memory_space<vmem>>, vector<1x16xf32>,
      %get3A_325 = vector.shape_cast %get3A_324 : vector<1x16xf32> to vector<16xf32>
      %swap3A_326 = arith.index_cast %scan3A_305 : i32 to index
      %swap3A_327 = arith.constant 16 : index
      %swap3A_328 = tpu.vector_load %arg13[%swap3A_326, %swap3A_327] {strides = array<i32>} : memref<400x64xf32, #tpu.memory_space<vmem>>, vector<1x16xf32>,
      %swap3A_329 = vector.shape_cast %swap3A_328 : vector<1x16xf32> to vector<16xf32>
      %swap3A_330 = vector.shape_cast %get3A_325 : vector<16xf32> to vector<1x16xf32>
      tpu.vector_store %arg13[%swap3A_326, %swap3A_327], %swap3A_330 {strides = array<i32>} : memref<400x64xf32, #tpu.memory_space<vmem>>, vector<1x16xf32>,
      %add3A_331 = arith.constant 200 : i32
      %add3A_332 = arith.addi %add3A_331, %scan3A_305 : i32
      %swap3A_333 = arith.index_cast %add3A_332 : i32 to index
      %swap3A_334 = arith.constant 16 : index
      %swap3A_335 = tpu.vector_load %arg13[%swap3A_333, %swap3A_334] {strides = array<i32>} : memref<400x64xf32, #tpu.memory_space<vmem>>, vector<1x16xf32>,
      %swap3A_336 = vector.shape_cast %swap3A_335 : vector<1x16xf32> to vector<16xf32>
      %swap3A_337 = vector.shape_cast %get3A_325 : vector<16xf32> to vector<1x16xf32>
      tpu.vector_store %arg13[%swap3A_333, %swap3A_334], %swap3A_337 {strides = array<i32>} : memref<400x64xf32, #tpu.memory_space<vmem>>, vector<1x16xf32>,
      %get3A_338 = arith.index_cast %scan3A_305 : i32 to index
      %get3A_339 = arith.constant 32 : index
      %get3A_340 = tpu.vector_load %arg6[%get3A_338, %get3A_339] {strides = array<i32>} : memref<200x64xf32, #tpu.memory_space<vmem>>, vector<1x16xf32>,
      %get3A_341 = vector.shape_cast %get3A_340 : vector<1x16xf32> to vector<16xf32>
      %swap3A_342 = arith.index_cast %scan3A_305 : i32 to index
      %swap3A_343 = arith.constant 32 : index
      %swap3A_344 = tpu.vector_load %arg13[%swap3A_342, %swap3A_343] {strides = array<i32>} : memref<400x64xf32, #tpu.memory_space<vmem>>, vector<1x16xf32>,
      %swap3A_345 = vector.shape_cast %swap3A_344 : vector<1x16xf32> to vector<16xf32>
      %swap3A_346 = vector.shape_cast %get3A_341 : vector<16xf32> to vector<1x16xf32>
      tpu.vector_store %arg13[%swap3A_342, %swap3A_343], %swap3A_346 {strides = array<i32>} : memref<400x64xf32, #tpu.memory_space<vmem>>, vector<1x16xf32>,
      %add3A_347 = arith.constant 200 : i32
      %add3A_348 = arith.addi %add3A_347, %scan3A_305 : i32
      %swap3A_349 = arith.index_cast %add3A_348 : i32 to index
      %swap3A_350 = arith.constant 32 : index
      %swap3A_351 = tpu.vector_load %arg13[%swap3A_349, %swap3A_350] {strides = array<i32>} : memref<400x64xf32, #tpu.memory_space<vmem>>, vector<1x16xf32>,
      %swap3A_352 = vector.shape_cast %swap3A_351 : vector<1x16xf32> to vector<16xf32>
      %swap3A_353 = vector.shape_cast %get3A_341 : vector<16xf32> to vector<1x16xf32>
      tpu.vector_store %arg13[%swap3A_349, %swap3A_350], %swap3A_353 {strides = array<i32>} : memref<400x64xf32, #tpu.memory_space<vmem>>, vector<1x16xf32>,
      %get3A_354 = arith.index_cast %scan3A_305 : i32 to index
      %get3A_355 = arith.constant 48 : index
      %get3A_356 = tpu.vector_load %arg6[%get3A_354, %get3A_355] {strides = array<i32>} : memref<200x64xf32, #tpu.memory_space<vmem>>, vector<1x16xf32>,
      %get3A_357 = vector.shape_cast %get3A_356 : vector<1x16xf32> to vector<16xf32>
      %swap3A_358 = arith.index_cast %scan3A_305 : i32 to index
      %swap3A_359 = arith.constant 48 : index
      %swap3A_360 = tpu.vector_load %arg13[%swap3A_358, %swap3A_359] {strides = array<i32>} : memref<400x64xf32, #tpu.memory_space<vmem>>, vector<1x16xf32>,
      %swap3A_361 = vector.shape_cast %swap3A_360 : vector<1x16xf32> to vector<16xf32>
      %swap3A_362 = vector.shape_cast %get3A_357 : vector<16xf32> to vector<1x16xf32>
      tpu.vector_store %arg13[%swap3A_358, %swap3A_359], %swap3A_362 {strides = array<i32>} : memref<400x64xf32, #tpu.memory_space<vmem>>, vector<1x16xf32>,
      %add3A_363 = arith.constant 200 : i32
      %add3A_364 = arith.addi %add3A_363, %scan3A_305 : i32
      %swap3A_365 = arith.index_cast %add3A_364 : i32 to index
      %swap3A_366 = arith.constant 48 : index
      %swap3A_367 = tpu.vector_load %arg13[%swap3A_365, %swap3A_366] {strides = array<i32>} : memref<400x64xf32, #tpu.memory_space<vmem>>, vector<1x16xf32>,
      %swap3A_368 = vector.shape_cast %swap3A_367 : vector<1x16xf32> to vector<16xf32>
      %swap3A_369 = vector.shape_cast %get3A_357 : vector<16xf32> to vector<1x16xf32>
      tpu.vector_store %arg13[%swap3A_365, %swap3A_366], %swap3A_369 {strides = array<i32>} : memref<400x64xf32, #tpu.memory_space<vmem>>, vector<1x16xf32>,
      %scan3A_370 = arith.constant 0 : i32
      scf.yield %scan3A_370 : i32
    }
    %scan3A_176 = arith.constant 200 : i32
    %dma_start3A_177 = arith.constant 0 : i32
    %dma_start3A_178 = arith.constant 0 : i32
    %dma_start3A_179 = tpu.memref_slice %arg2[%dma_start3A_177, %dma_start3A_178] : memref<100000x64xf32, #tpu.memory_space<hbm>> -> memref<100000x64xf32, #tpu.memory_space<hbm>>
    tpu.enqueue_indirect_dma source(%dma_start3A_179 : memref<100000x64xf32, #tpu.memory_space<hbm>>) target(%arg13 : memref<400x64xf32, #tpu.memory_space<vmem>>) offsets(%arg9 : memref<400xi32, #tpu.memory_space<vmem>>) semaphore(%arg21 : memref<!tpu.dma_semaphore, #tpu.memory_space<semaphore_mem>>) {add = true}
    %dma_wait3A_180 = arith.constant 0 : i32
    %dma_wait3A_181 = arith.constant 0 : i32
    %dma_wait3A_182 = tpu.memref_slice %arg2[%dma_wait3A_180, %dma_wait3A_181] : memref<100000x64xf32, #tpu.memory_space<hbm>> -> memref<100000x64xf32, #tpu.memory_space<hbm>>
    tpu.wait_indirect_dma semaphore(%arg20 : memref<!tpu.dma_semaphore, #tpu.memory_space<semaphore_mem>>) src(%dma_wait3A_182 : memref<100000x64xf32, #tpu.memory_space<hbm>>) dst(%arg12 : memref<400x64xf32, #tpu.memory_space<vmem>>)
    %add3A_183 = arith.constant 24400 : i32
    %add3A_184 = arith.addi %mul3A_2, %add3A_183 : i32
    %dma_start3A_185 = arith.constant 0 : i32
    %dma_start3A_186 = tpu.memref_slice %arg5[%add3A_184, %dma_start3A_185] : memref<819200x64xf32, #tpu.memory_space<hbm>> -> memref<400x64xf32, #tpu.memory_space<hbm>>
    %dma_start3A_187 = arith.constant 0 : i32
    %dma_start3A_188 = tpu.memref_slice %arg5[%add3A_184, %dma_start3A_187] : memref<819200x64xf32, #tpu.memory_space<hbm>> -> memref<400x64xf32, #tpu.memory_space<hbm>>
    tpu.enqueue_dma source(%arg12 : memref<400x64xf32, #tpu.memory_space<vmem>>) target(%dma_start3A_188 : memref<400x64xf32, #tpu.memory_space<hbm>>) target_semaphore(%arg24 : memref<!tpu.dma_semaphore, #tpu.memory_space<semaphore_mem>>)
    %dma_wait3A_189 = arith.constant 0 : i32
    %dma_wait3A_190 = tpu.memref_slice %arg5[%mul3A_2, %dma_wait3A_189] : memref<819200x64xf32, #tpu.memory_space<hbm>> -> memref<400x64xf32, #tpu.memory_space<hbm>>
    %dma_wait3A_191 = arith.constant 0 : i32
    %dma_wait3A_192 = tpu.memref_slice %arg5[%mul3A_2, %dma_wait3A_191] : memref<819200x64xf32, #tpu.memory_space<hbm>> -> memref<400x64xf32, #tpu.memory_space<hbm>>
    tpu.wait_dma2 semaphore(%arg26 : memref<!tpu.dma_semaphore, #tpu.memory_space<semaphore_mem>>) src(%arg14 : memref<400x64xf32, #tpu.memory_space<vmem>>) dst(%dma_wait3A_192 : memref<400x64xf32, #tpu.memory_space<hbm>>)
    %dma_wait3A_193 = tpu.memref_slice %arg3[%mul3A_2] : memref<819200xi32, #tpu.memory_space<hbm>> -> memref<400xi32, #tpu.memory_space<hbm>>
    %dma_wait3A_194 = tpu.memref_slice %arg3[%mul3A_2] : memref<819200xi32, #tpu.memory_space<hbm>> -> memref<400xi32, #tpu.memory_space<hbm>>
    tpu.wait_dma2 semaphore(%arg18 : memref<!tpu.dma_semaphore, #tpu.memory_space<semaphore_mem>>) src(%dma_wait3A_194 : memref<400xi32, #tpu.memory_space<hbm>>) dst(%arg10 : memref<400xi32, #tpu.memory_space<vmem>>)
    %scan3A_195 = arith.constant 0 : i32
    %scan3A_196 = arith.constant 0 : i32
    %scan3A_197 = arith.constant 200 : i32
    %scan3A_198 = arith.addi %scan3A_196, %scan3A_197 : i32
    %scan3A_199 = arith.constant 2 : i32
    %scan3A_200 = scf.for %scan3A_239 = %scan3A_196 to %scan3A_198 step %scan3A_199 iter_args(%scan3A_240 = %scan3A_195) -> (i32)  : i32 {
      %get3A = arith.index_cast %scan3A_239 : i32 to index
      %get3A_241 = arith.constant 0 : index
      %get3A_242 = tpu.vector_load %arg6[%get3A, %get3A_241] {strides = array<i32>} : memref<200x64xf32, #tpu.memory_space<vmem>>, vector<1x16xf32>,
      %get3A_243 = vector.shape_cast %get3A_242 : vector<1x16xf32> to vector<16xf32>
      %swap3A = arith.index_cast %scan3A_239 : i32 to index
      %swap3A_244 = arith.constant 0 : index
      %swap3A_245 = tpu.vector_load %arg14[%swap3A, %swap3A_244] {strides = array<i32>} : memref<400x64xf32, #tpu.memory_space<vmem>>, vector<1x16xf32>,
      %swap3A_246 = vector.shape_cast %swap3A_245 : vector<1x16xf32> to vector<16xf32>
      %swap3A_247 = vector.shape_cast %get3A_243 : vector<16xf32> to vector<1x16xf32>
      tpu.vector_store %arg14[%swap3A, %swap3A_244], %swap3A_247 {strides = array<i32>} : memref<400x64xf32, #tpu.memory_space<vmem>>, vector<1x16xf32>,
      %add3A_248 = arith.constant 200 : i32
      %add3A_249 = arith.addi %add3A_248, %scan3A_239 : i32
      %swap3A_250 = arith.index_cast %add3A_249 : i32 to index
      %swap3A_251 = arith.constant 0 : index
      %swap3A_252 = tpu.vector_load %arg14[%swap3A_250, %swap3A_251] {strides = array<i32>} : memref<400x64xf32, #tpu.memory_space<vmem>>, vector<1x16xf32>,
      %swap3A_253 = vector.shape_cast %swap3A_252 : vector<1x16xf32> to vector<16xf32>
      %swap3A_254 = vector.shape_cast %get3A_243 : vector<16xf32> to vector<1x16xf32>
      tpu.vector_store %arg14[%swap3A_250, %swap3A_251], %swap3A_254 {strides = array<i32>} : memref<400x64xf32, #tpu.memory_space<vmem>>, vector<1x16xf32>,
      %get3A_255 = arith.index_cast %scan3A_239 : i32 to index
      %get3A_256 = arith.constant 16 : index
      %get3A_257 = tpu.vector_load %arg6[%get3A_255, %get3A_256] {strides = array<i32>} : memref<200x64xf32, #tpu.memory_space<vmem>>, vector<1x16xf32>,
      %get3A_258 = vector.shape_cast %get3A_257 : vector<1x16xf32> to vector<16xf32>
      %swap3A_259 = arith.index_cast %scan3A_239 : i32 to index
      %swap3A_260 = arith.constant 16 : index
      %swap3A_261 = tpu.vector_load %arg14[%swap3A_259, %swap3A_260] {strides = array<i32>} : memref<400x64xf32, #tpu.memory_space<vmem>>, vector<1x16xf32>,
      %swap3A_262 = vector.shape_cast %swap3A_261 : vector<1x16xf32> to vector<16xf32>
      %swap3A_263 = vector.shape_cast %get3A_258 : vector<16xf32> to vector<1x16xf32>
      tpu.vector_store %arg14[%swap3A_259, %swap3A_260], %swap3A_263 {strides = array<i32>} : memref<400x64xf32, #tpu.memory_space<vmem>>, vector<1x16xf32>,
      %add3A_264 = arith.constant 200 : i32
      %add3A_265 = arith.addi %add3A_264, %scan3A_239 : i32
      %swap3A_266 = arith.index_cast %add3A_265 : i32 to index
      %swap3A_267 = arith.constant 16 : index
      %swap3A_268 = tpu.vector_load %arg14[%swap3A_266, %swap3A_267] {strides = array<i32>} : memref<400x64xf32, #tpu.memory_space<vmem>>, vector<1x16xf32>,
      %swap3A_269 = vector.shape_cast %swap3A_268 : vector<1x16xf32> to vector<16xf32>
      %swap3A_270 = vector.shape_cast %get3A_258 : vector<16xf32> to vector<1x16xf32>
      tpu.vector_store %arg14[%swap3A_266, %swap3A_267], %swap3A_270 {strides = array<i32>} : memref<400x64xf32, #tpu.memory_space<vmem>>, vector<1x16xf32>,
      %get3A_271 = arith.index_cast %scan3A_239 : i32 to index
      %get3A_272 = arith.constant 32 : index
      %get3A_273 = tpu.vector_load %arg6[%get3A_271, %get3A_272] {strides = array<i32>} : memref<200x64xf32, #tpu.memory_space<vmem>>, vector<1x16xf32>,
      %get3A_274 = vector.shape_cast %get3A_273 : vector<1x16xf32> to vector<16xf32>
      %swap3A_275 = arith.index_cast %scan3A_239 : i32 to index
      %swap3A_276 = arith.constant 32 : index
      %swap3A_277 = tpu.vector_load %arg14[%swap3A_275, %swap3A_276] {strides = array<i32>} : memref<400x64xf32, #tpu.memory_space<vmem>>, vector<1x16xf32>,
      %swap3A_278 = vector.shape_cast %swap3A_277 : vector<1x16xf32> to vector<16xf32>
      %swap3A_279 = vector.shape_cast %get3A_274 : vector<16xf32> to vector<1x16xf32>
      tpu.vector_store %arg14[%swap3A_275, %swap3A_276], %swap3A_279 {strides = array<i32>} : memref<400x64xf32, #tpu.memory_space<vmem>>, vector<1x16xf32>,
      %add3A_280 = arith.constant 200 : i32
      %add3A_281 = arith.addi %add3A_280, %scan3A_239 : i32
      %swap3A_282 = arith.index_cast %add3A_281 : i32 to index
      %swap3A_283 = arith.constant 32 : index
      %swap3A_284 = tpu.vector_load %arg14[%swap3A_282, %swap3A_283] {strides = array<i32>} : memref<400x64xf32, #tpu.memory_space<vmem>>, vector<1x16xf32>,
      %swap3A_285 = vector.shape_cast %swap3A_284 : vector<1x16xf32> to vector<16xf32>
      %swap3A_286 = vector.shape_cast %get3A_274 : vector<16xf32> to vector<1x16xf32>
      tpu.vector_store %arg14[%swap3A_282, %swap3A_283], %swap3A_286 {strides = array<i32>} : memref<400x64xf32, #tpu.memory_space<vmem>>, vector<1x16xf32>,
      %get3A_287 = arith.index_cast %scan3A_239 : i32 to index
      %get3A_288 = arith.constant 48 : index
      %get3A_289 = tpu.vector_load %arg6[%get3A_287, %get3A_288] {strides = array<i32>} : memref<200x64xf32, #tpu.memory_space<vmem>>, vector<1x16xf32>,
      %get3A_290 = vector.shape_cast %get3A_289 : vector<1x16xf32> to vector<16xf32>
      %swap3A_291 = arith.index_cast %scan3A_239 : i32 to index
      %swap3A_292 = arith.constant 48 : index
      %swap3A_293 = tpu.vector_load %arg14[%swap3A_291, %swap3A_292] {strides = array<i32>} : memref<400x64xf32, #tpu.memory_space<vmem>>, vector<1x16xf32>,
      %swap3A_294 = vector.shape_cast %swap3A_293 : vector<1x16xf32> to vector<16xf32>
      %swap3A_295 = vector.shape_cast %get3A_290 : vector<16xf32> to vector<1x16xf32>
      tpu.vector_store %arg14[%swap3A_291, %swap3A_292], %swap3A_295 {strides = array<i32>} : memref<400x64xf32, #tpu.memory_space<vmem>>, vector<1x16xf32>,
      %add3A_296 = arith.constant 200 : i32
      %add3A_297 = arith.addi %add3A_296, %scan3A_239 : i32
      %swap3A_298 = arith.index_cast %add3A_297 : i32 to index
      %swap3A_299 = arith.constant 48 : index
      %swap3A_300 = tpu.vector_load %arg14[%swap3A_298, %swap3A_299] {strides = array<i32>} : memref<400x64xf32, #tpu.memory_space<vmem>>, vector<1x16xf32>,
      %swap3A_301 = vector.shape_cast %swap3A_300 : vector<1x16xf32> to vector<16xf32>
      %swap3A_302 = vector.shape_cast %get3A_290 : vector<16xf32> to vector<1x16xf32>
      tpu.vector_store %arg14[%swap3A_298, %swap3A_299], %swap3A_302 {strides = array<i32>} : memref<400x64xf32, #tpu.memory_space<vmem>>, vector<1x16xf32>,
      %scan3A_303 = arith.constant 0 : i32
      %scan3A_304 = arith.constant 1 : i32
      %scan3A_305 = arith.addi %scan3A_239, %scan3A_304 : i32
      %get3A_306 = arith.index_cast %scan3A_305 : i32 to index
      %get3A_307 = arith.constant 0 : index
      %get3A_308 = tpu.vector_load %arg6[%get3A_306, %get3A_307] {strides = array<i32>} : memref<200x64xf32, #tpu.memory_space<vmem>>, vector<1x16xf32>,
      %get3A_309 = vector.shape_cast %get3A_308 : vector<1x16xf32> to vector<16xf32>
      %swap3A_310 = arith.index_cast %scan3A_305 : i32 to index
      %swap3A_311 = arith.constant 0 : index
      %swap3A_312 = tpu.vector_load %arg14[%swap3A_310, %swap3A_311] {strides = array<i32>} : memref<400x64xf32, #tpu.memory_space<vmem>>, vector<1x16xf32>,
      %swap3A_313 = vector.shape_cast %swap3A_312 : vector<1x16xf32> to vector<16xf32>
      %swap3A_314 = vector.shape_cast %get3A_309 : vector<16xf32> to vector<1x16xf32>
      tpu.vector_store %arg14[%swap3A_310, %swap3A_311], %swap3A_314 {strides = array<i32>} : memref<400x64xf32, #tpu.memory_space<vmem>>, vector<1x16xf32>,
      %add3A_315 = arith.constant 200 : i32
      %add3A_316 = arith.addi %add3A_315, %scan3A_305 : i32
      %swap3A_317 = arith.index_cast %add3A_316 : i32 to index
      %swap3A_318 = arith.constant 0 : index
      %swap3A_319 = tpu.vector_load %arg14[%swap3A_317, %swap3A_318] {strides = array<i32>} : memref<400x64xf32, #tpu.memory_space<vmem>>, vector<1x16xf32>,
      %swap3A_320 = vector.shape_cast %swap3A_319 : vector<1x16xf32> to vector<16xf32>
      %swap3A_321 = vector.shape_cast %get3A_309 : vector<16xf32> to vector<1x16xf32>
      tpu.vector_store %arg14[%swap3A_317, %swap3A_318], %swap3A_321 {strides = array<i32>} : memref<400x64xf32, #tpu.memory_space<vmem>>, vector<1x16xf32>,
      %get3A_322 = arith.index_cast %scan3A_305 : i32 to index
      %get3A_323 = arith.constant 16 : index
      %get3A_324 = tpu.vector_load %arg6[%get3A_322, %get3A_323] {strides = array<i32>} : memref<200x64xf32, #tpu.memory_space<vmem>>, vector<1x16xf32>,
      %get3A_325 = vector.shape_cast %get3A_324 : vector<1x16xf32> to vector<16xf32>
      %swap3A_326 = arith.index_cast %scan3A_305 : i32 to index
      %swap3A_327 = arith.constant 16 : index
      %swap3A_328 = tpu.vector_load %arg14[%swap3A_326, %swap3A_327] {strides = array<i32>} : memref<400x64xf32, #tpu.memory_space<vmem>>, vector<1x16xf32>,
      %swap3A_329 = vector.shape_cast %swap3A_328 : vector<1x16xf32> to vector<16xf32>
      %swap3A_330 = vector.shape_cast %get3A_325 : vector<16xf32> to vector<1x16xf32>
      tpu.vector_store %arg14[%swap3A_326, %swap3A_327], %swap3A_330 {strides = array<i32>} : memref<400x64xf32, #tpu.memory_space<vmem>>, vector<1x16xf32>,
      %add3A_331 = arith.constant 200 : i32
      %add3A_332 = arith.addi %add3A_331, %scan3A_305 : i32
      %swap3A_333 = arith.index_cast %add3A_332 : i32 to index
      %swap3A_334 = arith.constant 16 : index
      %swap3A_335 = tpu.vector_load %arg14[%swap3A_333, %swap3A_334] {strides = array<i32>} : memref<400x64xf32, #tpu.memory_space<vmem>>, vector<1x16xf32>,
      %swap3A_336 = vector.shape_cast %swap3A_335 : vector<1x16xf32> to vector<16xf32>
      %swap3A_337 = vector.shape_cast %get3A_325 : vector<16xf32> to vector<1x16xf32>
      tpu.vector_store %arg14[%swap3A_333, %swap3A_334], %swap3A_337 {strides = array<i32>} : memref<400x64xf32, #tpu.memory_space<vmem>>, vector<1x16xf32>,
      %get3A_338 = arith.index_cast %scan3A_305 : i32 to index
      %get3A_339 = arith.constant 32 : index
      %get3A_340 = tpu.vector_load %arg6[%get3A_338, %get3A_339] {strides = array<i32>} : memref<200x64xf32, #tpu.memory_space<vmem>>, vector<1x16xf32>,
      %get3A_341 = vector.shape_cast %get3A_340 : vector<1x16xf32> to vector<16xf32>
      %swap3A_342 = arith.index_cast %scan3A_305 : i32 to index
      %swap3A_343 = arith.constant 32 : index
      %swap3A_344 = tpu.vector_load %arg14[%swap3A_342, %swap3A_343] {strides = array<i32>} : memref<400x64xf32, #tpu.memory_space<vmem>>, vector<1x16xf32>,
      %swap3A_345 = vector.shape_cast %swap3A_344 : vector<1x16xf32> to vector<16xf32>
      %swap3A_346 = vector.shape_cast %get3A_341 : vector<16xf32> to vector<1x16xf32>
      tpu.vector_store %arg14[%swap3A_342, %swap3A_343], %swap3A_346 {strides = array<i32>} : memref<400x64xf32, #tpu.memory_space<vmem>>, vector<1x16xf32>,
      %add3A_347 = arith.constant 200 : i32
      %add3A_348 = arith.addi %add3A_347, %scan3A_305 : i32
      %swap3A_349 = arith.index_cast %add3A_348 : i32 to index
      %swap3A_350 = arith.constant 32 : index
      %swap3A_351 = tpu.vector_load %arg14[%swap3A_349, %swap3A_350] {strides = array<i32>} : memref<400x64xf32, #tpu.memory_space<vmem>>, vector<1x16xf32>,
      %swap3A_352 = vector.shape_cast %swap3A_351 : vector<1x16xf32> to vector<16xf32>
      %swap3A_353 = vector.shape_cast %get3A_341 : vector<16xf32> to vector<1x16xf32>
      tpu.vector_store %arg14[%swap3A_349, %swap3A_350], %swap3A_353 {strides = array<i32>} : memref<400x64xf32, #tpu.memory_space<vmem>>, vector<1x16xf32>,
      %get3A_354 = arith.index_cast %scan3A_305 : i32 to index
      %get3A_355 = arith.constant 48 : index
      %get3A_356 = tpu.vector_load %arg6[%get3A_354, %get3A_355] {strides = array<i32>} : memref<200x64xf32, #tpu.memory_space<vmem>>, vector<1x16xf32>,
      %get3A_357 = vector.shape_cast %get3A_356 : vector<1x16xf32> to vector<16xf32>
      %swap3A_358 = arith.index_cast %scan3A_305 : i32 to index
      %swap3A_359 = arith.constant 48 : index
      %swap3A_360 = tpu.vector_load %arg14[%swap3A_358, %swap3A_359] {strides = array<i32>} : memref<400x64xf32, #tpu.memory_space<vmem>>, vector<1x16xf32>,
      %swap3A_361 = vector.shape_cast %swap3A_360 : vector<1x16xf32> to vector<16xf32>
      %swap3A_362 = vector.shape_cast %get3A_357 : vector<16xf32> to vector<1x16xf32>
      tpu.vector_store %arg14[%swap3A_358, %swap3A_359], %swap3A_362 {strides = array<i32>} : memref<400x64xf32, #tpu.memory_space<vmem>>, vector<1x16xf32>,
      %add3A_363 = arith.constant 200 : i32
      %add3A_364 = arith.addi %add3A_363, %scan3A_305 : i32
      %swap3A_365 = arith.index_cast %add3A_364 : i32 to index
      %swap3A_366 = arith.constant 48 : index
      %swap3A_367 = tpu.vector_load %arg14[%swap3A_365, %swap3A_366] {strides = array<i32>} : memref<400x64xf32, #tpu.memory_space<vmem>>, vector<1x16xf32>,
      %swap3A_368 = vector.shape_cast %swap3A_367 : vector<1x16xf32> to vector<16xf32>
      %swap3A_369 = vector.shape_cast %get3A_357 : vector<16xf32> to vector<1x16xf32>
      tpu.vector_store %arg14[%swap3A_365, %swap3A_366], %swap3A_369 {strides = array<i32>} : memref<400x64xf32, #tpu.memory_space<vmem>>, vector<1x16xf32>,
      %scan3A_370 = arith.constant 0 : i32
      scf.yield %scan3A_370 : i32
    }
    %scan3A_201 = arith.constant 200 : i32
    %dma_start3A_202 = arith.constant 0 : i32
    %dma_start3A_203 = arith.constant 0 : i32
    %dma_start3A_204 = tpu.memref_slice %arg2[%dma_start3A_202, %dma_start3A_203] : memref<100000x64xf32, #tpu.memory_space<hbm>> -> memref<100000x64xf32, #tpu.memory_space<hbm>>
    tpu.enqueue_indirect_dma source(%dma_start3A_204 : memref<100000x64xf32, #tpu.memory_space<hbm>>) target(%arg14 : memref<400x64xf32, #tpu.memory_space<vmem>>) offsets(%arg10 : memref<400xi32, #tpu.memory_space<vmem>>) semaphore(%arg22 : memref<!tpu.dma_semaphore, #tpu.memory_space<semaphore_mem>>) {add = true}
    %dma_wait3A_205 = arith.constant 0 : i32
    %dma_wait3A_206 = arith.constant 0 : i32
    %dma_wait3A_207 = tpu.memref_slice %arg2[%dma_wait3A_205, %dma_wait3A_206] : memref<100000x64xf32, #tpu.memory_space<hbm>> -> memref<100000x64xf32, #tpu.memory_space<hbm>>
    tpu.wait_indirect_dma semaphore(%arg21 : memref<!tpu.dma_semaphore, #tpu.memory_space<semaphore_mem>>) src(%dma_wait3A_207 : memref<100000x64xf32, #tpu.memory_space<hbm>>) dst(%arg13 : memref<400x64xf32, #tpu.memory_space<vmem>>)
    %add3A_208 = arith.constant 24800 : i32
    %add3A_209 = arith.addi %mul3A_2, %add3A_208 : i32
    %dma_start3A_210 = arith.constant 0 : i32
    %dma_start3A_211 = tpu.memref_slice %arg5[%add3A_209, %dma_start3A_210] : memref<819200x64xf32, #tpu.memory_space<hbm>> -> memref<400x64xf32, #tpu.memory_space<hbm>>
    %dma_start3A_212 = arith.constant 0 : i32
    %dma_start3A_213 = tpu.memref_slice %arg5[%add3A_209, %dma_start3A_212] : memref<819200x64xf32, #tpu.memory_space<hbm>> -> memref<400x64xf32, #tpu.memory_space<hbm>>
    tpu.enqueue_dma source(%arg13 : memref<400x64xf32, #tpu.memory_space<vmem>>) target(%dma_start3A_213 : memref<400x64xf32, #tpu.memory_space<hbm>>) target_semaphore(%arg25 : memref<!tpu.dma_semaphore, #tpu.memory_space<semaphore_mem>>)
    %dma_wait3A_214 = arith.constant 0 : i32
    %dma_wait3A_215 = arith.constant 0 : i32
    %dma_wait3A_216 = tpu.memref_slice %arg2[%dma_wait3A_214, %dma_wait3A_215] : memref<100000x64xf32, #tpu.memory_space<hbm>> -> memref<100000x64xf32, #tpu.memory_space<hbm>>
    tpu.wait_indirect_dma semaphore(%arg22 : memref<!tpu.dma_semaphore, #tpu.memory_space<semaphore_mem>>) src(%dma_wait3A_216 : memref<100000x64xf32, #tpu.memory_space<hbm>>) dst(%arg14 : memref<400x64xf32, #tpu.memory_space<vmem>>)
    %add3A_217 = arith.constant 25200 : i32
    %add3A_218 = arith.addi %mul3A_2, %add3A_217 : i32
    %dma_start3A_219 = arith.constant 0 : i32
    %dma_start3A_220 = tpu.memref_slice %arg5[%add3A_218, %dma_start3A_219] : memref<819200x64xf32, #tpu.memory_space<hbm>> -> memref<400x64xf32, #tpu.memory_space<hbm>>
    %dma_start3A_221 = arith.constant 0 : i32
    %dma_start3A_222 = tpu.memref_slice %arg5[%add3A_218, %dma_start3A_221] : memref<819200x64xf32, #tpu.memory_space<hbm>> -> memref<400x64xf32, #tpu.memory_space<hbm>>
    tpu.enqueue_dma source(%arg14 : memref<400x64xf32, #tpu.memory_space<vmem>>) target(%dma_start3A_222 : memref<400x64xf32, #tpu.memory_space<hbm>>) target_semaphore(%arg26 : memref<!tpu.dma_semaphore, #tpu.memory_space<semaphore_mem>>)
    %dma_wait3A_223 = arith.constant 0 : i32
    %dma_wait3A_224 = tpu.memref_slice %arg5[%mul3A_2, %dma_wait3A_223] : memref<819200x64xf32, #tpu.memory_space<hbm>> -> memref<400x64xf32, #tpu.memory_space<hbm>>
    %dma_wait3A_225 = arith.constant 0 : i32
    %dma_wait3A_226 = tpu.memref_slice %arg5[%mul3A_2, %dma_wait3A_225] : memref<819200x64xf32, #tpu.memory_space<hbm>> -> memref<400x64xf32, #tpu.memory_space<hbm>>
    tpu.wait_dma2 semaphore(%arg23 : memref<!tpu.dma_semaphore, #tpu.memory_space<semaphore_mem>>) src(%arg11 : memref<400x64xf32, #tpu.memory_space<vmem>>) dst(%dma_wait3A_226 : memref<400x64xf32, #tpu.memory_space<hbm>>)
    %dma_wait3A_227 = arith.constant 0 : i32
    %dma_wait3A_228 = tpu.memref_slice %arg5[%mul3A_2, %dma_wait3A_227] : memref<819200x64xf32, #tpu.memory_space<hbm>> -> memref<400x64xf32, #tpu.memory_space<hbm>>
    %dma_wait3A_229 = arith.constant 0 : i32
    %dma_wait3A_230 = tpu.memref_slice %arg5[%mul3A_2, %dma_wait3A_229] : memref<819200x64xf32, #tpu.memory_space<hbm>> -> memref<400x64xf32, #tpu.memory_space<hbm>>
    tpu.wait_dma2 semaphore(%arg24 : memref<!tpu.dma_semaphore, #tpu.memory_space<semaphore_mem>>) src(%arg12 : memref<400x64xf32, #tpu.memory_space<vmem>>) dst(%dma_wait3A_230 : memref<400x64xf32, #tpu.memory_space<hbm>>)
    %dma_wait3A_231 = arith.constant 0 : i32
    %dma_wait3A_232 = tpu.memref_slice %arg5[%mul3A_2, %dma_wait3A_231] : memref<819200x64xf32, #tpu.memory_space<hbm>> -> memref<400x64xf32, #tpu.memory_space<hbm>>
    %dma_wait3A_233 = arith.constant 0 : i32
    %dma_wait3A_234 = tpu.memref_slice %arg5[%mul3A_2, %dma_wait3A_233] : memref<819200x64xf32, #tpu.memory_space<hbm>> -> memref<400x64xf32, #tpu.memory_space<hbm>>
    tpu.wait_dma2 semaphore(%arg25 : memref<!tpu.dma_semaphore, #tpu.memory_space<semaphore_mem>>) src(%arg13 : memref<400x64xf32, #tpu.memory_space<vmem>>) dst(%dma_wait3A_234 : memref<400x64xf32, #tpu.memory_space<hbm>>)
    %dma_wait3A_235 = arith.constant 0 : i32
    %dma_wait3A_236 = tpu.memref_slice %arg5[%mul3A_2, %dma_wait3A_235] : memref<819200x64xf32, #tpu.memory_space<hbm>> -> memref<400x64xf32, #tpu.memory_space<hbm>>
    %dma_wait3A_237 = arith.constant 0 : i32
    %dma_wait3A_238 = tpu.memref_slice %arg5[%mul3A_2, %dma_wait3A_237] : memref<819200x64xf32, #tpu.memory_space<hbm>> -> memref<400x64xf32, #tpu.memory_space<hbm>>
    tpu.wait_dma2 semaphore(%arg26 : memref<!tpu.dma_semaphore, #tpu.memory_space<semaphore_mem>>) src(%arg14 : memref<400x64xf32, #tpu.memory_space<vmem>>) dst(%dma_wait3A_238 : memref<400x64xf32, #tpu.memory_space<hbm>>)
    return
  }
}

</mosaic_0001>

<sc_bundles>
// kernel: _run.3.cloned.1.call-start
scs
__scs_entry_jumppad:
0x0: {  	(pc) =	sbr.rel $0x88, $3  }
0x1: {  	(tag) =	ssettag $0x0;
	lr =	simm.s32 $0x1  }
0x2: {  	[smem:$0x3F9E] =	sst lr;
	_ =	strace $0xD0000000  }
0x3: {  	_ = 	snop  }
0x4: {  	_ = 	snop  }
0x5: {  	_ = 	snop  }
0x6: {  	_ = 	snop  }
0x7: {  	_ = 	snop  }
__scs_overlays_trampoline_lowered:
0x8: {  	[smem:$0x3FAD] =	sst s0  }
0x9: {  	[smem:$0x3FAE] =	sst s1  }
0xa: {  	[smem:$0x3FAF] =	sst s2  }
0xb: {  	[smem:$0x3FB0] =	sst s3  }
0xc: {  	[smem:$0x3FB1] =	sst s4  }
0xd: {  	[smem:$0x3FB2] =	sst s5  }
0xe: {  	[smem:$0x3FB3] =	sst s6  }
0xf: {  	[smem:$0x3FB4] =	sst s7  }
0x10: {  	[smem:$0x3FB5] =	sst s8  }
0x11: {  	[smem:$0x3FB6] =	sst s9;
	s0 =	simm.s32 @!p0 $0x0  }
0x12: {  	s1 =	sld [smem:$0x3F9C];
	s0 =	simm.s32 @p0 $0x1  }
0x13: {  	[smem:$0x3FB7] =	sst s0;
	s0 =	simm.s32 @!p1 $0x0  }
0x14: {  	s2 =	sld [smem:$0x3F9B];
	s0 =	simm.s32 @p1 $0x1  }
0x15: {  	[smem:$0x3FB8] =	sst s0;
	s0 =	simm.s32 @!p2 $0x0  }
0x16: {  	s3 =	sld [smem:$0x3FDB];
	s0 =	simm.s32 @p2 $0x1  }
0x17: {  	s4 =	simm.s32 $0x1BF5;
	[smem:$0x3FBA] =	sst s0  }
0x18: {  	s0 =	sld [smem:$0x3F9D];
	_ =	swait.ge [sflag:s4], $0x0  }
0x19: {  	s7 =	sld [smem:$0x3F9E]  }
0x1a: {  	s8 =	sadd.s32 $0xFFFFE003, lr  }
0x1b: {  	s9 =	sadd.s32 $0xFFFFFEF7, lr;
	s5 =	simm.s32 $0xFFFFFFFF;
	p2 =	slt.u32 s8, $0xFFFFF086  }
0x1c: {  	p1 =	slt.u32 s9, $0xF7A;
	s5 =	simm.s32 @!p2 $0x0  }
0x1d: {  	s5 =	simm.s32 @p1 $0x1;
	p0 =	seq.s32 s7, s2  }
0x1e: {  	s7 =	smul.u32 @!p0 $0xF7A, s2;
	p2 =	seq.s32 @!p0 s5, $0x0  }
0x1f: {  	s9 =	smul.u32 $0xF7A, s1;
	s8 =	simm.s32 @!p0 $0x1BF5;
	p2 =	por !p2, p0  }
0x20: {  	[sflag:s8] =	ssyncset.s32 @!p0 $0xFFFFF086;
	s6 =	sadd.s32 @!p0 s3, s7;
	s7 =	simm.s32 @!p0 $0x108  }
0x21: {  	s3 =	sadd.s32 s3, s9;
	s6 =	sadd.s32 @!p0 $0x88, s6;
	s7 =	simm.s32 @p2 $0x1082  }
0x22: {  	[simem:s7], [sflag:s8] =	dma.local @!p0 [hbm:s6], $0xF7A  }
0x23: {  	s9 =	sor.u32 $0xD0000000, s2;
	s6 =	simm.s32 $0x108;
	_ =	swait.ge @!p0 [sflag:s8], $0x0  }
0x24: {  	s3 =	sadd.s32 $0x88, s3;
	s6 =	simm.s32 @!p1 $0x1082;
	[sflag:s4] =	ssyncset.s32 $0xFFFFF086  }
0x25: {  	[simem:s6], [sflag:s4] =	dma.local [hbm:s3], $0xF7A  }
0x26: {  	[smem:$0x3F9E] =	sst s1;
	(tag) =	ssettag s2;
	_ =	strace s9  }
0x27: {  	s1 =	sld [smem:$0x3FAE]  }
0x28: {  	s2 =	sld [smem:$0x3FAF]  }
0x29: {  	s4 =	sld [smem:$0x3FB1]  }
0x2a: {  	p0 =	seq.s32 s5, $0x0;
	s5 =	sld [smem:$0x3FB2]  }
0x2b: {  	s6 =	sld [smem:$0x3FB3]  }
0x2c: {  	s7 =	sld [smem:$0x3FB4]  }
0x2d: {  	s3 =	simm.s32 $0x108;
	s8 =	sld [smem:$0x3FB5]  }
0x2e: {  	s3 =	simm.s32 @!p0 $0x1082;
	s9 =	sld [smem:$0x3FB6]  }
0x2f: {  	lr =	sadd.s32 s0, s3;
	s0 =	sld [smem:$0x3FAD]  }
0x30: {  	s3 =	sld [smem:$0x3FB0]  }
0x31: {  	[smem:$0x3FB9] =	sst s10  }
0x32: {  	s10 =	sld [smem:$0x3FB7];
	_ =	sdelay $0x3  }
0x33: {  	p0 =	seq.s32 s10, $0x1;
	s10 =	sld [smem:$0x3FB9];
	_ =	sdelay $0x3  }
0x34: {  	[smem:$0x3FB9] =	sst s10  }
0x35: {  	s10 =	sld [smem:$0x3FB8];
	_ =	sdelay $0x3  }
0x36: {  	p1 =	seq.s32 s10, $0x1;
	s10 =	sld [smem:$0x3FB9];
	_ =	sdelay $0x3  }
0x37: {  	[smem:$0x3FB9] =	sst s10  }
0x38: {  	s10 =	sld [smem:$0x3FBA]  }
0x39: {  	_ = 	snop;
	(pc) =	sbr.ind lr, $3  }
0x3a: {  	_ = 	snop  }
0x3b: {  	_ = 	snop  }
0x3c: {  	p2 =	seq.s32 s10, $0x1;
	s10 =	sld [smem:$0x3FB9]  }
0x3d: {  	_ =	shalt  }
0x3e: {  	_ =	shalt  }
0x3f: {  	_ =	shalt  }
0x40: {  	_ =	shalt  }
0x41: {  	_ =	shalt  }
0x42: {  	_ =	shalt  }
0x43: {  	_ =	shalt  }
0x44: {  	_ =	shalt  }
0x45: {  	_ =	shalt  }
0x46: {  	_ =	shalt  }
0x47: {  	_ =	shalt  }
0x48: {  	_ =	shalt  }
0x49: {  	_ =	shalt  }
0x4a: {  	_ =	shalt  }
0x4b: {  	_ =	shalt  }
0x4c: {  	_ =	shalt  }
0x4d: {  	_ =	shalt  }
0x4e: {  	_ =	shalt  }
0x4f: {  	_ =	shalt  }
0x50: {  	_ =	shalt  }
0x51: {  	_ =	shalt  }
0x52: {  	_ =	shalt  }
0x53: {  	_ =	shalt  }
0x54: {  	_ =	shalt  }
0x55: {  	_ =	shalt  }
0x56: {  	_ =	shalt  }
0x57: {  	_ =	shalt  }
0x58: {  	_ =	shalt  }
0x59: {  	_ =	shalt  }
0x5a: {  	_ =	shalt  }
0x5b: {  	_ =	shalt  }
0x5c: {  	_ =	shalt  }
0x5d: {  	_ =	shalt  }
0x5e: {  	_ =	shalt  }
0x5f: {  	_ =	shalt  }
0x60: {  	_ =	shalt  }
0x61: {  	_ =	shalt  }
0x62: {  	_ =	shalt  }
0x63: {  	_ =	shalt  }
0x64: {  	_ =	shalt  }
0x65: {  	_ =	shalt  }
0x66: {  	_ =	shalt  }
0x67: {  	_ =	shalt  }
0x68: {  	_ =	shalt  }
0x69: {  	_ =	shalt  }
0x6a: {  	_ =	shalt  }
0x6b: {  	_ =	shalt  }
0x6c: {  	_ =	shalt  }
0x6d: {  	_ =	shalt  }
0x6e: {  	_ =	shalt  }
0x6f: {  	_ =	shalt  }
0x70: {  	_ =	shalt  }
0x71: {  	_ =	shalt  }
0x72: {  	_ =	shalt  }
0x73: {  	_ =	shalt  }
0x74: {  	_ =	shalt  }
0x75: {  	_ =	shalt  }
0x76: {  	_ =	shalt  }
0x77: {  	_ =	shalt  }
0x78: {  	_ =	shalt  }
0x79: {  	_ =	shalt  }
0x7a: {  	_ =	shalt  }
0x7b: {  	_ =	shalt  }
0x7c: {  	_ =	shalt  }
0x7d: {  	_ =	shalt  }
0x7e: {  	_ =	shalt  }
0x7f: {  	_ =	shalt  }
0x80: {  	_ =	shalt  }
0x81: {  	_ =	shalt  }
0x82: {  	_ =	shalt  }
0x83: {  	_ =	shalt  }
0x84: {  	_ =	shalt  }
0x85: {  	_ =	shalt  }
0x86: {  	_ =	shalt  }
0x87: {  	_ =	shalt  }
.Lfunc_end0:
.L_simem_size_0:
called_computation.1_lowered:
.L_overlay_start_0:
0x88: {  	s2 =	sld [smem:$0x3FD9]  }
0x89: {  	s3 =	sld [smem:$0x3FFE];
	_ =	sdelay $0x1  }
0x8a: {  	s1 =	srdreg.scid  }
0x8b: {  	s0 =	sand.u32 $0x1, s1  }
0x8c: {  	s17 =	sshll.u32 s0, $0xA;
	s2 =	sadd.s32 s3, s2  }
0x8d: {  	s2 =	sadd.s32 s2, s17  }
0x8e: {  	[smem:$0x3FC5] =	sst s2  }
0x8f: {  	_ = 	snop  }
0x90: {  	s2 =	sld [smem:$0x3FC9]  }
0x91: {  	s18 =	sld [smem:$0x3FD0];
	(tm) =	ssettm $0x1  }
0x92: {  	s4 =	sld [smem:$0x3FFB];
	_ =	sdelay $0x3  }
0x93: {  	_ =	strace s4  }
0x94: {  	s4 =	sld [smem:$0x3FFC];
	_ =	sdelay $0x3  }
0x95: {  	_ =	strace s4  }
0x96: {  	s4 =	sld [smem:$0x3FFD];
	_ =	sdelay $0x3  }
0x97: {  	_ =	strace s4  }
0x98: {  	_ =	strace $0x8FFFFFFF  }
0x99: {  	s19 =	sld [smem:$0x3FDB];
	_ =	sdelay $0x1  }
0x9a: {  	s5 =	simm.s32 $_scs_section_size  }
0x9b: {  	s6 =	simm.s32 $_size__tile_overlayer_lowered;
	s7 =	simm.s32 $_tile_overlayer_lowered  }
0x9c: {  	s22 =	simm.s32 $0x1BFF;
	s21 =	sshll.u32 s7, $0x1;
	s4 =	sadd.s32 s5, s19  }
0x9d: {  	s8 =	simm.s32 $0x0;
	s20 =	sshll.u32 s6, $0x1;
	s6 =	sadd.s32 s21, s4  }
0x9e: {  	[timem:s8], [sflag:s22] =	dma.local [hbm:s6], s20  }
0x9f: {  	_ =	swait.ge [sflag:s22], s20  }
0xa0: {  	s5 =	ssub.s32 $0x0, s20;
	[sflag:s22] =	ssyncset.done $0x0  }
0xa1: {  	[sflag:s22] =	ssyncadd.s32 s5;
	_ =	sdelay $0x1  }
0xa2: {  	s23 =	simm.s32 $0x1B8B  }
0xa3: {  	_ =	swait.ge [sflag:s23], $0x1  }
0xa4: {  	[sflag:s23] =	ssyncset.done $0x0  }
0xa5: {  	s25 =	simm.s32 $0x1B8E;
	s24 =	sld [smem:$0x3FFE];
	[sflag:s23] =	ssyncadd.s32 $0xFFFFFFFF  }
0xa6: {  	s26 =	simm.s32 $execute0_lowered;
	[smem:$0x3FD2] =	sst s25  }
0xa7: {  	s6 =	sshll.u32 s26, $0x1;
	_ =	strace $0x80000046;
	[dreg:$0x1] =	wrdreg $0xFFFFFFFF  }
0xa8: {  	s28 =	simm.s32 $_size_execute0_lowered;
	s4 =	sadd.s32 s4, s6;
	[dreg:$0x0] =	wrdreg $0x0  }
0xa9: {  	s6 =	sshll.u32 s28, $0x1;
	[dreg:$0x2] =	wrdreg s4  }
0xaa: {  	[dreg:$0x3] =	wrdreg s6  }
0xab: {  	[dreg:$0x4] =	wrdreg $0xC0  }
0xac: {  	_ =	task [dreg:s8], $0x5FFFF  }
0xad: {  	[dreg:$0x1] =	wrdreg $0xFFFFFFFF  }
0xae: {  	[dreg:$0x0] =	wrdreg $0x60  }
0xaf: {  	[dreg:$0x2] =	wrdreg s24  }
0xb0: {  	[dreg:$0x3] =	wrdreg s2  }
0xb1: {  	[dreg:$0x4] =	wrdreg s18  }
0xb2: {  	[dreg:$0x5] =	wrdreg $0x9  }
0xb3: {  	_ =	task.clear_ibuf [dreg:s8], $0x6FFFF;
	_ =	strace $0x90000046  }
0xb4: {  	s29 =	simm.s32 $0x9;
	_ =	strace $0x80000048  }
0xb5: {  	_ =	swait.ge [sflag:s29], $0x1  }
0xb6: {  	[sflag:s29] =	ssyncadd.s32 $0xFFFFFFFF  }
0xb7: {  	_ =	strace $0x90000048  }
0xb8: {  	_ =	sfence  }
0xb9: {  	s30 =	sld [smem:$0x0];
	_ =	sdelay $0x2  }
0xba: {  	s31 =	sshll.u32 s1, $0xD;
	s1 =	sshrl.u32 s1, $0x2  }
0xbb: {  	s3 =	sand.u32 $0x4000, s31;
	s1 =	sadd.s32 s1, s30  }
0xbc: {  	s0 =	sor.u32 s3, s0;
	s1 =	sshll.u32 s1, $0x11  }
0xbd: {  	s0 =	sor.u32 s1, s0  }
0xbe: {  	s0 =	sadd.s32 $0x8F2B, s0  }
0xbf: {  	[sflag:s0] =	ssyncadd.remote.s32 $0x1  }
0xc0: {  	_ =	sfence.sel $0xFFFF  }
0xc1: {  	[dreg:$0x0] =	wrdreg $0xFFFFFFFF;
	(pc) =	sbr.abs _section_cstart, $3  }
0xc2: {  	[dreg:$0x1] =	wrdreg $0xFFFFFFFF  }
0xc3: {  	_ =	task.clear_ibuf [dreg:s8], $0x2FFFF;
	_ =	strace $0x9FFFFFFF  }
0xc4: {  	(tm) =	ssettm $0x7FFFFFFF  }
0xc5: {  	_ =	shalt  }
tec
execute0_lowered:
.L_overlay_start_1:
0x0: {  	(tag) =	ssettag $0x1  }
0x1: {  	s0 =	rddreg [dreg:$0x0]  }
0x2: {  	s2 =	rddreg [dreg:$0x1]  }
0x3: {  	s3 =	rddreg [dreg:$0x2];
	s1 =	srdreg.scid  }
0x4: {  	s5 =	stileid.u32;
	s4 =	simm.s32 $0x0;
	s28 =	simm.s32 $0x4  }
0x5: {  	s29 =	simm.s32 $0x16440;
	s30 =	simm.s32 $0x7;
	s31 =	simm.s32 $0x9  }
0x6: {  	s1 =	sand.u32 $0x1, s1;
	s5 =	sshll.u32 s5, $0x1;
	[smem:$0x7FF] =	sst s4  }
0x7: {  	s6 =	sadd.s32 $0x1000, s0;
	s0 =	sadd.s32 $0x800, s0;
	s5 =	sor.u32 s1, s5  }
0x8: {  	_ =	strace $0x80000047;
	s1 =	ssub.s32 $0x2, s1;
	s9 =	smul.u32 $0x6400, s5  }
0x9: {  	[dreg:$0x5] =	wrdreg s0;
	s22 =	sshrl.u32 s1, $0x1;
	s8 =	smul.u32 $0x32000, s5  }
0xa: {  	s5 =	smul.u32 $0x190000, s5;
	s0 =	ssub.s32 s1, s22;
	s23 =	sshrl.u32 s9, $0x3  }
0xb: {  	s10 =	sor.u32 $0x190, s9;
	s11 =	sor.u32 $0x320, s9;
	[dreg:$0x4] =	wrdreg s9  }
0xc: {  	s12 =	sadd.s32 $0x4B0, s9;
	s13 =	sadd.s32 $0x7D0, s9;
	[dreg:$0x6] =	wrdreg s10  }
0xd: {  	s17 =	sadd.s32 $0x960, s9;
	s20 =	sshrl.u32 s5, $0x3;
	[dreg:$0xf] =	wrdreg s13  }
0xe: {  	s21 =	sadd.s32 $0xAF0, s9;
	s0 =	smax.u32 s0, $0x1;
	[dreg:$0x8] =	wrdreg s11  }
0xf: {  	s1 =	sadd.s32 s2, s23;
	s24 =	sshrl.u32 s10, $0x3;
	[dreg:$0x12] =	wrdreg s17  }
0x10: {  	s7 =	sshrl.u32 s11, $0x3;
	s26 =	sshrl.u32 s12, $0x3;
	[dreg:$0x9] =	wrdreg s12  }
0x11: {  	s10 =	sshll.u32 s10, $0x3;
	s15 =	sshrl.u32 s13, $0x3;
	[dreg:$0x16] =	wrdreg s21  }
0x12: {  	s16 =	sshll.u32 s11, $0x3;
	s19 =	sshrl.u32 s17, $0x3;
	[dreg:$0x1d] =	wrdreg s0  }
0x13: {  	s22 =	sshll.u32 s12, $0x3;
	[dreg:$0x7] =	wrdreg s1;
	s1 =	sadd.s32 s2, s24  }
0x14: {  	s12 =	simm.s32 $0x3520;
	s25 =	sadd.s32 s2, s7;
	[dreg:$0xa] =	wrdreg s1  }
0x15: {  	s13 =	simm.s32 $0x36B0;
	s7 =	sadd.s32 s3, s8;
	[dreg:$0xb] =	wrdreg s25  }
0x16: {  	s0 =	simm.s32 $0x8;
	s8 =	sadd.s32 $0x640, s9;
	[dreg:$0xd] =	wrdreg s7  }
0x17: {  	s14 =	sadd.s32 s3, s10;
	s18 =	sadd.s32 s3, s16;
	[dreg:$0xe] =	wrdreg s8  }
0x18: {  	s5 =	sadd.s32 s3, s22;
	s9 =	simm.s32 $0x3390;
	[dreg:$0x11] =	wrdreg s14  }
0x19: {  	s22 =	simm.s32 $0x5;
	s1 =	sadd.s32 s2, s26;
	[dreg:$0x14] =	wrdreg s18  }
0x1a: {  	s10 =	simm.s32 $0xC;
	[dreg:$0xc] =	wrdreg s1;
	s1 =	sshrl.u32 s8, $0x3  }
0x1b: {  	s7 =	sshrl.u32 s21, $0x3;
	[dreg:$0x17] =	wrdreg s5;
	s1 =	sadd.s32 s2, s1  }
0x1c: {  	s14 =	simm.s32 $0x1;
	[dreg:$0x10] =	wrdreg s1;
	s1 =	sadd.s32 s2, s15  }
0x1d: {  	s18 =	simm.s32 $0x3840;
	[dreg:$0x13] =	wrdreg s1;
	s1 =	sadd.s32 s2, s19  }
0x1e: {  	s23 =	sadd.s32 s2, s7;
	[dreg:$0x15] =	wrdreg s1;
	s1 =	sadd.s32 s3, s20  }
0x1f: {  	s21 =	simm.s32 $0x9C40;
	[dreg:$0x18] =	wrdreg s23;
	s24 =	sadd.s32 $0x2EE00, s1  }
0x20: {  	s8 =	simm.s32 $0xB;
	s25 =	sadd.s32 $0x2FA80, s1;
	[dreg:$0x19] =	wrdreg s24  }
0x21: {  	s7 =	simm.s32 $0x0;
	s26 =	sadd.s32 $0x30700, s1;
	[dreg:$0x1a] =	wrdreg s25  }
0x22: {  	s23 =	simm.s32 $0x3;
	s1 =	sadd.s32 $0x31380, s1;
	[dreg:$0x1b] =	wrdreg s26  }
0x23: {  	s15 =	simm.s32 $0x190;
	s19 =	simm.s32 $0x2;
	[dreg:$0x1c] =	wrdreg s1  }
0x24: {  	s25 =	simm.s32 $0x10040;
	s26 =	simm.s32 $0x6;
	s1 =	simm.s32 $0xA  }
.LBB2_1:
0x25: {  	[dreg:$0x1e] =	wrdreg s7  }
0x26: {  	s5 =	rddreg [dreg:$0x5];
	s7 =	simm.s32 $0xD  }
0x27: {  	[tilespmem:s4], [sflag:$0xD] =	stream.linear.gather [hbm4b:s5+s4], $0x3200, $0x38;
	[tilespmem:$0x1C840] =	vst v63  }
0x28: {  	_ =	swait.ge [sflag:s7], $0x3200  }
0x29: {  	[sflag:s7] =	ssyncset.done $0x0  }
0x2a: {  	s16 =	simm.s32 $0x3200;
	s11 =	rddreg [dreg:$0x7];
	[sflag:s7] =	ssyncadd.s32 $0xFFFFCE00  }
0x2b: {  	[tilespmem:s16], [sflag:$0x1] =	stream.linear.gather [hbm4b:s11+s4], $0x190, $0x38;
	[tilespmem:$0x1C840] =	vst v63  }
0x2c: {  	s17 =	rddreg [dreg:$0xa]  }
0x2d: {  	[tilespmem:s9], [sflag:$0x2] =	stream.linear.gather [hbm4b:s17+s4], $0x190, $0x38;
	[tilespmem:$0x1C840] =	vst v63  }
0x2e: {  	s20 =	rddreg [dreg:$0xb]  }
0x2f: {  	[tilespmem:s12], [sflag:$0x3] =	stream.linear.gather [hbm4b:s20+s4], $0x190, $0x38;
	[tilespmem:$0x1C840] =	vst v63  }
0x30: {  	s24 =	rddreg [dreg:$0xc]  }
0x31: {  	[tilespmem:s13], [sflag:$0x4] =	stream.linear.gather [hbm4b:s24+s4], $0x190, $0x38;
	[tilespmem:$0x1C840] =	vst v63  }
0x32: {  	_ =	swait.ge [sflag:s14], $0x190  }
0x33: {  	[sflag:s14] =	ssyncset.done $0x0  }
0x34: {  	s11 =	simm.s32 $0x40;
	[sflag:s14] =	ssyncadd.s32 $0xFFFFFE70  }
0x35: {  	v0 =	vld [tilespmem:s11+$0xFFFFFFC0];
	_ =	sdelay $0x3  }
0x36: {  	s5 =	simm.s32 $0x6AB0  }
0x37: {  	[tilespmem:s5+$0xFFFFCD90] =	vst v0  }
0x38: {  	[tilespmem:s5+$0xFFFFFF90] =	vst v0  }
0x39: {  	v0 =	vld [tilespmem:s11+$0xFFFFFFD0];
	_ =	sdelay $0x4  }
0x3a: {  	[tilespmem:s5+$0xFFFFCDA0] =	vst v0  }
0x3b: {  	[tilespmem:s5+$0xFFFFFFA0] =	vst v0  }
0x3c: {  	v0 =	vld [tilespmem:s11+$0xFFFFFFE0];
	_ =	sdelay $0x4  }
0x3d: {  	[tilespmem:s5+$0xFFFFCDB0] =	vst v0  }
0x3e: {  	[tilespmem:s5+$0xFFFFFFB0] =	vst v0  }
0x3f: {  	v0 =	vld [tilespmem:s11+$0xFFFFFFF0];
	_ =	sdelay $0x4  }
0x40: {  	[tilespmem:s5+$0xFFFFCDC0] =	vst v0  }
0x41: {  	[tilespmem:s5+$0xFFFFFFC0] =	vst v0  }
0x42: {  	v0 =	vld [tilespmem:s11+$0x0];
	_ =	sdelay $0x4  }
0x43: {  	[tilespmem:s5+$0xFFFFCDD0] =	vst v0  }
0x44: {  	[tilespmem:s5+$0xFFFFFFD0] =	vst v0  }
0x45: {  	v0 =	vld [tilespmem:s11+$0x10];
	_ =	sdelay $0x4  }
0x46: {  	[tilespmem:s5+$0xFFFFCDE0] =	vst v0  }
0x47: {  	[tilespmem:s5+$0xFFFFFFE0] =	vst v0  }
0x48: {  	s16 =	simm.s32 $0x0;
	s17 =	simm.s32 $0x40;
	s20 =	simm.s32 $0x6AB0;
	v0 =	vld [tilespmem:s11+$0x20]  }
.LBB2_2:
0x49: {  	_ =	sdelay $0x3  }
0x4a: {  	s16 =	sadd.s32 $0x2, s16;
	s20 =	sadd.s32 $0x80, s20;
	s11 =	sadd.s32 $0x80, s11;
	[tilespmem:s5+$0xFFFFCDF0] =	vst v0  }
0x4b: {  	p0 =	slt.u32 s16, $0xC6;
	[tilespmem:s5+$0xFFFFFFF0] =	vst v0  }
0x4c: {  	v0 =	vld [tilespmem:s17+$0x30];
	s17 =	smov.u32 s11;
	_ =	sdelay $0x4  }
0x4d: {  	[tilespmem:s5+$0xFFFFCE00] =	vst v0  }
0x4e: {  	[tilespmem:s5+$0x0] =	vst v0;
	s5 =	smov.u32 s20  }
0x4f: {  	v0 =	vld [tilespmem:s11+$0xFFFFFFC0];
	_ =	sdelay $0x4  }
0x50: {  	[tilespmem:s20+$0xFFFFCD90] =	vst v0  }
0x51: {  	[tilespmem:s20+$0xFFFFFF90] =	vst v0  }
0x52: {  	v0 =	vld [tilespmem:s11+$0xFFFFFFD0];
	_ =	sdelay $0x4  }
0x53: {  	[tilespmem:s20+$0xFFFFCDA0] =	vst v0  }
0x54: {  	[tilespmem:s20+$0xFFFFFFA0] =	vst v0  }
0x55: {  	v0 =	vld [tilespmem:s11+$0xFFFFFFE0];
	_ =	sdelay $0x4  }
0x56: {  	[tilespmem:s20+$0xFFFFCDB0] =	vst v0  }
0x57: {  	[tilespmem:s20+$0xFFFFFFB0] =	vst v0  }
0x58: {  	v0 =	vld [tilespmem:s11+$0xFFFFFFF0];
	_ =	sdelay $0x4  }
0x59: {  	[tilespmem:s20+$0xFFFFCDC0] =	vst v0  }
0x5a: {  	[tilespmem:s20+$0xFFFFFFC0] =	vst v0  }
0x5b: {  	v0 =	vld [tilespmem:s11+$0x0];
	_ =	sdelay $0x4  }
0x5c: {  	[tilespmem:s20+$0xFFFFCDD0] =	vst v0  }
0x5d: {  	[tilespmem:s20+$0xFFFFFFD0] =	vst v0  }
0x5e: {  	v0 =	vld [tilespmem:s11+$0x10];
	_ =	sdelay $0x2  }
.Ltmp0:
0x5f: {  	(pc) =	sbr.rel @p0 .LBB2_2-.Ltmp0, $4  }
0x60: {  	_ = 	snop  }
0x61: {  	[tilespmem:s20+$0xFFFFCDE0] =	vst v0  }
0x62: {  	[tilespmem:s20+$0xFFFFFFE0] =	vst v0  }
0x63: {  	v0 =	vld [tilespmem:s11+$0x20]  }
0x64: {  	_ =	sdelay $0x3  }
0x65: {  	[tilespmem:s5+$0xFFFFCDF0] =	vst v0  }
0x66: {  	[tilespmem:s5+$0xFFFFFFF0] =	vst v0  }
0x67: {  	v0 =	vld [tilespmem:s17+$0x30];
	_ =	sdelay $0x4  }
0x68: {  	[tilespmem:s5+$0xFFFFCE00] =	vst v0  }
0x69: {  	s24 =	simm.s32 $0x3200;
	[tilespmem:s5+$0x0] =	vst v0  }
0x6a: {  	[tilespmem:s18], [sflag:$0x5] =	stream.indirect.gather.add.f32 [hbm:s6], $0x40, s24, s15, $0xb8;
	[tilespmem:$0x1C840] =	vst v63  }
0x6b: {  	_ =	swait.ge [sflag:s19], $0x190  }
0x6c: {  	[sflag:s19] =	ssyncset.done $0x0  }
0x6d: {  	s11 =	simm.s32 $0x40;
	[sflag:s19] =	ssyncadd.s32 $0xFFFFFE70  }
0x6e: {  	v0 =	vld [tilespmem:s11+$0xFFFFFFC0];
	_ =	sdelay $0x3  }
0x6f: {  	s5 =	simm.s32 $0xCEB0  }
0x70: {  	[tilespmem:s5+$0xFFFFCD90] =	vst v0  }
0x71: {  	[tilespmem:s5+$0xFFFFFF90] =	vst v0  }
0x72: {  	v0 =	vld [tilespmem:s11+$0xFFFFFFD0];
	_ =	sdelay $0x4  }
0x73: {  	[tilespmem:s5+$0xFFFFCDA0] =	vst v0  }
0x74: {  	[tilespmem:s5+$0xFFFFFFA0] =	vst v0  }
0x75: {  	v0 =	vld [tilespmem:s11+$0xFFFFFFE0];
	_ =	sdelay $0x4  }
0x76: {  	[tilespmem:s5+$0xFFFFCDB0] =	vst v0  }
0x77: {  	[tilespmem:s5+$0xFFFFFFB0] =	vst v0  }
0x78: {  	v0 =	vld [tilespmem:s11+$0xFFFFFFF0];
	_ =	sdelay $0x4  }
0x79: {  	[tilespmem:s5+$0xFFFFCDC0] =	vst v0  }
0x7a: {  	[tilespmem:s5+$0xFFFFFFC0] =	vst v0  }
0x7b: {  	v0 =	vld [tilespmem:s11+$0x0];
	_ =	sdelay $0x4  }
0x7c: {  	[tilespmem:s5+$0xFFFFCDD0] =	vst v0  }
0x7d: {  	[tilespmem:s5+$0xFFFFFFD0] =	vst v0  }
0x7e: {  	v0 =	vld [tilespmem:s11+$0x10];
	_ =	sdelay $0x4  }
0x7f: {  	[tilespmem:s5+$0xFFFFCDE0] =	vst v0  }
0x80: {  	[tilespmem:s5+$0xFFFFFFE0] =	vst v0  }
0x81: {  	s16 =	simm.s32 $0x0;
	s20 =	simm.s32 $0xCEB0;
	s17 =	simm.s32 $0x40;
	v0 =	vld [tilespmem:s11+$0x20]  }
.LBB2_4:
0x82: {  	_ =	sdelay $0x3  }
0x83: {  	s16 =	sadd.s32 $0x2, s16;
	s20 =	sadd.s32 $0x80, s20;
	s11 =	sadd.s32 $0x80, s11;
	[tilespmem:s5+$0xFFFFCDF0] =	vst v0  }
0x84: {  	p0 =	slt.u32 s16, $0xC6;
	[tilespmem:s5+$0xFFFFFFF0] =	vst v0  }
0x85: {  	v0 =	vld [tilespmem:s17+$0x30];
	s17 =	smov.u32 s11;
	_ =	sdelay $0x4  }
0x86: {  	[tilespmem:s5+$0xFFFFCE00] =	vst v0  }
0x87: {  	[tilespmem:s5+$0x0] =	vst v0;
	s5 =	smov.u32 s20  }
0x88: {  	v0 =	vld [tilespmem:s11+$0xFFFFFFC0];
	_ =	sdelay $0x4  }
0x89: {  	[tilespmem:s20+$0xFFFFCD90] =	vst v0  }
0x8a: {  	[tilespmem:s20+$0xFFFFFF90] =	vst v0  }
0x8b: {  	v0 =	vld [tilespmem:s11+$0xFFFFFFD0];
	_ =	sdelay $0x4  }
0x8c: {  	[tilespmem:s20+$0xFFFFCDA0] =	vst v0  }
0x8d: {  	[tilespmem:s20+$0xFFFFFFA0] =	vst v0  }
0x8e: {  	v0 =	vld [tilespmem:s11+$0xFFFFFFE0];
	_ =	sdelay $0x4  }
0x8f: {  	[tilespmem:s20+$0xFFFFCDB0] =	vst v0  }
0x90: {  	[tilespmem:s20+$0xFFFFFFB0] =	vst v0  }
0x91: {  	v0 =	vld [tilespmem:s11+$0xFFFFFFF0];
	_ =	sdelay $0x4  }
0x92: {  	[tilespmem:s20+$0xFFFFCDC0] =	vst v0  }
0x93: {  	[tilespmem:s20+$0xFFFFFFC0] =	vst v0  }
0x94: {  	v0 =	vld [tilespmem:s11+$0x0];
	_ =	sdelay $0x4  }
0x95: {  	[tilespmem:s20+$0xFFFFCDD0] =	vst v0  }
0x96: {  	[tilespmem:s20+$0xFFFFFFD0] =	vst v0  }
0x97: {  	v0 =	vld [tilespmem:s11+$0x10];
	_ =	sdelay $0x2  }
.Ltmp1:
0x98: {  	(pc) =	sbr.rel @p0 .LBB2_4-.Ltmp1, $4  }
0x99: {  	_ = 	snop  }
0x9a: {  	[tilespmem:s20+$0xFFFFCDE0] =	vst v0  }
0x9b: {  	[tilespmem:s20+$0xFFFFFFE0] =	vst v0  }
0x9c: {  	v0 =	vld [tilespmem:s11+$0x20]  }
0x9d: {  	_ =	sdelay $0x3  }
0x9e: {  	[tilespmem:s5+$0xFFFFCDF0] =	vst v0  }
0x9f: {  	[tilespmem:s5+$0xFFFFFFF0] =	vst v0  }
0xa0: {  	v0 =	vld [tilespmem:s17+$0x30];
	_ =	sdelay $0x4  }
0xa1: {  	[tilespmem:s5+$0xFFFFCE00] =	vst v0  }
0xa2: {  	[tilespmem:s5+$0x0] =	vst v0  }
0xa3: {  	[tilespmem:s21], [sflag:$0x6] =	stream.indirect.gather.add.f32 [hbm:s6], $0x40, s9, s15, $0xb8;
	[tilespmem:$0x1C840] =	vst v63  }
0xa4: {  	_ =	swait.ge [sflag:s22], $0x6400  }
0xa5: {  	[sflag:s22] =	ssyncset.done $0x0  }
0xa6: {  	s24 =	rddreg [dreg:$0xd];
	[sflag:s22] =	ssyncadd.s32 $0xFFFF9C00  }
0xa7: {  	[hbm4b:s24+s4] =	stream.linear.scatter [tilespmem:s18], [sflag:$0x9], $0x6400, $0x38;
	[tilespmem:$0x1C840] =	vst v63  }
0xa8: {  	_ =	swait.ge [sflag:s23], $0x190  }
0xa9: {  	[sflag:s23] =	ssyncset.done $0x0  }
0xaa: {  	s11 =	simm.s32 $0x40;
	[sflag:s23] =	ssyncadd.s32 $0xFFFFFE70  }
0xab: {  	v0 =	vld [tilespmem:s11+$0xFFFFFFC0];
	_ =	sdelay $0x3  }
0xac: {  	s5 =	simm.s32 $0x132B0  }
0xad: {  	[tilespmem:s5+$0xFFFFCD90] =	vst v0  }
0xae: {  	[tilespmem:s5+$0xFFFFFF90] =	vst v0  }
0xaf: {  	v0 =	vld [tilespmem:s11+$0xFFFFFFD0];
	_ =	sdelay $0x4  }
0xb0: {  	[tilespmem:s5+$0xFFFFCDA0] =	vst v0  }
0xb1: {  	[tilespmem:s5+$0xFFFFFFA0] =	vst v0  }
0xb2: {  	v0 =	vld [tilespmem:s11+$0xFFFFFFE0];
	_ =	sdelay $0x4  }
0xb3: {  	[tilespmem:s5+$0xFFFFCDB0] =	vst v0  }
0xb4: {  	[tilespmem:s5+$0xFFFFFFB0] =	vst v0  }
0xb5: {  	v0 =	vld [tilespmem:s11+$0xFFFFFFF0];
	_ =	sdelay $0x4  }
0xb6: {  	[tilespmem:s5+$0xFFFFCDC0] =	vst v0  }
0xb7: {  	[tilespmem:s5+$0xFFFFFFC0] =	vst v0  }
0xb8: {  	v0 =	vld [tilespmem:s11+$0x0];
	_ =	sdelay $0x4  }
0xb9: {  	[tilespmem:s5+$0xFFFFCDD0] =	vst v0  }
0xba: {  	[tilespmem:s5+$0xFFFFFFD0] =	vst v0  }
0xbb: {  	v0 =	vld [tilespmem:s11+$0x10];
	_ =	sdelay $0x4  }
0xbc: {  	[tilespmem:s5+$0xFFFFCDE0] =	vst v0  }
0xbd: {  	[tilespmem:s5+$0xFFFFFFE0] =	vst v0  }
0xbe: {  	s16 =	simm.s32 $0x0;
	s20 =	simm.s32 $0x132B0;
	s17 =	simm.s32 $0x40;
	v0 =	vld [tilespmem:s11+$0x20]  }
.LBB2_6:
0xbf: {  	_ =	sdelay $0x3  }
0xc0: {  	s16 =	sadd.s32 $0x2, s16;
	s20 =	sadd.s32 $0x80, s20;
	s11 =	sadd.s32 $0x80, s11;
	[tilespmem:s5+$0xFFFFCDF0] =	vst v0  }
0xc1: {  	p0 =	slt.u32 s16, $0xC6;
	[tilespmem:s5+$0xFFFFFFF0] =	vst v0  }
0xc2: {  	v0 =	vld [tilespmem:s17+$0x30];
	s17 =	smov.u32 s11;
	_ =	sdelay $0x4  }
0xc3: {  	[tilespmem:s5+$0xFFFFCE00] =	vst v0  }
0xc4: {  	[tilespmem:s5+$0x0] =	vst v0;
	s5 =	smov.u32 s20  }
0xc5: {  	v0 =	vld [tilespmem:s11+$0xFFFFFFC0];
	_ =	sdelay $0x4  }
0xc6: {  	[tilespmem:s20+$0xFFFFCD90] =	vst v0  }
0xc7: {  	[tilespmem:s20+$0xFFFFFF90] =	vst v0  }
0xc8: {  	v0 =	vld [tilespmem:s11+$0xFFFFFFD0];
	_ =	sdelay $0x4  }
0xc9: {  	[tilespmem:s20+$0xFFFFCDA0] =	vst v0  }
0xca: {  	[tilespmem:s20+$0xFFFFFFA0] =	vst v0  }
0xcb: {  	v0 =	vld [tilespmem:s11+$0xFFFFFFE0];
	_ =	sdelay $0x4  }
0xcc: {  	[tilespmem:s20+$0xFFFFCDB0] =	vst v0  }
0xcd: {  	[tilespmem:s20+$0xFFFFFFB0] =	vst v0  }
0xce: {  	v0 =	vld [tilespmem:s11+$0xFFFFFFF0];
	_ =	sdelay $0x4  }
0xcf: {  	[tilespmem:s20+$0xFFFFCDC0] =	vst v0  }
0xd0: {  	[tilespmem:s20+$0xFFFFFFC0] =	vst v0  }
0xd1: {  	v0 =	vld [tilespmem:s11+$0x0];
	_ =	sdelay $0x4  }
0xd2: {  	[tilespmem:s20+$0xFFFFCDD0] =	vst v0  }
0xd3: {  	[tilespmem:s20+$0xFFFFFFD0] =	vst v0  }
0xd4: {  	v0 =	vld [tilespmem:s11+$0x10];
	_ =	sdelay $0x2  }
.Ltmp2:
0xd5: {  	(pc) =	sbr.rel @p0 .LBB2_6-.Ltmp2, $4  }
0xd6: {  	_ = 	snop  }
0xd7: {  	[tilespmem:s20+$0xFFFFCDE0] =	vst v0  }
0xd8: {  	[tilespmem:s20+$0xFFFFFFE0] =	vst v0  }
0xd9: {  	v0 =	vld [tilespmem:s11+$0x20]  }
0xda: {  	_ =	sdelay $0x3  }
0xdb: {  	[tilespmem:s5+$0xFFFFCDF0] =	vst v0  }
0xdc: {  	[tilespmem:s5+$0xFFFFFFF0] =	vst v0  }
0xdd: {  	v0 =	vld [tilespmem:s17+$0x30];
	_ =	sdelay $0x4  }
0xde: {  	[tilespmem:s5+$0xFFFFCE00] =	vst v0  }
0xdf: {  	[tilespmem:s5+$0x0] =	vst v0  }
0xe0: {  	[tilespmem:s25], [sflag:$0x7] =	stream.indirect.gather.add.f32 [hbm:s6], $0x40, s12, s15, $0xb8;
	[tilespmem:$0x1C840] =	vst v63  }
0xe1: {  	s20 =	rddreg [dreg:$0x10];
	s7 =	simm.s32 $0x3200  }
0xe2: {  	[tilespmem:s7], [sflag:$0x1] =	stream.linear.gather [hbm4b:s20+s4], $0x190, $0x38;
	[tilespmem:$0x1C840] =	vst v63  }
0xe3: {  	_ =	swait.ge [sflag:s26], $0x6400  }
0xe4: {  	[sflag:s26] =	ssyncset.done $0x0  }
0xe5: {  	s24 =	rddreg [dreg:$0x11];
	[sflag:s26] =	ssyncadd.s32 $0xFFFF9C00  }
0xe6: {  	[hbm4b:s24+s4] =	stream.linear.scatter [tilespmem:s21], [sflag:$0xA], $0x6400, $0x38;
	[tilespmem:$0x1C840] =	vst v63  }
0xe7: {  	_ =	swait.ge [sflag:s28], $0x190  }
0xe8: {  	[sflag:s28] =	ssyncset.done $0x0  }
0xe9: {  	s11 =	simm.s32 $0x40;
	[sflag:s28] =	ssyncadd.s32 $0xFFFFFE70  }
0xea: {  	v0 =	vld [tilespmem:s11+$0xFFFFFFC0];
	_ =	sdelay $0x3  }
0xeb: {  	s5 =	simm.s32 $0x196B0  }
0xec: {  	[tilespmem:s5+$0xFFFFCD90] =	vst v0  }
0xed: {  	[tilespmem:s5+$0xFFFFFF90] =	vst v0  }
0xee: {  	v0 =	vld [tilespmem:s11+$0xFFFFFFD0];
	_ =	sdelay $0x4  }
0xef: {  	[tilespmem:s5+$0xFFFFCDA0] =	vst v0  }
0xf0: {  	[tilespmem:s5+$0xFFFFFFA0] =	vst v0  }
0xf1: {  	v0 =	vld [tilespmem:s11+$0xFFFFFFE0];
	_ =	sdelay $0x4  }
0xf2: {  	[tilespmem:s5+$0xFFFFCDB0] =	vst v0  }
0xf3: {  	[tilespmem:s5+$0xFFFFFFB0] =	vst v0  }
0xf4: {  	v0 =	vld [tilespmem:s11+$0xFFFFFFF0];
	_ =	sdelay $0x4  }
0xf5: {  	[tilespmem:s5+$0xFFFFCDC0] =	vst v0  }
0xf6: {  	[tilespmem:s5+$0xFFFFFFC0] =	vst v0  }
0xf7: {  	v0 =	vld [tilespmem:s11+$0x0];
	_ =	sdelay $0x4  }
0xf8: {  	[tilespmem:s5+$0xFFFFCDD0] =	vst v0  }
0xf9: {  	[tilespmem:s5+$0xFFFFFFD0] =	vst v0  }
0xfa: {  	v0 =	vld [tilespmem:s11+$0x10];
	_ =	sdelay $0x4  }
0xfb: {  	[tilespmem:s5+$0xFFFFCDE0] =	vst v0  }
0xfc: {  	[tilespmem:s5+$0xFFFFFFE0] =	vst v0  }
0xfd: {  	s16 =	simm.s32 $0x0;
	s17 =	simm.s32 $0x40;
	s20 =	simm.s32 $0x196B0;
	v0 =	vld [tilespmem:s11+$0x20]  }
.LBB2_8:
0xfe: {  	_ =	sdelay $0x3  }
0xff: {  	s16 =	sadd.s32 $0x2, s16;
	s20 =	sadd.s32 $0x80, s20;
	s11 =	sadd.s32 $0x80, s11;
	[tilespmem:s5+$0xFFFFCDF0] =	vst v0  }
0x100: {  	p0 =	slt.u32 s16, $0xC6;
	[tilespmem:s5+$0xFFFFFFF0] =	vst v0  }
0x101: {  	v0 =	vld [tilespmem:s17+$0x30];
	s17 =	smov.u32 s11;
	_ =	sdelay $0x4  }
0x102: {  	[tilespmem:s5+$0xFFFFCE00] =	vst v0  }
0x103: {  	[tilespmem:s5+$0x0] =	vst v0;
	s5 =	smov.u32 s20  }
0x104: {  	v0 =	vld [tilespmem:s11+$0xFFFFFFC0];
	_ =	sdelay $0x4  }
0x105: {  	[tilespmem:s20+$0xFFFFCD90] =	vst v0  }
0x106: {  	[tilespmem:s20+$0xFFFFFF90] =	vst v0  }
0x107: {  	v0 =	vld [tilespmem:s11+$0xFFFFFFD0];
	_ =	sdelay $0x4  }
0x108: {  	[tilespmem:s20+$0xFFFFCDA0] =	vst v0  }
0x109: {  	[tilespmem:s20+$0xFFFFFFA0] =	vst v0  }
0x10a: {  	v0 =	vld [tilespmem:s11+$0xFFFFFFE0];
	_ =	sdelay $0x4  }
0x10b: {  	[tilespmem:s20+$0xFFFFCDB0] =	vst v0  }
0x10c: {  	[tilespmem:s20+$0xFFFFFFB0] =	vst v0  }
0x10d: {  	v0 =	vld [tilespmem:s11+$0xFFFFFFF0];
	_ =	sdelay $0x4  }
0x10e: {  	[tilespmem:s20+$0xFFFFCDC0] =	vst v0  }
0x10f: {  	[tilespmem:s20+$0xFFFFFFC0] =	vst v0  }
0x110: {  	v0 =	vld [tilespmem:s11+$0x0];
	_ =	sdelay $0x4  }
0x111: {  	[tilespmem:s20+$0xFFFFCDD0] =	vst v0  }
0x112: {  	[tilespmem:s20+$0xFFFFFFD0] =	vst v0  }
0x113: {  	v0 =	vld [tilespmem:s11+$0x10];
	_ =	sdelay $0x2  }
.Ltmp3:
0x114: {  	(pc) =	sbr.rel @p0 .LBB2_8-.Ltmp3, $4  }
0x115: {  	_ = 	snop  }
0x116: {  	[tilespmem:s20+$0xFFFFCDE0] =	vst v0  }
0x117: {  	[tilespmem:s20+$0xFFFFFFE0] =	vst v0  }
0x118: {  	v0 =	vld [tilespmem:s11+$0x20]  }
0x119: {  	_ =	sdelay $0x3  }
0x11a: {  	[tilespmem:s5+$0xFFFFCDF0] =	vst v0  }
0x11b: {  	[tilespmem:s5+$0xFFFFFFF0] =	vst v0  }
0x11c: {  	v0 =	vld [tilespmem:s17+$0x30];
	_ =	sdelay $0x4  }
0x11d: {  	[tilespmem:s5+$0xFFFFCE00] =	vst v0  }
0x11e: {  	[tilespmem:s5+$0x0] =	vst v0  }
0x11f: {  	[tilespmem:s29], [sflag:$0x8] =	stream.indirect.gather.add.f32 [hbm:s6], $0x40, s13, s15, $0xb8;
	[tilespmem:$0x1C840] =	vst v63  }
0x120: {  	s20 =	rddreg [dreg:$0x13]  }
0x121: {  	[tilespmem:s9], [sflag:$0x2] =	stream.linear.gather [hbm4b:s20+s4], $0x190, $0x38;
	[tilespmem:$0x1C840] =	vst v63  }
0x122: {  	_ =	swait.ge [sflag:s30], $0x6400  }
0x123: {  	[sflag:s30] =	ssyncset.done $0x0  }
0x124: {  	s24 =	rddreg [dreg:$0x14];
	[sflag:s30] =	ssyncadd.s32 $0xFFFF9C00  }
0x125: {  	[hbm4b:s24+s4] =	stream.linear.scatter [tilespmem:s25], [sflag:$0xB], $0x6400, $0x38;
	[tilespmem:$0x1C840] =	vst v63  }
0x126: {  	_ =	swait.ge [sflag:s31], $0x6400  }
0x127: {  	[sflag:s31] =	ssyncset.done $0x0  }
0x128: {  	[sflag:s31] =	ssyncadd.s32 $0xFFFF9C00  }
0x129: {  	_ =	swait.ge [sflag:s14], $0x190  }
0x12a: {  	[sflag:s14] =	ssyncset.done $0x0  }
0x12b: {  	s11 =	simm.s32 $0x40;
	[sflag:s14] =	ssyncadd.s32 $0xFFFFFE70  }
0x12c: {  	v0 =	vld [tilespmem:s11+$0xFFFFFFC0];
	_ =	sdelay $0x3  }
0x12d: {  	s5 =	simm.s32 $0x6AB0  }
0x12e: {  	[tilespmem:s5+$0xFFFFCD90] =	vst v0  }
0x12f: {  	[tilespmem:s5+$0xFFFFFF90] =	vst v0  }
0x130: {  	v0 =	vld [tilespmem:s11+$0xFFFFFFD0];
	_ =	sdelay $0x4  }
0x131: {  	[tilespmem:s5+$0xFFFFCDA0] =	vst v0  }
0x132: {  	[tilespmem:s5+$0xFFFFFFA0] =	vst v0  }
0x133: {  	v0 =	vld [tilespmem:s11+$0xFFFFFFE0];
	_ =	sdelay $0x4  }
0x134: {  	[tilespmem:s5+$0xFFFFCDB0] =	vst v0  }
0x135: {  	[tilespmem:s5+$0xFFFFFFB0] =	vst v0  }
0x136: {  	v0 =	vld [tilespmem:s11+$0xFFFFFFF0];
	_ =	sdelay $0x4  }
0x137: {  	[tilespmem:s5+$0xFFFFCDC0] =	vst v0  }
0x138: {  	[tilespmem:s5+$0xFFFFFFC0] =	vst v0  }
0x139: {  	v0 =	vld [tilespmem:s11+$0x0];
	_ =	sdelay $0x4  }
0x13a: {  	[tilespmem:s5+$0xFFFFCDD0] =	vst v0  }
0x13b: {  	[tilespmem:s5+$0xFFFFFFD0] =	vst v0  }
0x13c: {  	v0 =	vld [tilespmem:s11+$0x10];
	_ =	sdelay $0x4  }
0x13d: {  	[tilespmem:s5+$0xFFFFCDE0] =	vst v0  }
0x13e: {  	[tilespmem:s5+$0xFFFFFFE0] =	vst v0  }
0x13f: {  	s16 =	simm.s32 $0x0;
	s17 =	simm.s32 $0x40;
	s20 =	simm.s32 $0x6AB0;
	v0 =	vld [tilespmem:s11+$0x20]  }
.LBB2_10:
0x140: {  	_ =	sdelay $0x3  }
0x141: {  	s16 =	sadd.s32 $0x2, s16;
	s20 =	sadd.s32 $0x80, s20;
	s11 =	sadd.s32 $0x80, s11;
	[tilespmem:s5+$0xFFFFCDF0] =	vst v0  }
0x142: {  	p0 =	slt.u32 s16, $0xC6;
	[tilespmem:s5+$0xFFFFFFF0] =	vst v0  }
0x143: {  	v0 =	vld [tilespmem:s17+$0x30];
	s17 =	smov.u32 s11;
	_ =	sdelay $0x4  }
0x144: {  	[tilespmem:s5+$0xFFFFCE00] =	vst v0  }
0x145: {  	[tilespmem:s5+$0x0] =	vst v0;
	s5 =	smov.u32 s20  }
0x146: {  	v0 =	vld [tilespmem:s11+$0xFFFFFFC0];
	_ =	sdelay $0x4  }
0x147: {  	[tilespmem:s20+$0xFFFFCD90] =	vst v0  }
0x148: {  	[tilespmem:s20+$0xFFFFFF90] =	vst v0  }
0x149: {  	v0 =	vld [tilespmem:s11+$0xFFFFFFD0];
	_ =	sdelay $0x4  }
0x14a: {  	[tilespmem:s20+$0xFFFFCDA0] =	vst v0  }
0x14b: {  	[tilespmem:s20+$0xFFFFFFA0] =	vst v0  }
0x14c: {  	v0 =	vld [tilespmem:s11+$0xFFFFFFE0];
	_ =	sdelay $0x4  }
0x14d: {  	[tilespmem:s20+$0xFFFFCDB0] =	vst v0  }
0x14e: {  	[tilespmem:s20+$0xFFFFFFB0] =	vst v0  }
0x14f: {  	v0 =	vld [tilespmem:s11+$0xFFFFFFF0];
	_ =	sdelay $0x4  }
0x150: {  	[tilespmem:s20+$0xFFFFCDC0] =	vst v0  }
0x151: {  	[tilespmem:s20+$0xFFFFFFC0] =	vst v0  }
0x152: {  	v0 =	vld [tilespmem:s11+$0x0];
	_ =	sdelay $0x4  }
0x153: {  	[tilespmem:s20+$0xFFFFCDD0] =	vst v0  }
0x154: {  	[tilespmem:s20+$0xFFFFFFD0] =	vst v0  }
0x155: {  	v0 =	vld [tilespmem:s11+$0x10];
	_ =	sdelay $0x2  }
.Ltmp4:
0x156: {  	(pc) =	sbr.rel @p0 .LBB2_10-.Ltmp4, $4  }
0x157: {  	_ = 	snop  }
0x158: {  	[tilespmem:s20+$0xFFFFCDE0] =	vst v0  }
0x159: {  	[tilespmem:s20+$0xFFFFFFE0] =	vst v0  }
0x15a: {  	v0 =	vld [tilespmem:s11+$0x20]  }
0x15b: {  	_ =	sdelay $0x3  }
0x15c: {  	[tilespmem:s5+$0xFFFFCDF0] =	vst v0  }
0x15d: {  	[tilespmem:s5+$0xFFFFFFF0] =	vst v0  }
0x15e: {  	v0 =	vld [tilespmem:s17+$0x30];
	_ =	sdelay $0x4  }
0x15f: {  	[tilespmem:s5+$0xFFFFCE00] =	vst v0  }
0x160: {  	s17 =	simm.s32 $0x3200;
	[tilespmem:s5+$0x0] =	vst v0  }
0x161: {  	[tilespmem:s18], [sflag:$0x5] =	stream.indirect.gather.add.f32 [hbm:s6], $0x40, s17, s15, $0xb8;
	[tilespmem:$0x1C840] =	vst v63  }
0x162: {  	s20 =	rddreg [dreg:$0x15]  }
0x163: {  	[tilespmem:s12], [sflag:$0x3] =	stream.linear.gather [hbm4b:s20+s4], $0x190, $0x38;
	[tilespmem:$0x1C840] =	vst v63  }
0x164: {  	_ =	swait.ge [sflag:s0], $0x6400  }
0x165: {  	[sflag:s0] =	ssyncset.done $0x0  }
0x166: {  	s24 =	rddreg [dreg:$0x17];
	[sflag:s0] =	ssyncadd.s32 $0xFFFF9C00  }
0x167: {  	[hbm4b:s24+s4] =	stream.linear.scatter [tilespmem:s29], [sflag:$0xC], $0x6400, $0x38;
	[tilespmem:$0x1C840] =	vst v63  }
0x168: {  	_ =	swait.ge [sflag:s1], $0x6400  }
0x169: {  	[sflag:s1] =	ssyncset.done $0x0  }
0x16a: {  	[sflag:s1] =	ssyncadd.s32 $0xFFFF9C00  }
0x16b: {  	_ =	swait.ge [sflag:s19], $0x190  }
0x16c: {  	[sflag:s19] =	ssyncset.done $0x0  }
0x16d: {  	s11 =	simm.s32 $0x40;
	[sflag:s19] =	ssyncadd.s32 $0xFFFFFE70  }
0x16e: {  	v0 =	vld [tilespmem:s11+$0xFFFFFFC0];
	_ =	sdelay $0x3  }
0x16f: {  	s5 =	simm.s32 $0xCEB0  }
0x170: {  	[tilespmem:s5+$0xFFFFCD90] =	vst v0  }
0x171: {  	[tilespmem:s5+$0xFFFFFF90] =	vst v0  }
0x172: {  	v0 =	vld [tilespmem:s11+$0xFFFFFFD0];
	_ =	sdelay $0x4  }
0x173: {  	[tilespmem:s5+$0xFFFFCDA0] =	vst v0  }
0x174: {  	[tilespmem:s5+$0xFFFFFFA0] =	vst v0  }
0x175: {  	v0 =	vld [tilespmem:s11+$0xFFFFFFE0];
	_ =	sdelay $0x4  }
0x176: {  	[tilespmem:s5+$0xFFFFCDB0] =	vst v0  }
0x177: {  	[tilespmem:s5+$0xFFFFFFB0] =	vst v0  }
0x178: {  	v0 =	vld [tilespmem:s11+$0xFFFFFFF0];
	_ =	sdelay $0x4  }
0x179: {  	[tilespmem:s5+$0xFFFFCDC0] =	vst v0  }
0x17a: {  	[tilespmem:s5+$0xFFFFFFC0] =	vst v0  }
0x17b: {  	v0 =	vld [tilespmem:s11+$0x0];
	_ =	sdelay $0x4  }
0x17c: {  	[tilespmem:s5+$0xFFFFCDD0] =	vst v0  }
0x17d: {  	[tilespmem:s5+$0xFFFFFFD0] =	vst v0  }
0x17e: {  	v0 =	vld [tilespmem:s11+$0x10];
	_ =	sdelay $0x4  }
0x17f: {  	[tilespmem:s5+$0xFFFFCDE0] =	vst v0  }
0x180: {  	[tilespmem:s5+$0xFFFFFFE0] =	vst v0  }
0x181: {  	s16 =	simm.s32 $0x0;
	s17 =	simm.s32 $0x40;
	s20 =	simm.s32 $0xCEB0;
	v0 =	vld [tilespmem:s11+$0x20]  }
.LBB2_12:
0x182: {  	_ =	sdelay $0x3  }
0x183: {  	s16 =	sadd.s32 $0x2, s16;
	s20 =	sadd.s32 $0x80, s20;
	s11 =	sadd.s32 $0x80, s11;
	[tilespmem:s5+$0xFFFFCDF0] =	vst v0  }
0x184: {  	p0 =	slt.u32 s16, $0xC6;
	[tilespmem:s5+$0xFFFFFFF0] =	vst v0  }
0x185: {  	v0 =	vld [tilespmem:s17+$0x30];
	s17 =	smov.u32 s11;
	_ =	sdelay $0x4  }
0x186: {  	[tilespmem:s5+$0xFFFFCE00] =	vst v0  }
0x187: {  	[tilespmem:s5+$0x0] =	vst v0;
	s5 =	smov.u32 s20  }
0x188: {  	v0 =	vld [tilespmem:s11+$0xFFFFFFC0];
	_ =	sdelay $0x4  }
0x189: {  	[tilespmem:s20+$0xFFFFCD90] =	vst v0  }
0x18a: {  	[tilespmem:s20+$0xFFFFFF90] =	vst v0  }
0x18b: {  	v0 =	vld [tilespmem:s11+$0xFFFFFFD0];
	_ =	sdelay $0x4  }
0x18c: {  	[tilespmem:s20+$0xFFFFCDA0] =	vst v0  }
0x18d: {  	[tilespmem:s20+$0xFFFFFFA0] =	vst v0  }
0x18e: {  	v0 =	vld [tilespmem:s11+$0xFFFFFFE0];
	_ =	sdelay $0x4  }
0x18f: {  	[tilespmem:s20+$0xFFFFCDB0] =	vst v0  }
0x190: {  	[tilespmem:s20+$0xFFFFFFB0] =	vst v0  }
0x191: {  	v0 =	vld [tilespmem:s11+$0xFFFFFFF0];
	_ =	sdelay $0x4  }
0x192: {  	[tilespmem:s20+$0xFFFFCDC0] =	vst v0  }
0x193: {  	[tilespmem:s20+$0xFFFFFFC0] =	vst v0  }
0x194: {  	v0 =	vld [tilespmem:s11+$0x0];
	_ =	sdelay $0x4  }
0x195: {  	[tilespmem:s20+$0xFFFFCDD0] =	vst v0  }
0x196: {  	[tilespmem:s20+$0xFFFFFFD0] =	vst v0  }
0x197: {  	v0 =	vld [tilespmem:s11+$0x10];
	_ =	sdelay $0x2  }
.Ltmp5:
0x198: {  	(pc) =	sbr.rel @p0 .LBB2_12-.Ltmp5, $4  }
0x199: {  	_ = 	snop  }
0x19a: {  	[tilespmem:s20+$0xFFFFCDE0] =	vst v0  }
0x19b: {  	[tilespmem:s20+$0xFFFFFFE0] =	vst v0  }
0x19c: {  	v0 =	vld [tilespmem:s11+$0x20]  }
0x19d: {  	_ =	sdelay $0x3  }
0x19e: {  	[tilespmem:s5+$0xFFFFCDF0] =	vst v0  }
0x19f: {  	[tilespmem:s5+$0xFFFFFFF0] =	vst v0  }
0x1a0: {  	v0 =	vld [tilespmem:s17+$0x30];
	_ =	sdelay $0x4  }
0x1a1: {  	[tilespmem:s5+$0xFFFFCE00] =	vst v0  }
0x1a2: {  	[tilespmem:s5+$0x0] =	vst v0  }
0x1a3: {  	[tilespmem:s21], [sflag:$0x6] =	stream.indirect.gather.add.f32 [hbm:s6], $0x40, s9, s15, $0xb8;
	[tilespmem:$0x1C840] =	vst v63  }
0x1a4: {  	s24 =	rddreg [dreg:$0x18];
	s5 =	simm.s32 $0x1  }
0x1a5: {  	[tilespmem:s13], [sflag:$0x4] =	stream.linear.gather [hbm4b:s24+s4], $0x190, $0x38;
	[tilespmem:$0x1C840] =	vst v63  }
.LBB2_14:
0x1a6: {  	s11 =	smul.u32 $0x640, s5  }
0x1a7: {  	s7 =	rddreg [dreg:$0x4]  }
0x1a8: {  	s7 =	sadd.s32 s7, s11  }
0x1a9: {  	_ =	swait.ge [sflag:s22], $0x6400;
	s7 =	sshll.u32 s7, $0x3  }
0x1aa: {  	[sflag:s22] =	ssyncset.done $0x0;
	s7 =	sand.u32 $0x1FFFFE00, s7  }
0x1ab: {  	[sflag:s22] =	ssyncadd.s32 $0xFFFF9C00;
	s7 =	sadd.s32 s3, s7  }
0x1ac: {  	[hbm4b:s7+s4] =	stream.linear.scatter [tilespmem:s18], [sflag:$0x9], $0x6400, $0x38;
	[tilespmem:$0x1C840] =	vst v63  }
0x1ad: {  	_ =	swait.ge [sflag:s8], $0x6400  }
0x1ae: {  	[sflag:s8] =	ssyncset.done $0x0  }
0x1af: {  	[sflag:s8] =	ssyncadd.s32 $0xFFFF9C00  }
0x1b0: {  	_ =	swait.ge [sflag:s23], $0x190  }
0x1b1: {  	[sflag:s23] =	ssyncset.done $0x0  }
0x1b2: {  	s17 =	simm.s32 $0x40;
	[sflag:s23] =	ssyncadd.s32 $0xFFFFFE70  }
0x1b3: {  	v0 =	vld [tilespmem:s17+$0xFFFFFFC0];
	_ =	sdelay $0x3  }
0x1b4: {  	s16 =	simm.s32 $0x132B0  }
0x1b5: {  	[tilespmem:s16+$0xFFFFCD90] =	vst v0  }
0x1b6: {  	[tilespmem:s16+$0xFFFFFF90] =	vst v0  }
0x1b7: {  	v0 =	vld [tilespmem:s17+$0xFFFFFFD0];
	_ =	sdelay $0x4  }
0x1b8: {  	[tilespmem:s16+$0xFFFFCDA0] =	vst v0  }
0x1b9: {  	[tilespmem:s16+$0xFFFFFFA0] =	vst v0  }
0x1ba: {  	v0 =	vld [tilespmem:s17+$0xFFFFFFE0];
	_ =	sdelay $0x4  }
0x1bb: {  	[tilespmem:s16+$0xFFFFCDB0] =	vst v0  }
0x1bc: {  	[tilespmem:s16+$0xFFFFFFB0] =	vst v0  }
0x1bd: {  	v0 =	vld [tilespmem:s17+$0xFFFFFFF0];
	_ =	sdelay $0x4  }
0x1be: {  	[tilespmem:s16+$0xFFFFCDC0] =	vst v0  }
0x1bf: {  	[tilespmem:s16+$0xFFFFFFC0] =	vst v0  }
0x1c0: {  	v0 =	vld [tilespmem:s17+$0x0];
	_ =	sdelay $0x4  }
0x1c1: {  	[tilespmem:s16+$0xFFFFCDD0] =	vst v0  }
0x1c2: {  	[tilespmem:s16+$0xFFFFFFD0] =	vst v0  }
0x1c3: {  	v0 =	vld [tilespmem:s17+$0x10];
	_ =	sdelay $0x4  }
0x1c4: {  	[tilespmem:s16+$0xFFFFCDE0] =	vst v0  }
0x1c5: {  	[tilespmem:s16+$0xFFFFFFE0] =	vst v0  }
0x1c6: {  	s20 =	simm.s32 $0x0;
	s24 =	simm.s32 $0x40;
	s7 =	simm.s32 $0x132B0;
	v0 =	vld [tilespmem:s17+$0x20]  }
.LBB2_15:
0x1c7: {  	_ =	sdelay $0x3  }
0x1c8: {  	s20 =	sadd.s32 $0x2, s20;
	s7 =	sadd.s32 $0x80, s7;
	s17 =	sadd.s32 $0x80, s17;
	[tilespmem:s16+$0xFFFFCDF0] =	vst v0  }
0x1c9: {  	p0 =	slt.u32 s20, $0xC6;
	[tilespmem:s16+$0xFFFFFFF0] =	vst v0  }
0x1ca: {  	v0 =	vld [tilespmem:s24+$0x30];
	s24 =	smov.u32 s17;
	_ =	sdelay $0x4  }
0x1cb: {  	[tilespmem:s16+$0xFFFFCE00] =	vst v0  }
0x1cc: {  	[tilespmem:s16+$0x0] =	vst v0;
	s16 =	smov.u32 s7  }
0x1cd: {  	v0 =	vld [tilespmem:s17+$0xFFFFFFC0];
	_ =	sdelay $0x4  }
0x1ce: {  	[tilespmem:s7+$0xFFFFCD90] =	vst v0  }
0x1cf: {  	[tilespmem:s7+$0xFFFFFF90] =	vst v0  }
0x1d0: {  	v0 =	vld [tilespmem:s17+$0xFFFFFFD0];
	_ =	sdelay $0x4  }
0x1d1: {  	[tilespmem:s7+$0xFFFFCDA0] =	vst v0  }
0x1d2: {  	[tilespmem:s7+$0xFFFFFFA0] =	vst v0  }
0x1d3: {  	v0 =	vld [tilespmem:s17+$0xFFFFFFE0];
	_ =	sdelay $0x4  }
0x1d4: {  	[tilespmem:s7+$0xFFFFCDB0] =	vst v0  }
0x1d5: {  	[tilespmem:s7+$0xFFFFFFB0] =	vst v0  }
0x1d6: {  	v0 =	vld [tilespmem:s17+$0xFFFFFFF0];
	_ =	sdelay $0x4  }
0x1d7: {  	[tilespmem:s7+$0xFFFFCDC0] =	vst v0  }
0x1d8: {  	[tilespmem:s7+$0xFFFFFFC0] =	vst v0  }
0x1d9: {  	v0 =	vld [tilespmem:s17+$0x0];
	_ =	sdelay $0x4  }
0x1da: {  	[tilespmem:s7+$0xFFFFCDD0] =	vst v0  }
0x1db: {  	[tilespmem:s7+$0xFFFFFFD0] =	vst v0  }
0x1dc: {  	v0 =	vld [tilespmem:s17+$0x10];
	_ =	sdelay $0x2  }
.Ltmp6:
0x1dd: {  	(pc) =	sbr.rel @p0 .LBB2_15-.Ltmp6, $4  }
0x1de: {  	_ = 	snop  }
0x1df: {  	[tilespmem:s7+$0xFFFFCDE0] =	vst v0  }
0x1e0: {  	[tilespmem:s7+$0xFFFFFFE0] =	vst v0  }
0x1e1: {  	v0 =	vld [tilespmem:s17+$0x20]  }
0x1e2: {  	_ =	sdelay $0x3  }
0x1e3: {  	[tilespmem:s16+$0xFFFFCDF0] =	vst v0  }
0x1e4: {  	[tilespmem:s16+$0xFFFFFFF0] =	vst v0  }
0x1e5: {  	v0 =	vld [tilespmem:s24+$0x30];
	_ =	sdelay $0x3  }
0x1e6: {  	s7 =	rddreg [dreg:$0xe]  }
0x1e7: {  	s7 =	sadd.s32 s11, s7;
	[tilespmem:s16+$0xFFFFCE00] =	vst v0  }
0x1e8: {  	s7 =	sshrl.u32 s7, $0x3;
	[tilespmem:s16+$0x0] =	vst v0  }
0x1e9: {  	[tilespmem:s25], [sflag:$0x7] =	stream.indirect.gather.add.f32 [hbm:s6], $0x40, s12, s15, $0xb8;
	[tilespmem:$0x1C840] =	vst v63  }
0x1ea: {  	s20 =	simm.s32 $0x3200;
	s7 =	sadd.s32 s2, s7;
	s24 =	rddreg [dreg:$0x6]  }
0x1eb: {  	[tilespmem:s20], [sflag:$0x1] =	stream.linear.gather [hbm4b:s7+s4], $0x190, $0x38;
	[tilespmem:$0x1C840] =	vst v63  }
0x1ec: {  	s7 =	sadd.s32 s11, s24  }
0x1ed: {  	_ =	swait.ge [sflag:s26], $0x6400;
	s7 =	sshll.u32 s7, $0x3  }
0x1ee: {  	[sflag:s26] =	ssyncset.done $0x0;
	s7 =	sand.u32 $0x1FFFFE80, s7  }
0x1ef: {  	[sflag:s26] =	ssyncadd.s32 $0xFFFF9C00;
	s7 =	sadd.s32 s3, s7  }
0x1f0: {  	[hbm4b:s7+s4] =	stream.linear.scatter [tilespmem:s21], [sflag:$0xA], $0x6400, $0x38;
	[tilespmem:$0x1C840] =	vst v63  }
0x1f1: {  	_ =	swait.ge [sflag:s10], $0x6400  }
0x1f2: {  	[sflag:s10] =	ssyncset.done $0x0  }
0x1f3: {  	[sflag:s10] =	ssyncadd.s32 $0xFFFF9C00  }
0x1f4: {  	_ =	swait.ge [sflag:s28], $0x190  }
0x1f5: {  	[sflag:s28] =	ssyncset.done $0x0  }
0x1f6: {  	s17 =	simm.s32 $0x40;
	[sflag:s28] =	ssyncadd.s32 $0xFFFFFE70  }
0x1f7: {  	v0 =	vld [tilespmem:s17+$0xFFFFFFC0];
	_ =	sdelay $0x3  }
0x1f8: {  	s16 =	simm.s32 $0x196B0  }
0x1f9: {  	[tilespmem:s16+$0xFFFFCD90] =	vst v0  }
0x1fa: {  	[tilespmem:s16+$0xFFFFFF90] =	vst v0  }
0x1fb: {  	v0 =	vld [tilespmem:s17+$0xFFFFFFD0];
	_ =	sdelay $0x4  }
0x1fc: {  	[tilespmem:s16+$0xFFFFCDA0] =	vst v0  }
0x1fd: {  	[tilespmem:s16+$0xFFFFFFA0] =	vst v0  }
0x1fe: {  	v0 =	vld [tilespmem:s17+$0xFFFFFFE0];
	_ =	sdelay $0x4  }
0x1ff: {  	[tilespmem:s16+$0xFFFFCDB0] =	vst v0  }
0x200: {  	[tilespmem:s16+$0xFFFFFFB0] =	vst v0  }
0x201: {  	v0 =	vld [tilespmem:s17+$0xFFFFFFF0];
	_ =	sdelay $0x4  }
0x202: {  	[tilespmem:s16+$0xFFFFCDC0] =	vst v0  }
0x203: {  	[tilespmem:s16+$0xFFFFFFC0] =	vst v0  }
0x204: {  	v0 =	vld [tilespmem:s17+$0x0];
	_ =	sdelay $0x4  }
0x205: {  	[tilespmem:s16+$0xFFFFCDD0] =	vst v0  }
0x206: {  	[tilespmem:s16+$0xFFFFFFD0] =	vst v0  }
0x207: {  	v0 =	vld [tilespmem:s17+$0x10];
	_ =	sdelay $0x4  }
0x208: {  	[tilespmem:s16+$0xFFFFCDE0] =	vst v0  }
0x209: {  	[tilespmem:s16+$0xFFFFFFE0] =	vst v0  }
0x20a: {  	s20 =	simm.s32 $0x0;
	s24 =	simm.s32 $0x40;
	s7 =	simm.s32 $0x196B0;
	v0 =	vld [tilespmem:s17+$0x20]  }
.LBB2_17:
0x20b: {  	_ =	sdelay $0x3  }
0x20c: {  	s20 =	sadd.s32 $0x2, s20;
	s7 =	sadd.s32 $0x80, s7;
	s17 =	sadd.s32 $0x80, s17;
	[tilespmem:s16+$0xFFFFCDF0] =	vst v0  }
0x20d: {  	p0 =	slt.u32 s20, $0xC6;
	[tilespmem:s16+$0xFFFFFFF0] =	vst v0  }
0x20e: {  	v0 =	vld [tilespmem:s24+$0x30];
	s24 =	smov.u32 s17;
	_ =	sdelay $0x4  }
0x20f: {  	[tilespmem:s16+$0xFFFFCE00] =	vst v0  }
0x210: {  	[tilespmem:s16+$0x0] =	vst v0;
	s16 =	smov.u32 s7  }
0x211: {  	v0 =	vld [tilespmem:s17+$0xFFFFFFC0];
	_ =	sdelay $0x4  }
0x212: {  	[tilespmem:s7+$0xFFFFCD90] =	vst v0  }
0x213: {  	[tilespmem:s7+$0xFFFFFF90] =	vst v0  }
0x214: {  	v0 =	vld [tilespmem:s17+$0xFFFFFFD0];
	_ =	sdelay $0x4  }
0x215: {  	[tilespmem:s7+$0xFFFFCDA0] =	vst v0  }
0x216: {  	[tilespmem:s7+$0xFFFFFFA0] =	vst v0  }
0x217: {  	v0 =	vld [tilespmem:s17+$0xFFFFFFE0];
	_ =	sdelay $0x4  }
0x218: {  	[tilespmem:s7+$0xFFFFCDB0] =	vst v0  }
0x219: {  	[tilespmem:s7+$0xFFFFFFB0] =	vst v0  }
0x21a: {  	v0 =	vld [tilespmem:s17+$0xFFFFFFF0];
	_ =	sdelay $0x4  }
0x21b: {  	[tilespmem:s7+$0xFFFFCDC0] =	vst v0  }
0x21c: {  	[tilespmem:s7+$0xFFFFFFC0] =	vst v0  }
0x21d: {  	v0 =	vld [tilespmem:s17+$0x0];
	_ =	sdelay $0x4  }
0x21e: {  	[tilespmem:s7+$0xFFFFCDD0] =	vst v0  }
0x21f: {  	[tilespmem:s7+$0xFFFFFFD0] =	vst v0  }
0x220: {  	v0 =	vld [tilespmem:s17+$0x10];
	_ =	sdelay $0x2  }
.Ltmp7:
0x221: {  	(pc) =	sbr.rel @p0 .LBB2_17-.Ltmp7, $4  }
0x222: {  	_ = 	snop  }
0x223: {  	[tilespmem:s7+$0xFFFFCDE0] =	vst v0  }
0x224: {  	[tilespmem:s7+$0xFFFFFFE0] =	vst v0  }
0x225: {  	v0 =	vld [tilespmem:s17+$0x20]  }
0x226: {  	_ =	sdelay $0x3  }
0x227: {  	[tilespmem:s16+$0xFFFFCDF0] =	vst v0  }
0x228: {  	[tilespmem:s16+$0xFFFFFFF0] =	vst v0  }
0x229: {  	v0 =	vld [tilespmem:s24+$0x30];
	_ =	sdelay $0x3  }
0x22a: {  	s7 =	rddreg [dreg:$0xf]  }
0x22b: {  	s7 =	sadd.s32 s11, s7;
	[tilespmem:s16+$0xFFFFCE00] =	vst v0  }
0x22c: {  	s7 =	sshrl.u32 s7, $0x3;
	[tilespmem:s16+$0x0] =	vst v0  }
0x22d: {  	[tilespmem:s29], [sflag:$0x8] =	stream.indirect.gather.add.f32 [hbm:s6], $0x40, s13, s15, $0xb8;
	[tilespmem:$0x1C840] =	vst v63  }
0x22e: {  	s7 =	sadd.s32 s2, s7;
	s24 =	rddreg [dreg:$0x8]  }
0x22f: {  	[tilespmem:s9], [sflag:$0x2] =	stream.linear.gather [hbm4b:s7+s4], $0x190, $0x38;
	[tilespmem:$0x1C840] =	vst v63  }
0x230: {  	s7 =	sadd.s32 s11, s24  }
0x231: {  	_ =	swait.ge [sflag:s30], $0x6400;
	s7 =	sshll.u32 s7, $0x3  }
0x232: {  	[sflag:s30] =	ssyncset.done $0x0;
	s7 =	sand.u32 $0x1FFFFF00, s7  }
0x233: {  	[sflag:s30] =	ssyncadd.s32 $0xFFFF9C00;
	s7 =	sadd.s32 s3, s7  }
0x234: {  	[hbm4b:s7+s4] =	stream.linear.scatter [tilespmem:s25], [sflag:$0xB], $0x6400, $0x38;
	[tilespmem:$0x1C840] =	vst v63  }
0x235: {  	_ =	swait.ge [sflag:s31], $0x6400  }
0x236: {  	[sflag:s31] =	ssyncset.done $0x0  }
0x237: {  	[sflag:s31] =	ssyncadd.s32 $0xFFFF9C00  }
0x238: {  	_ =	swait.ge [sflag:s14], $0x190  }
0x239: {  	[sflag:s14] =	ssyncset.done $0x0  }
0x23a: {  	s17 =	simm.s32 $0x40;
	[sflag:s14] =	ssyncadd.s32 $0xFFFFFE70  }
0x23b: {  	v0 =	vld [tilespmem:s17+$0xFFFFFFC0];
	_ =	sdelay $0x3  }
0x23c: {  	s16 =	simm.s32 $0x6AB0  }
0x23d: {  	[tilespmem:s16+$0xFFFFCD90] =	vst v0  }
0x23e: {  	[tilespmem:s16+$0xFFFFFF90] =	vst v0  }
0x23f: {  	v0 =	vld [tilespmem:s17+$0xFFFFFFD0];
	_ =	sdelay $0x4  }
0x240: {  	[tilespmem:s16+$0xFFFFCDA0] =	vst v0  }
0x241: {  	[tilespmem:s16+$0xFFFFFFA0] =	vst v0  }
0x242: {  	v0 =	vld [tilespmem:s17+$0xFFFFFFE0];
	_ =	sdelay $0x4  }
0x243: {  	[tilespmem:s16+$0xFFFFCDB0] =	vst v0  }
0x244: {  	[tilespmem:s16+$0xFFFFFFB0] =	vst v0  }
0x245: {  	v0 =	vld [tilespmem:s17+$0xFFFFFFF0];
	_ =	sdelay $0x4  }
0x246: {  	[tilespmem:s16+$0xFFFFCDC0] =	vst v0  }
0x247: {  	[tilespmem:s16+$0xFFFFFFC0] =	vst v0  }
0x248: {  	v0 =	vld [tilespmem:s17+$0x0];
	_ =	sdelay $0x4  }
0x249: {  	[tilespmem:s16+$0xFFFFCDD0] =	vst v0  }
0x24a: {  	[tilespmem:s16+$0xFFFFFFD0] =	vst v0  }
0x24b: {  	v0 =	vld [tilespmem:s17+$0x10];
	_ =	sdelay $0x4  }
0x24c: {  	[tilespmem:s16+$0xFFFFCDE0] =	vst v0  }
0x24d: {  	[tilespmem:s16+$0xFFFFFFE0] =	vst v0  }
0x24e: {  	s20 =	simm.s32 $0x0;
	s24 =	simm.s32 $0x40;
	s7 =	simm.s32 $0x6AB0;
	v0 =	vld [tilespmem:s17+$0x20]  }
.LBB2_19:
0x24f: {  	_ =	sdelay $0x3  }
0x250: {  	s20 =	sadd.s32 $0x2, s20;
	s7 =	sadd.s32 $0x80, s7;
	s17 =	sadd.s32 $0x80, s17;
	[tilespmem:s16+$0xFFFFCDF0] =	vst v0  }
0x251: {  	p0 =	slt.u32 s20, $0xC6;
	[tilespmem:s16+$0xFFFFFFF0] =	vst v0  }
0x252: {  	v0 =	vld [tilespmem:s24+$0x30];
	s24 =	smov.u32 s17;
	_ =	sdelay $0x4  }
0x253: {  	[tilespmem:s16+$0xFFFFCE00] =	vst v0  }
0x254: {  	[tilespmem:s16+$0x0] =	vst v0;
	s16 =	smov.u32 s7  }
0x255: {  	v0 =	vld [tilespmem:s17+$0xFFFFFFC0];
	_ =	sdelay $0x4  }
0x256: {  	[tilespmem:s7+$0xFFFFCD90] =	vst v0  }
0x257: {  	[tilespmem:s7+$0xFFFFFF90] =	vst v0  }
0x258: {  	v0 =	vld [tilespmem:s17+$0xFFFFFFD0];
	_ =	sdelay $0x4  }
0x259: {  	[tilespmem:s7+$0xFFFFCDA0] =	vst v0  }
0x25a: {  	[tilespmem:s7+$0xFFFFFFA0] =	vst v0  }
0x25b: {  	v0 =	vld [tilespmem:s17+$0xFFFFFFE0];
	_ =	sdelay $0x4  }
0x25c: {  	[tilespmem:s7+$0xFFFFCDB0] =	vst v0  }
0x25d: {  	[tilespmem:s7+$0xFFFFFFB0] =	vst v0  }
0x25e: {  	v0 =	vld [tilespmem:s17+$0xFFFFFFF0];
	_ =	sdelay $0x4  }
0x25f: {  	[tilespmem:s7+$0xFFFFCDC0] =	vst v0  }
0x260: {  	[tilespmem:s7+$0xFFFFFFC0] =	vst v0  }
0x261: {  	v0 =	vld [tilespmem:s17+$0x0];
	_ =	sdelay $0x4  }
0x262: {  	[tilespmem:s7+$0xFFFFCDD0] =	vst v0  }
0x263: {  	[tilespmem:s7+$0xFFFFFFD0] =	vst v0  }
0x264: {  	v0 =	vld [tilespmem:s17+$0x10];
	_ =	sdelay $0x2  }
.Ltmp8:
0x265: {  	(pc) =	sbr.rel @p0 .LBB2_19-.Ltmp8, $4  }
0x266: {  	_ = 	snop  }
0x267: {  	[tilespmem:s7+$0xFFFFCDE0] =	vst v0  }
0x268: {  	[tilespmem:s7+$0xFFFFFFE0] =	vst v0  }
0x269: {  	v0 =	vld [tilespmem:s17+$0x20]  }
0x26a: {  	_ =	sdelay $0x3  }
0x26b: {  	[tilespmem:s16+$0xFFFFCDF0] =	vst v0  }
0x26c: {  	[tilespmem:s16+$0xFFFFFFF0] =	vst v0  }
0x26d: {  	v0 =	vld [tilespmem:s24+$0x30];
	_ =	sdelay $0x4  }
0x26e: {  	[tilespmem:s16+$0xFFFFCE00] =	vst v0  }
0x26f: {  	s7 =	simm.s32 $0x3200;
	s20 =	rddreg [dreg:$0x12];
	[tilespmem:s16+$0x0] =	vst v0  }
0x270: {  	[tilespmem:s18], [sflag:$0x5] =	stream.indirect.gather.add.f32 [hbm:s6], $0x40, s7, s15, $0xb8;
	[tilespmem:$0x1C840] =	vst v63  }
0x271: {  	s7 =	sadd.s32 s11, s20  }
0x272: {  	s7 =	sshrl.u32 s7, $0x3  }
0x273: {  	s24 =	rddreg [dreg:$0x9];
	s7 =	sadd.s32 s2, s7  }
0x274: {  	[tilespmem:s12], [sflag:$0x3] =	stream.linear.gather [hbm4b:s7+s4], $0x190, $0x38;
	[tilespmem:$0x1C840] =	vst v63  }
0x275: {  	s7 =	sadd.s32 s11, s24  }
0x276: {  	_ =	swait.ge [sflag:s0], $0x6400;
	s7 =	sshll.u32 s7, $0x3  }
0x277: {  	[sflag:s0] =	ssyncset.done $0x0;
	s7 =	sand.u32 $0x1FFFFF80, s7  }
0x278: {  	[sflag:s0] =	ssyncadd.s32 $0xFFFF9C00;
	s7 =	sadd.s32 s3, s7  }
0x279: {  	[hbm4b:s7+s4] =	stream.linear.scatter [tilespmem:s29], [sflag:$0xC], $0x6400, $0x38;
	[tilespmem:$0x1C840] =	vst v63  }
0x27a: {  	_ =	swait.ge [sflag:s1], $0x6400  }
0x27b: {  	[sflag:s1] =	ssyncset.done $0x0  }
0x27c: {  	[sflag:s1] =	ssyncadd.s32 $0xFFFF9C00  }
0x27d: {  	_ =	swait.ge [sflag:s19], $0x190  }
0x27e: {  	[sflag:s19] =	ssyncset.done $0x0  }
0x27f: {  	s17 =	simm.s32 $0x40;
	[sflag:s19] =	ssyncadd.s32 $0xFFFFFE70  }
0x280: {  	v0 =	vld [tilespmem:s17+$0xFFFFFFC0];
	_ =	sdelay $0x3  }
0x281: {  	s16 =	simm.s32 $0xCEB0  }
0x282: {  	[tilespmem:s16+$0xFFFFCD90] =	vst v0  }
0x283: {  	[tilespmem:s16+$0xFFFFFF90] =	vst v0  }
0x284: {  	v0 =	vld [tilespmem:s17+$0xFFFFFFD0];
	_ =	sdelay $0x4  }
0x285: {  	[tilespmem:s16+$0xFFFFCDA0] =	vst v0  }
0x286: {  	[tilespmem:s16+$0xFFFFFFA0] =	vst v0  }
0x287: {  	v0 =	vld [tilespmem:s17+$0xFFFFFFE0];
	_ =	sdelay $0x4  }
0x288: {  	[tilespmem:s16+$0xFFFFCDB0] =	vst v0  }
0x289: {  	[tilespmem:s16+$0xFFFFFFB0] =	vst v0  }
0x28a: {  	v0 =	vld [tilespmem:s17+$0xFFFFFFF0];
	_ =	sdelay $0x4  }
0x28b: {  	[tilespmem:s16+$0xFFFFCDC0] =	vst v0  }
0x28c: {  	[tilespmem:s16+$0xFFFFFFC0] =	vst v0  }
0x28d: {  	v0 =	vld [tilespmem:s17+$0x0];
	_ =	sdelay $0x4  }
0x28e: {  	[tilespmem:s16+$0xFFFFCDD0] =	vst v0  }
0x28f: {  	[tilespmem:s16+$0xFFFFFFD0] =	vst v0  }
0x290: {  	v0 =	vld [tilespmem:s17+$0x10];
	_ =	sdelay $0x4  }
0x291: {  	[tilespmem:s16+$0xFFFFCDE0] =	vst v0  }
0x292: {  	[tilespmem:s16+$0xFFFFFFE0] =	vst v0  }
0x293: {  	s20 =	simm.s32 $0x0;
	s24 =	simm.s32 $0x40;
	s7 =	simm.s32 $0xCEB0;
	v0 =	vld [tilespmem:s17+$0x20]  }
.LBB2_21:
0x294: {  	_ =	sdelay $0x3  }
0x295: {  	s20 =	sadd.s32 $0x2, s20;
	s7 =	sadd.s32 $0x80, s7;
	s17 =	sadd.s32 $0x80, s17;
	[tilespmem:s16+$0xFFFFCDF0] =	vst v0  }
0x296: {  	p0 =	slt.u32 s20, $0xC6;
	[tilespmem:s16+$0xFFFFFFF0] =	vst v0  }
0x297: {  	v0 =	vld [tilespmem:s24+$0x30];
	s24 =	smov.u32 s17;
	_ =	sdelay $0x4  }
0x298: {  	[tilespmem:s16+$0xFFFFCE00] =	vst v0  }
0x299: {  	[tilespmem:s16+$0x0] =	vst v0;
	s16 =	smov.u32 s7  }
0x29a: {  	v0 =	vld [tilespmem:s17+$0xFFFFFFC0];
	_ =	sdelay $0x4  }
0x29b: {  	[tilespmem:s7+$0xFFFFCD90] =	vst v0  }
0x29c: {  	[tilespmem:s7+$0xFFFFFF90] =	vst v0  }
0x29d: {  	v0 =	vld [tilespmem:s17+$0xFFFFFFD0];
	_ =	sdelay $0x4  }
0x29e: {  	[tilespmem:s7+$0xFFFFCDA0] =	vst v0  }
0x29f: {  	[tilespmem:s7+$0xFFFFFFA0] =	vst v0  }
0x2a0: {  	v0 =	vld [tilespmem:s17+$0xFFFFFFE0];
	_ =	sdelay $0x4  }
0x2a1: {  	[tilespmem:s7+$0xFFFFCDB0] =	vst v0  }
0x2a2: {  	[tilespmem:s7+$0xFFFFFFB0] =	vst v0  }
0x2a3: {  	v0 =	vld [tilespmem:s17+$0xFFFFFFF0];
	_ =	sdelay $0x4  }
0x2a4: {  	[tilespmem:s7+$0xFFFFCDC0] =	vst v0  }
0x2a5: {  	[tilespmem:s7+$0xFFFFFFC0] =	vst v0  }
0x2a6: {  	v0 =	vld [tilespmem:s17+$0x0];
	_ =	sdelay $0x4  }
0x2a7: {  	[tilespmem:s7+$0xFFFFCDD0] =	vst v0  }
0x2a8: {  	[tilespmem:s7+$0xFFFFFFD0] =	vst v0  }
0x2a9: {  	v0 =	vld [tilespmem:s17+$0x10];
	_ =	sdelay $0x2  }
.Ltmp9:
0x2aa: {  	(pc) =	sbr.rel @p0 .LBB2_21-.Ltmp9, $4  }
0x2ab: {  	_ = 	snop  }
0x2ac: {  	[tilespmem:s7+$0xFFFFCDE0] =	vst v0  }
0x2ad: {  	[tilespmem:s7+$0xFFFFFFE0] =	vst v0  }
0x2ae: {  	v0 =	vld [tilespmem:s17+$0x20]  }
0x2af: {  	_ =	sdelay $0x3  }
0x2b0: {  	[tilespmem:s16+$0xFFFFCDF0] =	vst v0  }
0x2b1: {  	[tilespmem:s16+$0xFFFFFFF0] =	vst v0  }
0x2b2: {  	v0 =	vld [tilespmem:s24+$0x30];
	_ =	sdelay $0x2  }
0x2b3: {  	s5 =	sadd.s32 $0x1, s5  }
0x2b4: {  	s7 =	rddreg [dreg:$0x16];
	p0 =	sne.s32 s5, $0xF  }
.Ltmp10:
0x2b5: {  	s7 =	sadd.s32 s11, s7;
	[tilespmem:s16+$0xFFFFCE00] =	vst v0;
	(pc) =	sbr.rel @p0 .LBB2_14-.Ltmp10, $4  }
0x2b6: {  	s7 =	sshrl.u32 s7, $0x3;
	[tilespmem:s16+$0x0] =	vst v0  }
0x2b7: {  	[tilespmem:s21], [sflag:$0x6] =	stream.indirect.gather.add.f32 [hbm:s6], $0x40, s9, s15, $0xb8;
	[tilespmem:$0x1C840] =	vst v63  }
0x2b8: {  	s7 =	sadd.s32 s2, s7  }
0x2b9: {  	[tilespmem:s13], [sflag:$0x4] =	stream.linear.gather [hbm4b:s7+s4], $0x190, $0x38;
	[tilespmem:$0x1C840] =	vst v63  }
0x2ba: {  	_ =	swait.ge [sflag:s22], $0x6400  }
0x2bb: {  	[sflag:s22] =	ssyncset.done $0x0  }
0x2bc: {  	s5 =	rddreg [dreg:$0x19];
	[sflag:s22] =	ssyncadd.s32 $0xFFFF9C00  }
0x2bd: {  	[hbm4b:s5+s4] =	stream.linear.scatter [tilespmem:s18], [sflag:$0x9], $0x6400, $0x38;
	[tilespmem:$0x1C840] =	vst v63  }
0x2be: {  	_ =	swait.ge [sflag:s8], $0x6400  }
0x2bf: {  	[sflag:s8] =	ssyncset.done $0x0  }
0x2c0: {  	[sflag:s8] =	ssyncadd.s32 $0xFFFF9C00  }
0x2c1: {  	_ =	swait.ge [sflag:s23], $0x190  }
0x2c2: {  	[sflag:s23] =	ssyncset.done $0x0  }
0x2c3: {  	s11 =	simm.s32 $0x40;
	[sflag:s23] =	ssyncadd.s32 $0xFFFFFE70  }
0x2c4: {  	v0 =	vld [tilespmem:s11+$0xFFFFFFC0];
	_ =	sdelay $0x3  }
0x2c5: {  	s5 =	simm.s32 $0x132B0  }
0x2c6: {  	[tilespmem:s5+$0xFFFFCD90] =	vst v0  }
0x2c7: {  	[tilespmem:s5+$0xFFFFFF90] =	vst v0  }
0x2c8: {  	v0 =	vld [tilespmem:s11+$0xFFFFFFD0];
	_ =	sdelay $0x4  }
0x2c9: {  	[tilespmem:s5+$0xFFFFCDA0] =	vst v0  }
0x2ca: {  	[tilespmem:s5+$0xFFFFFFA0] =	vst v0  }
0x2cb: {  	v0 =	vld [tilespmem:s11+$0xFFFFFFE0];
	_ =	sdelay $0x4  }
0x2cc: {  	[tilespmem:s5+$0xFFFFCDB0] =	vst v0  }
0x2cd: {  	[tilespmem:s5+$0xFFFFFFB0] =	vst v0  }
0x2ce: {  	v0 =	vld [tilespmem:s11+$0xFFFFFFF0];
	_ =	sdelay $0x4  }
0x2cf: {  	[tilespmem:s5+$0xFFFFCDC0] =	vst v0  }
0x2d0: {  	[tilespmem:s5+$0xFFFFFFC0] =	vst v0  }
0x2d1: {  	v0 =	vld [tilespmem:s11+$0x0];
	_ =	sdelay $0x4  }
0x2d2: {  	[tilespmem:s5+$0xFFFFCDD0] =	vst v0  }
0x2d3: {  	[tilespmem:s5+$0xFFFFFFD0] =	vst v0  }
0x2d4: {  	v0 =	vld [tilespmem:s11+$0x10];
	_ =	sdelay $0x4  }
0x2d5: {  	[tilespmem:s5+$0xFFFFCDE0] =	vst v0  }
0x2d6: {  	[tilespmem:s5+$0xFFFFFFE0] =	vst v0  }
0x2d7: {  	s16 =	simm.s32 $0x0;
	s7 =	simm.s32 $0x132B0;
	s17 =	simm.s32 $0x40;
	v0 =	vld [tilespmem:s11+$0x20]  }
.LBB2_24:
0x2d8: {  	_ =	sdelay $0x3  }
0x2d9: {  	s16 =	sadd.s32 $0x2, s16;
	s7 =	sadd.s32 $0x80, s7;
	s11 =	sadd.s32 $0x80, s11;
	[tilespmem:s5+$0xFFFFCDF0] =	vst v0  }
0x2da: {  	p0 =	slt.u32 s16, $0xC6;
	[tilespmem:s5+$0xFFFFFFF0] =	vst v0  }
0x2db: {  	v0 =	vld [tilespmem:s17+$0x30];
	s17 =	smov.u32 s11;
	_ =	sdelay $0x4  }
0x2dc: {  	[tilespmem:s5+$0xFFFFCE00] =	vst v0  }
0x2dd: {  	[tilespmem:s5+$0x0] =	vst v0;
	s5 =	smov.u32 s7  }
0x2de: {  	v0 =	vld [tilespmem:s11+$0xFFFFFFC0];
	_ =	sdelay $0x4  }
0x2df: {  	[tilespmem:s7+$0xFFFFCD90] =	vst v0  }
0x2e0: {  	[tilespmem:s7+$0xFFFFFF90] =	vst v0  }
0x2e1: {  	v0 =	vld [tilespmem:s11+$0xFFFFFFD0];
	_ =	sdelay $0x4  }
0x2e2: {  	[tilespmem:s7+$0xFFFFCDA0] =	vst v0  }
0x2e3: {  	[tilespmem:s7+$0xFFFFFFA0] =	vst v0  }
0x2e4: {  	v0 =	vld [tilespmem:s11+$0xFFFFFFE0];
	_ =	sdelay $0x4  }
0x2e5: {  	[tilespmem:s7+$0xFFFFCDB0] =	vst v0  }
0x2e6: {  	[tilespmem:s7+$0xFFFFFFB0] =	vst v0  }
0x2e7: {  	v0 =	vld [tilespmem:s11+$0xFFFFFFF0];
	_ =	sdelay $0x4  }
0x2e8: {  	[tilespmem:s7+$0xFFFFCDC0] =	vst v0  }
0x2e9: {  	[tilespmem:s7+$0xFFFFFFC0] =	vst v0  }
0x2ea: {  	v0 =	vld [tilespmem:s11+$0x0];
	_ =	sdelay $0x4  }
0x2eb: {  	[tilespmem:s7+$0xFFFFCDD0] =	vst v0  }
0x2ec: {  	[tilespmem:s7+$0xFFFFFFD0] =	vst v0  }
0x2ed: {  	v0 =	vld [tilespmem:s11+$0x10];
	_ =	sdelay $0x2  }
.Ltmp11:
0x2ee: {  	(pc) =	sbr.rel @p0 .LBB2_24-.Ltmp11, $4  }
0x2ef: {  	_ = 	snop  }
0x2f0: {  	[tilespmem:s7+$0xFFFFCDE0] =	vst v0  }
0x2f1: {  	[tilespmem:s7+$0xFFFFFFE0] =	vst v0  }
0x2f2: {  	v0 =	vld [tilespmem:s11+$0x20]  }
0x2f3: {  	_ =	sdelay $0x3  }
0x2f4: {  	[tilespmem:s5+$0xFFFFCDF0] =	vst v0  }
0x2f5: {  	[tilespmem:s5+$0xFFFFFFF0] =	vst v0  }
0x2f6: {  	v0 =	vld [tilespmem:s17+$0x30];
	_ =	sdelay $0x4  }
0x2f7: {  	[tilespmem:s5+$0xFFFFCE00] =	vst v0  }
0x2f8: {  	[tilespmem:s5+$0x0] =	vst v0  }
0x2f9: {  	[tilespmem:s25], [sflag:$0x7] =	stream.indirect.gather.add.f32 [hbm:s6], $0x40, s12, s15, $0xb8;
	[tilespmem:$0x1C840] =	vst v63  }
0x2fa: {  	_ =	swait.ge [sflag:s26], $0x6400  }
0x2fb: {  	[sflag:s26] =	ssyncset.done $0x0  }
0x2fc: {  	s24 =	rddreg [dreg:$0x1a];
	[sflag:s26] =	ssyncadd.s32 $0xFFFF9C00  }
0x2fd: {  	[hbm4b:s24+s4] =	stream.linear.scatter [tilespmem:s21], [sflag:$0xA], $0x6400, $0x38;
	[tilespmem:$0x1C840] =	vst v63  }
0x2fe: {  	_ =	swait.ge [sflag:s10], $0x6400  }
0x2ff: {  	[sflag:s10] =	ssyncset.done $0x0  }
0x300: {  	[sflag:s10] =	ssyncadd.s32 $0xFFFF9C00  }
0x301: {  	_ =	swait.ge [sflag:s28], $0x190  }
0x302: {  	[sflag:s28] =	ssyncset.done $0x0  }
0x303: {  	s11 =	simm.s32 $0x40;
	[sflag:s28] =	ssyncadd.s32 $0xFFFFFE70  }
0x304: {  	v0 =	vld [tilespmem:s11+$0xFFFFFFC0];
	_ =	sdelay $0x3  }
0x305: {  	s5 =	simm.s32 $0x196B0  }
0x306: {  	[tilespmem:s5+$0xFFFFCD90] =	vst v0  }
0x307: {  	[tilespmem:s5+$0xFFFFFF90] =	vst v0  }
0x308: {  	v0 =	vld [tilespmem:s11+$0xFFFFFFD0];
	_ =	sdelay $0x4  }
0x309: {  	[tilespmem:s5+$0xFFFFCDA0] =	vst v0  }
0x30a: {  	[tilespmem:s5+$0xFFFFFFA0] =	vst v0  }
0x30b: {  	v0 =	vld [tilespmem:s11+$0xFFFFFFE0];
	_ =	sdelay $0x4  }
0x30c: {  	[tilespmem:s5+$0xFFFFCDB0] =	vst v0  }
0x30d: {  	[tilespmem:s5+$0xFFFFFFB0] =	vst v0  }
0x30e: {  	v0 =	vld [tilespmem:s11+$0xFFFFFFF0];
	_ =	sdelay $0x4  }
0x30f: {  	[tilespmem:s5+$0xFFFFCDC0] =	vst v0  }
0x310: {  	[tilespmem:s5+$0xFFFFFFC0] =	vst v0  }
0x311: {  	v0 =	vld [tilespmem:s11+$0x0];
	_ =	sdelay $0x4  }
0x312: {  	[tilespmem:s5+$0xFFFFCDD0] =	vst v0  }
0x313: {  	[tilespmem:s5+$0xFFFFFFD0] =	vst v0  }
0x314: {  	v0 =	vld [tilespmem:s11+$0x10];
	_ =	sdelay $0x4  }
0x315: {  	[tilespmem:s5+$0xFFFFCDE0] =	vst v0  }
0x316: {  	[tilespmem:s5+$0xFFFFFFE0] =	vst v0  }
0x317: {  	s16 =	simm.s32 $0x0;
	s7 =	simm.s32 $0x196B0;
	s17 =	simm.s32 $0x40;
	v0 =	vld [tilespmem:s11+$0x20]  }
.LBB2_26:
0x318: {  	_ =	sdelay $0x3  }
0x319: {  	s16 =	sadd.s32 $0x2, s16;
	s7 =	sadd.s32 $0x80, s7;
	s11 =	sadd.s32 $0x80, s11;
	[tilespmem:s5+$0xFFFFCDF0] =	vst v0  }
0x31a: {  	p0 =	slt.u32 s16, $0xC6;
	[tilespmem:s5+$0xFFFFFFF0] =	vst v0  }
0x31b: {  	v0 =	vld [tilespmem:s17+$0x30];
	s17 =	smov.u32 s11;
	_ =	sdelay $0x4  }
0x31c: {  	[tilespmem:s5+$0xFFFFCE00] =	vst v0  }
0x31d: {  	[tilespmem:s5+$0x0] =	vst v0;
	s5 =	smov.u32 s7  }
0x31e: {  	v0 =	vld [tilespmem:s11+$0xFFFFFFC0];
	_ =	sdelay $0x4  }
0x31f: {  	[tilespmem:s7+$0xFFFFCD90] =	vst v0  }
0x320: {  	[tilespmem:s7+$0xFFFFFF90] =	vst v0  }
0x321: {  	v0 =	vld [tilespmem:s11+$0xFFFFFFD0];
	_ =	sdelay $0x4  }
0x322: {  	[tilespmem:s7+$0xFFFFCDA0] =	vst v0  }
0x323: {  	[tilespmem:s7+$0xFFFFFFA0] =	vst v0  }
0x324: {  	v0 =	vld [tilespmem:s11+$0xFFFFFFE0];
	_ =	sdelay $0x4  }
0x325: {  	[tilespmem:s7+$0xFFFFCDB0] =	vst v0  }
0x326: {  	[tilespmem:s7+$0xFFFFFFB0] =	vst v0  }
0x327: {  	v0 =	vld [tilespmem:s11+$0xFFFFFFF0];
	_ =	sdelay $0x4  }
0x328: {  	[tilespmem:s7+$0xFFFFCDC0] =	vst v0  }
0x329: {  	[tilespmem:s7+$0xFFFFFFC0] =	vst v0  }
0x32a: {  	v0 =	vld [tilespmem:s11+$0x0];
	_ =	sdelay $0x4  }
0x32b: {  	[tilespmem:s7+$0xFFFFCDD0] =	vst v0  }
0x32c: {  	[tilespmem:s7+$0xFFFFFFD0] =	vst v0  }
0x32d: {  	v0 =	vld [tilespmem:s11+$0x10];
	_ =	sdelay $0x2  }
.Ltmp12:
0x32e: {  	(pc) =	sbr.rel @p0 .LBB2_26-.Ltmp12, $4  }
0x32f: {  	_ = 	snop  }
0x330: {  	[tilespmem:s7+$0xFFFFCDE0] =	vst v0  }
0x331: {  	[tilespmem:s7+$0xFFFFFFE0] =	vst v0  }
0x332: {  	v0 =	vld [tilespmem:s11+$0x20]  }
0x333: {  	_ =	sdelay $0x3  }
0x334: {  	[tilespmem:s5+$0xFFFFCDF0] =	vst v0  }
0x335: {  	[tilespmem:s5+$0xFFFFFFF0] =	vst v0  }
0x336: {  	v0 =	vld [tilespmem:s17+$0x30];
	_ =	sdelay $0x4  }
0x337: {  	[tilespmem:s5+$0xFFFFCE00] =	vst v0  }
0x338: {  	[tilespmem:s5+$0x0] =	vst v0  }
0x339: {  	[tilespmem:s29], [sflag:$0x8] =	stream.indirect.gather.add.f32 [hbm:s6], $0x40, s13, s15, $0xb8;
	[tilespmem:$0x1C840] =	vst v63  }
0x33a: {  	_ =	swait.ge [sflag:s30], $0x6400  }
0x33b: {  	[sflag:s30] =	ssyncset.done $0x0  }
0x33c: {  	s17 =	rddreg [dreg:$0x1b];
	[sflag:s30] =	ssyncadd.s32 $0xFFFF9C00  }
0x33d: {  	[hbm4b:s17+s4] =	stream.linear.scatter [tilespmem:s25], [sflag:$0xB], $0x6400, $0x38;
	[tilespmem:$0x1C840] =	vst v63  }
0x33e: {  	_ =	swait.ge [sflag:s0], $0x6400  }
0x33f: {  	[sflag:s0] =	ssyncset.done $0x0  }
0x340: {  	s20 =	rddreg [dreg:$0x1c];
	[sflag:s0] =	ssyncadd.s32 $0xFFFF9C00  }
0x341: {  	[hbm4b:s20+s4] =	stream.linear.scatter [tilespmem:s29], [sflag:$0xC], $0x6400, $0x38;
	[tilespmem:$0x1C840] =	vst v63  }
0x342: {  	_ =	swait.ge [sflag:s31], $0x6400  }
0x343: {  	[sflag:s31] =	ssyncset.done $0x0  }
0x344: {  	[sflag:s31] =	ssyncadd.s32 $0xFFFF9C00  }
0x345: {  	_ =	swait.ge [sflag:s1], $0x6400  }
0x346: {  	[sflag:s1] =	ssyncset.done $0x0  }
0x347: {  	[sflag:s1] =	ssyncadd.s32 $0xFFFF9C00  }
0x348: {  	_ =	swait.ge [sflag:s8], $0x6400  }
0x349: {  	[sflag:s8] =	ssyncset.done $0x0  }
0x34a: {  	[sflag:s8] =	ssyncadd.s32 $0xFFFF9C00  }
0x34b: {  	_ =	swait.ge [sflag:s10], $0x6400  }
0x34c: {  	s7 =	rddreg [dreg:$0x1e]  }
0x34d: {  	s24 =	rddreg [dreg:$0x1d];
	s7 =	sadd.s32 $0x1, s7  }
0x34e: {  	p0 =	sne.s32 s7, s24  }
.Ltmp13:
0x34f: {  	_ = 	snop;
	(pc) =	sbr.rel @p0 .LBB2_1-.Ltmp13, $3  }
0x350: {  	_ =	sdelay $0x1  }
0x351: {  	[sflag:s10] =	ssyncset.done $0x0  }
0x352: {  	[sflag:s10] =	ssyncadd.s32 $0xFFFF9C00  }
0x353: {  	_ =	sfence.sel $0x180000  }
0x354: {  	[bflag:$0x0] =	sbarrier.arrive $0xFFFF  }
0x355: {  	_ =	strace $0x90000047  }
0x356: {  	s0 =	stileid.u32;
	[bflag:$0x2] =	sbarrier.arrive $0xFFFF  }
0x357: {  	p0 =	sne.s32 s0, $0x0;
	s0 =	rddreg [dreg:$0x3]  }
0x358: {  	s0 =	sadd.s32 @!p0 $0x100000, s0  }
0x359: {  	[sflag:s0] =	ssyncadd.tile.s32 @!p0 $0x1;
	_ =	shalt  }
.Lfunc_end2:
_tile_overlayer_lowered:
.L_overlay_start_2:
0x35a: {  	(tag) =	ssettag $0x2  }
0x35b: {  	s0 =	rddreg [dreg:$0x0];
	s2 =	stileid.u32  }
0x35c: {  	s1 =	rddreg [dreg:$0x1];
	p0 =	sne.s32 s2, $0x0  }
0x35d: {  	s3 =	rddreg [dreg:$0x2];
	[bflag:$0x3] =	sbarrier.arrive $0xFFFF;
	s2 =	simm.s32 @!p0 $0x1C0D  }
0x35e: {  	[timem:s3], [sflag:s2] =	dma.local @!p0 [hbm:s0], s1  }
0x35f: {  	s0 =	simm.s32 @!p0 $0xD  }
0x360: {  	_ =	swait.ge @!p0 [sflag:s0], s1  }
0x361: {  	s1 =	ssub.s32 @!p0 $0x0, s1;
	[sflag:s0] =	ssyncset.done @!p0 $0x0  }
0x362: {  	[sflag:s0] =	ssyncadd.s32 @!p0 s1  }
0x363: {  	[bflag:$0x3] =	sbarrier.arrive $0xFFFF  }
0x364: {  	_ =	shalt  }

// kernel: sparse-core-data-format-call.cloned.1.call-start
scs
called_computation_lowered:
.L_overlay_start_0:
0x0: {  	s2 =	sld [smem:$0x3FD9]  }
0x1: {  	s3 =	sld [smem:$0x3FFE];
	_ =	sdelay $0x1  }
0x2: {  	s1 =	srdreg.scid  }
0x3: {  	s0 =	sand.u32 $0x1, s1  }
0x4: {  	s18 =	sshll.u32 s0, $0xA;
	s2 =	sadd.s32 s3, s2  }
0x5: {  	s2 =	sadd.s32 s2, s18  }
0x6: {  	[smem:$0x3FC5] =	sst s2  }
0x7: {  	_ = 	snop  }
0x8: {  	s2 =	sld [smem:$0x3FD0];
	(tm) =	ssettm $0x1  }
0x9: {  	s19 =	sld [smem:$0x3FFB];
	_ =	sdelay $0x3  }
0xa: {  	_ =	strace s19  }
0xb: {  	s3 =	sld [smem:$0x3FFC];
	_ =	sdelay $0x3  }
0xc: {  	_ =	strace s3  }
0xd: {  	s3 =	sld [smem:$0x3FFD];
	_ =	sdelay $0x3  }
0xe: {  	_ =	strace s3  }
0xf: {  	_ =	strace $0x8FFFFFFF  }
0x10: {  	s20 =	sld [smem:$0x3FDB];
	_ =	sdelay $0x1  }
0x11: {  	s4 =	simm.s32 $_scs_section_size  }
0x12: {  	s5 =	simm.s32 $_size__tile_overlayer_lowered;
	s6 =	simm.s32 $_tile_overlayer_lowered  }
0x13: {  	s23 =	simm.s32 $0x1BFF;
	s22 =	sshll.u32 s6, $0x1;
	s3 =	sadd.s32 s4, s20  }
0x14: {  	s7 =	simm.s32 $0x0;
	s21 =	sshll.u32 s5, $0x1;
	s5 =	sadd.s32 s22, s3  }
0x15: {  	[timem:s7], [sflag:s23] =	dma.local [hbm:s5], s21  }
0x16: {  	_ =	swait.ge [sflag:s23], s21  }
0x17: {  	s4 =	ssub.s32 $0x0, s21;
	[sflag:s23] =	ssyncset.done $0x0  }
0x18: {  	[sflag:s23] =	ssyncadd.s32 s4;
	_ =	sdelay $0x1  }
0x19: {  	s24 =	simm.s32 $0x1B8B  }
0x1a: {  	_ =	swait.ge [sflag:s24], $0x1  }
0x1b: {  	[sflag:s24] =	ssyncset.done $0x0  }
0x1c: {  	s26 =	simm.s32 $0x1B8E;
	s25 =	sld [smem:$0x3FFE];
	[sflag:s24] =	ssyncadd.s32 $0xFFFFFFFF  }
0x1d: {  	s27 =	simm.s32 $execute0_lowered;
	[smem:$0x3FD2] =	sst s26  }
0x1e: {  	s5 =	sshll.u32 s27, $0x1;
	_ =	strace $0x80000049;
	[dreg:$0x1] =	wrdreg $0xFFFFFFFF  }
0x1f: {  	s28 =	simm.s32 $_size_execute0_lowered;
	s3 =	sadd.s32 s3, s5;
	[dreg:$0x0] =	wrdreg $0x0  }
0x20: {  	s5 =	sshll.u32 s28, $0x1;
	[dreg:$0x2] =	wrdreg s3  }
0x21: {  	[dreg:$0x3] =	wrdreg s5  }
0x22: {  	[dreg:$0x4] =	wrdreg $0xC0  }
0x23: {  	_ =	task [dreg:s7], $0x5FFFF  }
0x24: {  	[dreg:$0x1] =	wrdreg $0xFFFFFFFF  }
0x25: {  	[dreg:$0x0] =	wrdreg $0x60  }
0x26: {  	[dreg:$0x2] =	wrdreg s25  }
0x27: {  	[dreg:$0x3] =	wrdreg s2  }
0x28: {  	[dreg:$0x4] =	wrdreg $0x9  }
0x29: {  	_ =	task.clear_ibuf [dreg:s7], $0x5FFFF;
	_ =	strace $0x90000049  }
0x2a: {  	s29 =	simm.s32 $0x9;
	_ =	strace $0x8000004B  }
0x2b: {  	_ =	swait.ge [sflag:s29], $0x1  }
0x2c: {  	[sflag:s29] =	ssyncadd.s32 $0xFFFFFFFF  }
0x2d: {  	_ =	strace $0x9000004B  }
0x2e: {  	_ =	sfence  }
0x2f: {  	s30 =	sld [smem:$0x0];
	_ =	sdelay $0x2  }
0x30: {  	s31 =	sshll.u32 s1, $0xD;
	s1 =	sshrl.u32 s1, $0x2  }
0x31: {  	s3 =	sand.u32 $0x4000, s31;
	s1 =	sadd.s32 s1, s30  }
0x32: {  	s0 =	sor.u32 s3, s0;
	s1 =	sshll.u32 s1, $0x11  }
0x33: {  	s0 =	sor.u32 s1, s0  }
0x34: {  	s0 =	sadd.s32 $0x8F2B, s0  }
0x35: {  	[sflag:s0] =	ssyncadd.remote.s32 $0x1  }
0x36: {  	_ =	sfence.sel $0xFFFF  }
0x37: {  	[dreg:$0x0] =	wrdreg $0xFFFFFFFF;
	(pc) =	sbr.abs _section_cstart, $3  }
0x38: {  	[dreg:$0x1] =	wrdreg $0xFFFFFFFF  }
0x39: {  	_ =	task.clear_ibuf [dreg:s7], $0x2FFFF;
	_ =	strace $0x9FFFFFFF  }
0x3a: {  	(tm) =	ssettm $0x7FFFFFFF  }
0x3b: {  	_ =	shalt  }
tec
execute0_lowered:
.L_overlay_start_1:
0x0: {  	(tag) =	ssettag $0x1  }
0x1: {  	s0 =	srdreg.scid  }
0x2: {  	s1 =	sshll.u32 s0, $0x4  }
0x3: {  	s4 =	rddreg [dreg:$0x0];
	s0 =	stileid.u32;
	s1 =	sand.u32 $0x10, s1  }
0x4: {  	s2 =	rddreg [dreg:$0x1];
	s7 =	simm.s32 $0x1;
	s1 =	sor.u32 s0, s1  }
0x5: {  	s8 =	simm.s32 $0x2;
	s11 =	simm.s32 $0x0;
	s3 =	sshll.u32 s1, $0x7  }
0x6: {  	s10 =	simm.s32 $0x0;
	s4 =	sadd.s32 $0x800, s4;
	s6 =	ssub.s32 $0xC8000, s3  }
.Ltmp0:
0x7: {  	s1 =	rddreg [dreg:$0x2];
	s5 =	sand.u32 $0xF80, s6;
	(pc) =	sbr.rel .LBB1_1-.Ltmp0, $4  }
0x8: {  	_ =	strace $0x8000004A;
	s9 =	smov.u32 s3;
	p0 =	sne.s32 s5, $0x0  }
0x9: {  	s6 =	sshrl.u32 s6, $0xC;
	s5 =	simm.s32 $0x1;
	s7 =	simm.s32 @!p0 $0x0  }
0xa: {  	[sflag:s5] =	ssyncpa.u1 $0x0;
	p0 =	por $0x0, $0x0;
	s6 =	sadd.s32 s7, s6  }
0xb: {  	[sflag:s8] =	ssyncpa.u1 $0x0;
	s8 =	simm.s32 $0x640000;
	s7 =	sadd.s32 $0x1, s6  }
.LBB1_4:
0xc: {  	s14 =	sshll.u32 s11, $0x3  }
0xd: {  	s30 =	sand.u32 $0x7F, s11;
	s15 =	sand.u32 $0xFFFFFC00, s14  }
0xe: {  	s11 =	sor.u32 s30, s15  }
0xf: {  	s15 =	smulhi.u32 $0x51EB851F, s11  }
0x10: {  	s14 =	smulhi.u32 $0x51EB851F, s14  }
0x11: {  	s15 =	sshrl.u32 s15, $0x12  }
0x12: {  	s14 =	sshrl.u32 s14, $0x12;
	s15 =	smul.u32 $0xC8000, s15  }
0x13: {  	s14 =	sand.u32 $0x3F, s14  }
0x14: {  	s14 =	smul.u32 $0x19000, s14;
	s11 =	ssub.s32 s11, s15  }
0x15: {  	[tilespmem:s13+$0x810 ss:$0x81] =	vst.msk $0xffff, v2;
	s15 =	sand.u32 $0x7, s11  }
0x16: {  	[tilespmem:s13+$0x1020 ss:$0x81] =	vst.msk $0xffff, v0;
	s14 =	sadd.s32 s2, s14;
	s11 =	sshrl.u32 s11, $0x3;
	s15 =	sshll.u32 s15, $0x12  }
0x17: {  	[tilespmem:s13+$0x0 ss:$0x81] =	vst.msk $0xffff, v1;
	s11 =	sadd.s32 s11, s14;
	s31 =	sor.u32 $0x400, s15  }
0x18: {  	[hbm4b:s11+s31] =	stream.strided.scatter [tilespmem:s12], [sflag:$0x2], $0x2000, s8, s31, $0x20;
	[tilespmem:$0x8080] =	vst v63  }
.LBB1_5:
0x19: {  	s13 =	sadd.s32 $0x1000, s9  }
0x1a: {  	p2 =	sgt.s32 s13, $0xC7FFF  }
0x1b: {  	s13 =	smov.u32 @p2 s3;
	p2 =	sne.s32 s10, s7  }
.Ltmp1:
0x1c: {  	p1 =	slt.u32 s10, $0x2;
	(pc) =	sbr.rel @!p2 .LBB1_6-.Ltmp1, $4  }
0x1d: {  	s12 =	simm.s32 @!p1 $0x2  }
0x1e: {  	s14 =	sadd.s32 $0x1, s10;
	_ =	swait.ge @!p1 [sflag:s12], $0x2000  }
0x1f: {  	s11 =	smov.u32 s9;
	p0 =	por !p0, !p0;
	[sflag:s12] =	ssyncset.done @!p1 $0x0  }
0x20: {  	s10 =	smov.u32 s14;
	s9 =	smov.u32 s13;
	[sflag:s12] =	ssyncadd.s32 @!p1 $0xFFFFE000  }
.LBB1_1:
0x21: {  	p1 =	sge.u32 s10, s6  }
0x22: {  	s12 =	sand.u32 @!p1 $0x1FFFFFF, s9  }
0x23: {  	s13 =	smulhi.u32 @!p1 $0x147AE15, s12;
	_ =	sdelay $0x1  }
0x24: {  	s13 =	sshrl.u32 @!p1 s13, $0xC  }
0x25: {  	s13 =	smul.u32 @!p1 $0xC8000, s13;
	_ =	sdelay $0x1  }
0x26: {  	s31 =	sadd.s32 $0xFFFFFFFF, s10;
	s14 =	sxor.u32 @!p1 $0xFFFFFFFF, s10;
	s12 =	ssub.s32 @!p1 s12, s13  }
0x27: {  	s15 =	simm.s32 @!p1 $0x80;
	s14 =	sshll.u32 @!p1 s14, $0xD;
	s12 =	sshll.u32 @!p1 s12, $0x4  }
0x28: {  	s13 =	sand.u32 @!p1 $0x2000, s14;
	s14 =	simm.s32 @!p1 $0x40;
	s12 =	sadd.s32 @!p1 s4, s12  }
0x29: {  	[tilespmem:s13], [sflag:$0x1] =	stream.strided.gather @!p1 [hbm4b:s12+s14], $0x2000, s15, s14, $0x38;
	[tilespmem:$0x8080] =	vst v63  }
0x2a: {  	p1 =	sge.u32 s31, s6  }
.Ltmp2:
0x2b: {  	_ = 	snop;
	(pc) =	sbr.rel @p1 .LBB1_5-.Ltmp2, $1  }
0x2c: {  	_ =	sdelay $0x3  }
0x2d: {  	s12 =	simm.s32 $0x1  }
0x2e: {  	_ =	swait.ge [sflag:s5], $0x2000;
	s12 =	simm.s32 @!p0 $0x0  }
0x2f: {  	[sflag:s5] =	ssyncset.done $0x0;
	s13 =	sshll.u32 s12, $0xD  }
0x30: {  	[sflag:s5] =	ssyncadd.s32 $0xFFFFE000;
	s16 =	sor.u32 $0x20, s13  }
0x31: {  	s12 =	smul.u32 $0x8100, s12;
	v3 =	vld [tilespmem:s16+$0x10]  }
0x32: {  	s30 =	sand.u32 $0x1, s10;
	v2 =	vld [tilespmem:s16+$0xFFFFFFF0]  }
0x33: {  	s13 =	smul.u32 $0x8100, s30;
	s12 =	sshrl.u32 s12, $0x2;
	v0 =	vld [tilespmem:s16+$0x0]  }
0x34: {  	v1 =	vld [tilespmem:s16+$0xFFFFFFE0];
	s14 =	sor.u32 $0x4000, s12  }
0x35: {  	s31 =	sshrl.u32 s13, $0x2;
	s13 =	sadd.s32 $0x0, s14  }
0x36: {  	s15 =	simm.s32 $0x4;
	s16 =	sadd.s32 $0x40, s16;
	s12 =	sor.u32 $0x4000, s31;
	[tilespmem:s13+$0x1830 ss:$0x81] =	vst.msk $0xffff, v3  }
.LBB1_3:
0x37: {  	v3 =	vld [tilespmem:s16+$0x10];
	p1 =	sne.s32 s15, $0x1FC;
	[tilespmem:s13+$0x810 ss:$0x81] =	vst.msk $0xffff, v2;
	s17 =	smov.u32 s15;
	s15 =	sadd.s32 $0x4, s15  }
.Ltmp3:
0x38: {  	v2 =	vld [tilespmem:s16+$0xFFFFFFF0];
	[tilespmem:s13+$0x1020 ss:$0x81] =	vst.msk $0xffff, v0;
	(pc) =	sbr.rel @p1 .LBB1_3-.Ltmp3, $4  }
0x39: {  	v0 =	vld [tilespmem:s16+$0x0];
	[tilespmem:s13+$0x0 ss:$0x81] =	vst.msk $0xffff, v1  }
0x3a: {  	s13 =	sshra.s32 s17, $0x2;
	v1 =	vld [tilespmem:s16+$0xFFFFFFE0]  }
0x3b: {  	s13 =	sadd.s32 s13, s14  }
0x3c: {  	s16 =	sadd.s32 $0x40, s16;
	[tilespmem:s13+$0x1830 ss:$0x81] =	vst.msk $0xffff, v3  }
.Ltmp4:
0x3d: {  	_ = 	snop;
	(pc) =	sbr.rel .LBB1_4-.Ltmp4, $1  }
0x3e: {  	_ =	sdelay $0x3  }
.LBB1_6:
0x3f: {  	_ =	sfence.sel $0x180000  }
0x40: {  	s2 =	simm.s32 $0x1;
	[bflag:$0x0] =	sbarrier.arrive $0xFFFF  }
0x41: {  	s31 =	simm.s32 $0x2;
	[sflag:s2] =	ssyncpa.u1 $0x1  }
0x42: {  	[sflag:s31] =	ssyncpa.u1 $0x1  }
0x43: {  	p0 =	sne.s32 s0, $0x0;
	_ =	strace $0x9000004A  }
0x44: {  	s0 =	sadd.s32 @!p0 $0x100000, s1;
	[bflag:$0x2] =	sbarrier.arrive $0xFFFF  }
0x45: {  	[sflag:s0] =	ssyncadd.tile.s32 @!p0 $0x1;
	_ =	shalt  }
.Lfunc_end1:
_tile_overlayer_lowered:
.L_overlay_start_2:
0x46: {  	(tag) =	ssettag $0x2  }
0x47: {  	s0 =	rddreg [dreg:$0x0];
	s2 =	stileid.u32  }
0x48: {  	s1 =	rddreg [dreg:$0x1];
	p0 =	sne.s32 s2, $0x0  }
0x49: {  	s3 =	rddreg [dreg:$0x2];
	[bflag:$0x3] =	sbarrier.arrive $0xFFFF;
	s2 =	simm.s32 @!p0 $0x1C01  }
0x4a: {  	[timem:s3], [sflag:s2] =	dma.local @!p0 [hbm:s0], s1  }
0x4b: {  	s0 =	simm.s32 @!p0 $0x1  }
0x4c: {  	_ =	swait.ge @!p0 [sflag:s0], s1  }
0x4d: {  	s1 =	ssub.s32 @!p0 $0x0, s1;
	[sflag:s0] =	ssyncset.done @!p0 $0x0  }
0x4e: {  	[sflag:s0] =	ssyncadd.s32 @!p0 s1  }
0x4f: {  	[bflag:$0x3] =	sbarrier.arrive $0xFFFF  }
0x50: {  	_ =	shalt  }

</sc_bundles>
